<compile_context>
chip_gen: v7x
topology: tpu7x:2x2x1
jax: 0.10.2.dev20260603
libtpu: 0.0.44.dev20260713+nightly
codegen_flags: <defaults>
</compile_context>

<pallas_src>
import functools

import jax
import jax.numpy as jnp
from jax import lax
from jax.experimental import pallas as pl
from jax.experimental.pallas import tpu as pltpu
from jax.experimental.pallas import tpu_sc as plsc

B, T, D_IN, D_EMB = 16, 512, 1024, 512
VERB_C, NOUN_C = 512, 1024
NUM_VERBS, NUM_NOUNS = 10, 20

_F32 = jnp.float32
_HI = jax.lax.Precision.HIGHEST


def _dot(a, b, precision=None):
    return jax.lax.dot_general(a, b, (((1,), (0,)), ((), ())),
                               preferred_element_type=_F32,
                               precision=precision)


def _first_argmax_axis0(v, sentinel):
    st = jax.lax.broadcasted_iota(jnp.int32, v.shape, 0)
    m = jnp.max(v, axis=0, keepdims=True)
    return jnp.min(jnp.where(v == m, st, sentinel), axis=0, keepdims=True)


def _topk_mean(vm, kf):
    C = vm.shape[1]
    lo0 = jnp.zeros((1, C), _F32)
    hi0 = jnp.full((1, C), 1.01, _F32)

    def it(_, carry):
        lo, hi = carry
        mid = (lo + hi) * 0.5
        cnt = jnp.sum(jnp.where(vm >= mid, 1.0, 0.0), axis=0, keepdims=True)
        ge = cnt >= kf
        return jnp.where(ge, mid, lo), jnp.where(ge, hi, mid)

    lo, hi = jax.lax.fori_loop(0, 21, it, (lo0, hi0))
    incl = vm >= lo
    s = jnp.sum(jnp.where(incl, vm, 0.0), axis=0, keepdims=True)
    cge = jnp.sum(jnp.where(incl, 1.0, 0.0), axis=0, keepdims=True)
    return (s - (cge - kf) * lo) / kf


def _top_channels(vals, n, npad):
    C = vals.shape[1]
    li = jax.lax.broadcasted_iota(jnp.int32, (1, C), 1)
    pi = jax.lax.broadcasted_iota(jnp.int32, (1, npad), 1)
    sel = jnp.zeros((1, npad), jnp.int32)
    v = vals
    for j in range(n):
        m = jnp.max(v, axis=1, keepdims=True)
        idx = jnp.min(jnp.where(v == m, li, C), axis=1, keepdims=True)
        sel = jnp.where(pi == j, idx, sel)
        v = jnp.where(li == idx, -jnp.float32(jnp.inf), v)
    return sel


def _body(lens_ref, x_ref, w0_ref, b0_ref, w1_ref, b1_ref, w2_ref, b2_ref,
          w0a_ref, ab0_ref, wv_ref, cvb_ref, bvg_ref, bvb_ref,
          wn_ref, cnb_ref, bng_ref, bnb_ref,
          s1a_ref, s1b_ref, s2a_ref, s2b_ref,
          e1o_ref, e2o_ref, e1s_ref, e2s_ref, sent_ref, ilv_ref, iln_ref,
          tiv_ref, tin_ref, s1o_ref, s2o_ref, i5_ref, i3_ref):
    i = pl.program_id(0)
    L = lens_ref[i]

    x = x_ref[0]
    e1 = _dot(x, w1_ref[...]) + b1_ref[...]
    e2 = _dot(x, w2_ref[...]) + b2_ref[...]
    e1o_ref[0] = e1
    e2o_ref[0] = e2
    e1s_ref[0] = e1.reshape(T * 4, 128)
    e2s_ref[0] = e2.reshape(T * 4, 128)

    ti = jax.lax.broadcasted_iota(jnp.int32, (T, 1), 0)
    s = _dot(x, w0a_ref[...]) + ab0_ref[0, 0]
    s = jnp.where(ti >= L, -1e18, s)
    m = jnp.max(s, axis=0, keepdims=True)
    ex = jnp.exp(s - m)
    att = ex / jnp.sum(ex, axis=0, keepdims=True)
    xa = jax.lax.dot_general(att, x, (((0,), (0,)), ((), ())),
                             preferred_element_type=_F32)
    sent_ref[0] = _dot(xa, w0_ref[...]) + b0_ref[...]

    mean1 = jnp.mean(e1, axis=0, keepdims=True)
    sc1 = jax.nn.sigmoid(_dot(jax.nn.relu(_dot(mean1, s1a_ref[...])),
                              s1b_ref[...]))
    mean2 = jnp.mean(e2, axis=0, keepdims=True)
    sc2 = jax.nn.sigmoid(_dot(jax.nn.relu(_dot(mean2, s2a_ref[...])),
                              s2b_ref[...]))
    s1o_ref[0] = sc1
    s2o_ref[0] = sc2

    zpad = jnp.zeros((2, D_EMB), _F32)
    e1p = jnp.concatenate([zpad, e1, zpad], axis=0)
    acc = _dot(jax.lax.slice(e1p, (0, 0), (T, D_EMB)), wv_ref[0])
    for j in range(1, 5):
        acc = acc + _dot(jax.lax.slice(e1p, (j, 0), (j + T, D_EMB)), wv_ref[j])
    lv = jax.nn.sigmoid(acc * bvg_ref[...]
                        + (cvb_ref[...] * bvg_ref[...] + bvb_ref[...]))

    lnl = jax.nn.sigmoid(_dot(e2, wn_ref[...]) * bng_ref[...]
                         + (cnb_ref[...] * bng_ref[...] + bnb_ref[...]))

    valid = ti < L
    k = jnp.clip((L + 7) // 8 - 2, 0, 62) + 2
    kf = k.astype(_F32)

    ilv = _topk_mean(jnp.where(valid, lv, -1.0), kf)
    iln = _topk_mean(jnp.where(valid, lnl, -1.0), kf)
    ilv_ref[0] = ilv
    iln_ref[0] = iln

    tiv = _top_channels(ilv, NUM_VERBS, 16)
    tin = _top_channels(iln, NUM_NOUNS, 32)
    tiv_ref[0] = tiv
    tin_ref[0] = tin

    base = i * T

    lvf = jnp.where(valid, lv, -1e30)
    ohv = (jax.lax.broadcasted_iota(jnp.int32, (VERB_C, 16), 0)
           == tiv).astype(_F32)
    gvt = _dot(lvf, ohv, _HI)
    indv = _first_argmax_axis0(gvt, T)

    lane16 = jax.lax.broadcasted_iota(jnp.int32, (1, 16), 1)
    mx = jnp.max(jnp.where(lane16 < NUM_VERBS, indv, -1))
    mn = jnp.min(jnp.where(lane16 < NUM_VERBS, indv, jnp.int32(2**30)))
    cond = jnp.logical_and(mx + 2 < L, mn > 1)

    rows5 = [jnp.where(cond, jnp.clip(indv + off, 0, T - 1), indv) + base
             for off in range(-2, 3)]
    i5_ref[0] = jnp.concatenate(rows5, axis=0)

    lnf = jnp.where(valid, lnl, -1e30)
    ohn = (jax.lax.broadcasted_iota(jnp.int32, (NOUN_C, 32), 0)
           == tin).astype(_F32)
    gnt = _dot(lnf, ohn, _HI)
    tt32 = jax.lax.broadcasted_iota(jnp.int32, (T, 32), 0)
    rows3 = []
    v = gnt
    for _ in range(3):
        idx = _first_argmax_axis0(v, T)
        rows3.append(idx + base)
        v = jnp.where(tt32 == idx, -1e30, v)
    i3_ref[0] = jnp.concatenate(rows3, axis=0)


NW = 32
VPW = B * NUM_VERBS // NW
NPW = B * NUM_NOUNS // NW


def _sc_gather(e1s, e2s, idxv, idxn, s1s, s2s):
    mesh = plsc.VectorSubcoreMesh(core_axis_name="c", subcore_axis_name="s")

    @functools.partial(
        pl.kernel, mesh=mesh,
        out_type=(jax.ShapeDtypeStruct((NW, VPW * 4, 128), _F32),
                  jax.ShapeDtypeStruct((NW, NPW * 4, 128), _F32)),
        scratch_types=[
            pltpu.VMEM((128,), jnp.int32),
            pltpu.VMEM((128, 128), _F32),
            pltpu.VMEM((B * 4, 128), _F32),
            pltpu.VMEM((B * 4, 128), _F32),
            pltpu.VMEM((VPW * 4, 128), _F32),
            pltpu.VMEM((NPW * 4, 128), _F32),
            pltpu.SemaphoreType.DMA,
        ],
    )
    def k(e1_hbm, e2_hbm, iv_hbm, in_hbm, s1_hbm, s2_hbm, ov_hbm, on_hbm,
          i_v, g_v, s1_v, s2_v, ov_v, on_v, sem):
        wid = lax.axis_index("s") * 2 + lax.axis_index("c")
        pltpu.sync_copy(s1_hbm, s1_v)
        pltpu.sync_copy(s2_hbm, s2_v)

        pltpu.sync_copy(iv_hbm.at[pl.ds(wid * 128, 128)], i_v)
        pltpu.async_copy(e1_hbm.at[i_v], g_v, sem).wait()

        @pl.loop(0, VPW)
        def _(r):
            samp = (wid * VPW + r) // NUM_VERBS
            for t in range(4):
                @pl.loop(0, 128, step=16)
                def _(c):
                    sl = pl.ds(c, 16)
                    acc = (g_v[r * 20 + t, sl] + g_v[r * 20 + 4 + t, sl]
                           + g_v[r * 20 + 8 + t, sl]
                           + g_v[r * 20 + 12 + t, sl]
                           + g_v[r * 20 + 16 + t, sl])
                    ov_v[r * 4 + t, sl] = acc * s1_v[samp * 4 + t, sl] * 0.2

        pltpu.sync_copy(ov_v, ov_hbm.at[wid])

        pltpu.sync_copy(in_hbm.at[pl.ds(wid * 128, 128)], i_v)
        pltpu.async_copy(e2_hbm.at[i_v], g_v, sem).wait()

        @pl.loop(0, NPW)
        def _(r):
            samp = (wid * NPW + r) // NUM_NOUNS
            for t in range(4):
                @pl.loop(0, 128, step=16)
                def _(c):
                    sl = pl.ds(c, 16)
                    acc = (g_v[r * 12 + t, sl] + g_v[r * 12 + 4 + t, sl]
                           + g_v[r * 12 + 8 + t, sl])
                    on_v[r * 4 + t, sl] = (acc * s2_v[samp * 4 + t, sl]
                                           * (1.0 / 3.0))

        pltpu.sync_copy(on_v, on_hbm.at[wid])

    return k(e1s, e2s, idxv, idxn, s1s, s2s)


def _expand_idx(rows, g):
    R = rows.shape[0]
    j4 = rows[:, :, None] * 4 + jnp.arange(4, dtype=jnp.int32)[None, None, :]
    per_w = (R // NW) * g * 4
    jw = j4.reshape(NW, per_w)
    pad = jnp.zeros((NW, 128 - per_w), jnp.int32)
    return jnp.concatenate([jw, pad], axis=1).reshape(-1)


@jax.jit
def kernel(inputs, input_lens, lvl_W0, lvl_b0, lvl_W1, lvl_b1, lvl_W2, lvl_b2,
           attn_W, attn_b, conv_v_W, conv_v_b, bn_v_g, bn_v_b,
           conv_n_W, conv_n_b, bn_n_g, bn_n_b,
           se1_W1, se1_W2, se2_W1, se2_W2):
    lens = input_lens.astype(jnp.int32)
    w0t = lvl_W0.T
    w1t = lvl_W1.T
    w2t = lvl_W2.T
    wvt = jnp.transpose(conv_v_W, (2, 1, 0))
    wnt = conv_n_W[:, :, 0].T
    awt = attn_W.T
    w0a = jnp.dot(w0t, awt, precision=jax.lax.Precision.HIGHEST)
    ab0 = (jnp.dot(lvl_b0, awt, precision=jax.lax.Precision.HIGHEST)
           + attn_b).reshape(1, 1)

    row = lambda a: a.reshape(1, -1)

    const = lambda shape: pl.BlockSpec(shape, lambda i: (0,) * len(shape))
    in_specs = [
        pl.BlockSpec(memory_space=pltpu.SMEM),
        pl.BlockSpec((1, T, D_IN), lambda i: (i, 0, 0)),
        const((D_IN, D_EMB)), const((1, D_EMB)),
        const((D_IN, D_EMB)), const((1, D_EMB)),
        const((D_IN, D_EMB)), const((1, D_EMB)),
        const((D_IN, 1)), const((1, 1)),
        const((5, D_EMB, VERB_C)), const((1, VERB_C)),
        const((1, VERB_C)), const((1, VERB_C)),
        const((D_EMB, NOUN_C)), const((1, NOUN_C)),
        const((1, NOUN_C)), const((1, NOUN_C)),
        const((D_EMB, 32)), const((32, D_EMB)),
        const((D_EMB, 32)), const((32, D_EMB)),
    ]
    out_shape = [
        jax.ShapeDtypeStruct((B, T, D_EMB), _F32),
        jax.ShapeDtypeStruct((B, T, D_EMB), _F32),
        jax.ShapeDtypeStruct((B, T * 4, 128), _F32),
        jax.ShapeDtypeStruct((B, T * 4, 128), _F32),
        jax.ShapeDtypeStruct((B, 1, D_EMB), _F32),
        jax.ShapeDtypeStruct((B, 1, VERB_C), _F32),
        jax.ShapeDtypeStruct((B, 1, NOUN_C), _F32),
        jax.ShapeDtypeStruct((B, 1, 16), jnp.int32),
        jax.ShapeDtypeStruct((B, 1, 32), jnp.int32),
        jax.ShapeDtypeStruct((B, 1, D_EMB), _F32),
        jax.ShapeDtypeStruct((B, 1, D_EMB), _F32),
        jax.ShapeDtypeStruct((B, 5, 16), jnp.int32),
        jax.ShapeDtypeStruct((B, 3, 32), jnp.int32),
    ]
    out_specs = [
        pl.BlockSpec((1, T, D_EMB), lambda i: (i, 0, 0)),
        pl.BlockSpec((1, T, D_EMB), lambda i: (i, 0, 0)),
        pl.BlockSpec((1, T * 4, 128), lambda i: (i, 0, 0)),
        pl.BlockSpec((1, T * 4, 128), lambda i: (i, 0, 0)),
        pl.BlockSpec((1, 1, D_EMB), lambda i: (i, 0, 0)),
        pl.BlockSpec((1, 1, VERB_C), lambda i: (i, 0, 0)),
        pl.BlockSpec((1, 1, NOUN_C), lambda i: (i, 0, 0)),
        pl.BlockSpec((1, 1, 16), lambda i: (i, 0, 0)),
        pl.BlockSpec((1, 1, 32), lambda i: (i, 0, 0)),
        pl.BlockSpec((1, 1, D_EMB), lambda i: (i, 0, 0)),
        pl.BlockSpec((1, 1, D_EMB), lambda i: (i, 0, 0)),
        pl.BlockSpec((1, 5, 16), lambda i: (i, 0, 0)),
        pl.BlockSpec((1, 3, 32), lambda i: (i, 0, 0)),
    ]

    outs = pl.pallas_call(
        _body,
        grid=(B,),
        in_specs=in_specs,
        out_specs=out_specs,
        out_shape=out_shape,
        compiler_params=pltpu.CompilerParams(
            dimension_semantics=("parallel",)),
    )(lens, inputs, w0t, row(lvl_b0), w1t, row(lvl_b1), w2t, row(lvl_b2),
      w0a, ab0, wvt, row(conv_v_b), row(bn_v_g), row(bn_v_b),
      wnt, row(conv_n_b), row(bn_n_g), row(bn_n_b),
      se1_W1.T, se1_W2.T, se2_W1.T, se2_W2.T)

    (e1o, e2o, e1s, e2s, sent, ilv, iln, tiv, tin, s1o, s2o, i5o, i3o) = outs

    rows5 = jnp.transpose(i5o, (0, 2, 1))[:, :NUM_VERBS, :].reshape(
        B * NUM_VERBS, 5)
    rows3 = jnp.transpose(i3o, (0, 2, 1))[:, :NUM_NOUNS, :].reshape(
        B * NUM_NOUNS, 3)
    ov, on = _sc_gather(e1s.reshape(B * T * 4, 128),
                        e2s.reshape(B * T * 4, 128),
                        _expand_idx(rows5, 5), _expand_idx(rows3, 3),
                        s1o.reshape(B * 4, 128), s2o.reshape(B * 4, 128))

    return (sent[:, 0, :], ov.reshape(B, NUM_VERBS, D_EMB),
            on.reshape(B, NUM_NOUNS, D_EMB), e1o, e2o,
            ilv[:, 0, :], iln[:, 0, :],
            tiv[:, 0, :NUM_VERBS], tin[:, 0, :NUM_NOUNS])

# --- scband reference (transcript-rebuilt; emitter-appended) ---
"""Pipeline reference for scband-multilevel-encoder-36352603193532 (READ-ONLY COPY).

The authoritative reference and input builder live on the scoring server;
editing this copy changes nothing except your own understanding.
"""

import jax, jax.numpy as jnp
import numpy as np

B, T, D_IN, D_EMB = 16, 512, 1024, 512
VERB_C, NOUN_C = 512, 1024
NUM_VERBS, NUM_NOUNS = 10, 20

def _linear(x, W, b):
    return x @ W.T + b

def _conv1d(x, W, b, pad):
    out = jax.lax.conv_general_dilated(x, W, (1,), [(pad, pad)], dimension_numbers=('NCH', 'OIH', 'NCH'))
    return out + b[None, :, None]

def _bn_eval(x, g, bt):
    # eval-mode BatchNorm1d with running_mean=0, running_var=1
    return x * g[None, :, None] + bt[None, :, None]

def _se(x, W1, W2):
    y = jnp.mean(x, axis=2)
    y = jax.nn.relu(y @ W1.T)
    y = jax.nn.sigmoid(y @ W2.T)
    return x * y[:, :, None]

def _forward(inputs, lens, lvl_W0, lvl_b0, lvl_W1, lvl_b1, lvl_W2, lvl_b2, attn_W, attn_b, conv_v_W, conv_v_b, bn_v_g, bn_v_b, conv_n_W, conv_n_b, bn_n_g, bn_n_b, se1_W1, se1_W2, se2_W1, se2_W2):
    embeds = [_linear(inputs, lvl_W0, lvl_b0), _linear(inputs, lvl_W1, lvl_b1), _linear(inputs, lvl_W2, lvl_b2)]
    attn_scores = (embeds[0] @ attn_W.T + attn_b)[..., 0]
    pad_mask = jnp.arange(T)[None, :] >= lens[:, None]
    attn_scores = jnp.where(pad_mask, -1e18, attn_scores)
    attn = jax.nn.softmax(attn_scores, axis=1)
    sent_embeds = jnp.sum(embeds[0] * attn[:, :, None], axis=1)
    embeds_re1 = jnp.transpose(embeds[1], (0, 2, 1))
    embeds_re11 = jnp.transpose(_se(embeds_re1, se1_W1, se1_W2), (0, 2, 1))
    logits_verb = jax.nn.sigmoid(_bn_eval(_conv1d(embeds_re1, conv_v_W, conv_v_b, 2), bn_v_g, bn_v_b))
    logits_verb = jnp.transpose(logits_verb, (0, 2, 1))
    embeds_re2 = jnp.transpose(embeds[2], (0, 2, 1))
    embeds_re22 = jnp.transpose(_se(embeds_re2, se2_W1, se2_W2), (0, 2, 1))
    logits_noun = jax.nn.sigmoid(_bn_eval(_conv1d(embeds_re2, conv_n_W, conv_n_b, 0), bn_n_g, bn_n_b))
    logits_noun = jnp.transpose(logits_noun, (0, 2, 1))
    kk = (lens + 7) // 8
    time_ids = jnp.arange(T)
    topk_mean_branches = [lambda x, k=k: jnp.mean(jax.lax.top_k(x, k)[0], axis=1) for k in range(2, 65)]
    ilv, iln = [], []
    for i in range(B):
        valid = time_ids < lens[i]
        mv = jnp.where(valid[None, :], logits_verb[i].T, -jnp.inf)
        mn = jnp.where(valid[None, :], logits_noun[i].T, -jnp.inf)
        idx = jnp.clip(kk[i] - 2, 0, 62)
        ilv.append(jax.lax.switch(idx, topk_mean_branches, mv))
        iln.append(jax.lax.switch(idx, topk_mean_branches, mn))
    instance_logits_verb = jnp.stack(ilv)
    instance_logits_noun = jnp.stack(iln)
    top_idx_verb = jax.lax.top_k(instance_logits_verb, NUM_VERBS)[1]
    top_idx_noun = jax.lax.top_k(instance_logits_noun, NUM_NOUNS)[1]
    ev, en = [], []
    for i in range(B):
        valid = time_ids < lens[i]
        lv = jnp.where(valid[:, None], logits_verb[i], -jnp.inf)[:, top_idx_verb[i]]
        ind = jnp.argmax(lv, axis=0)
        cond = (jnp.max(ind) + 2 < lens[i]) & (jnp.min(ind) > 1)
        g = lambda off: embeds_re11[i][jnp.clip(ind + off, 0, T - 1)]
        emb_win = (g(-2) + g(-1) + g(0) + g(1) + g(2)) / 5.0
        emb_single = embeds_re11[i][ind]
        ev.append(jnp.where(cond, emb_win, emb_single))
        ln = jnp.where(valid[:, None], logits_noun[i], -jnp.inf)[:, top_idx_noun[i]]
        ind3 = jax.lax.top_k(ln.T, 3)[1]
        emb3 = (embeds_re22[i][ind3[:, 0]] + embeds_re22[i][ind3[:, 1]] + embeds_re22[i][ind3[:, 2]]) / 3.0
        emb1 = embeds_re22[i][jnp.argmax(ln, axis=0)]
        emb = jnp.where(lens[i] > 2, emb3, emb1)
        en.append(emb)
    embeds_verb = jnp.stack(ev)
    embeds_noun = jnp.stack(en)
    return (sent_embeds, embeds_verb, embeds_noun, embeds[1], embeds[2], instance_logits_verb, instance_logits_noun, top_idx_verb, top_idx_noun)

def setup_inputs(seed: int = 0):
    key = jax.random.key(seed)
    ks = jax.random.split(key, 20)
    s = 0.02
    inp = {}
    inp['inputs'] = jax.random.normal(ks[0], (B, T, D_IN), jnp.float32)
    inp['input_lens'] = jax.random.randint(ks[1], (B,), 16, T, dtype=jnp.int32)
    inp['lvl_W0'] = jax.random.normal(ks[2], (D_EMB, D_IN), jnp.float32) * s
    inp['lvl_b0'] = jnp.zeros((D_EMB,), jnp.float32)
    inp['lvl_W1'] = jax.random.normal(ks[3], (D_EMB, D_IN), jnp.float32) * s
    inp['lvl_b1'] = jnp.zeros((D_EMB,), jnp.float32)
    inp['lvl_W2'] = jax.random.normal(ks[4], (D_EMB, D_IN), jnp.float32) * s
    inp['lvl_b2'] = jnp.zeros((D_EMB,), jnp.float32)
    inp['attn_W'] = jax.random.normal(ks[5], (1, D_EMB), jnp.float32) * s
    inp['attn_b'] = jnp.zeros((1,), jnp.float32)
    inp['conv_v_W'] = jax.random.normal(ks[6], (VERB_C, D_EMB, 5), jnp.float32) * s
    inp['conv_v_b'] = jnp.zeros((VERB_C,), jnp.float32)
    inp['bn_v_g'] = jnp.ones((VERB_C,), jnp.float32)
    inp['bn_v_b'] = jnp.zeros((VERB_C,), jnp.float32)
    inp['conv_n_W'] = jax.random.normal(ks[7], (NOUN_C, D_EMB, 1), jnp.float32) * s
    inp['conv_n_b'] = jnp.zeros((NOUN_C,), jnp.float32)
    inp['bn_n_g'] = jnp.ones((NOUN_C,), jnp.float32)
    inp['bn_n_b'] = jnp.zeros((NOUN_C,), jnp.float32)
    inp['se1_W1'] = jax.random.normal(ks[8], (D_EMB // 16, D_EMB), jnp.float32) * s
    inp['se1_W2'] = jax.random.normal(ks[9], (D_EMB, D_EMB // 16), jnp.float32) * s
    inp['se2_W1'] = jax.random.normal(ks[10], (D_EMB // 16, D_EMB), jnp.float32) * s
    inp['se2_W2'] = jax.random.normal(ks[11], (D_EMB, D_EMB // 16), jnp.float32) * s
    return inp

def reference(inputs, input_lens, lvl_W0, lvl_b0, lvl_W1, lvl_b1, lvl_W2, lvl_b2, attn_W, attn_b, conv_v_W, conv_v_b, bn_v_g, bn_v_b, conv_n_W, conv_n_b, bn_n_g, bn_n_b, se1_W1, se1_W2, se2_W1, se2_W2):
    lens = jnp.asarray(input_lens)
    return _forward(inputs, lens, lvl_W0, lvl_b0, lvl_W1, lvl_b1, lvl_W2, lvl_b2, attn_W, attn_b, conv_v_W, conv_v_b, bn_v_g, bn_v_b, conv_n_W, conv_n_b, bn_n_g, bn_n_b, se1_W1, se1_W2, se2_W1, se2_W2)

if __name__ == "__main__":
    import jax
    _d = setup_inputs()
    print(jax.jit(kernel)(*tuple(_d.values())))

</pallas_src>

<mosaic_0001>
#map = affine_map<(d0, d1) -> (0, 0)>
#map1 = affine_map<(d0, d1) -> (0)>
#map2 = affine_map<(d0, d1) -> (0, 0, 0)>
module attributes {stable_mosaic.version = 14 : i64} {
  func.func @k(%arg0: i32, %arg1: i32, %arg2: memref<32768x128xf32, #tpu.memory_space<hbm>>, %arg3: memref<32768x128xf32, #tpu.memory_space<hbm>>, %arg4: memref<4096xi32, #tpu.memory_space<hbm>>, %arg5: memref<4096xi32, #tpu.memory_space<hbm>>, %arg6: memref<64x128xf32, #tpu.memory_space<hbm>>, %arg7: memref<64x128xf32, #tpu.memory_space<hbm>>, %arg8: memref<32x20x128xf32, #tpu.memory_space<hbm>>, %arg9: memref<32x40x128xf32, #tpu.memory_space<hbm>>, %arg10: memref<128xi32, #tpu.memory_space<vmem>>, %arg11: memref<128x128xf32, #tpu.memory_space<vmem>>, %arg12: memref<64x128xf32, #tpu.memory_space<vmem>>, %arg13: memref<64x128xf32, #tpu.memory_space<vmem>>, %arg14: memref<20x128xf32, #tpu.memory_space<vmem>>, %arg15: memref<40x128xf32, #tpu.memory_space<vmem>>, %arg16: memref<!tpu.dma_semaphore, #tpu.memory_space<semaphore_mem>>) attributes {dimension_semantics = [#tpu.dimension_semantics<core_parallel>, #tpu.dimension_semantics<subcore_parallel>], iteration_bounds = array<i64: 2, 16>, scalar_prefetch = 0 : i64, scratch_operands = 7 : i64, tpu.core_type = #tpu.core_type<sc_vector_subcore>, window_params = [{transform_indices = #map}, {transform_indices = #map}, {transform_indices = #map1}, {transform_indices = #map1}, {transform_indices = #map}, {transform_indices = #map}, {transform_indices = #map2}, {transform_indices = #map2}]} {
    %mul3A = arith.constant 2 : i32
    %mul3A_0 = arith.muli %arg1, %mul3A : i32
    %add3A = arith.addi %mul3A_0, %arg0 : i32
    "tpu.region"() ({
      %run_scoped3A = tpu.sem_alloc : memref<!tpu.dma_semaphore, #tpu.memory_space<semaphore_mem>>
      tpu.enqueue_dma source(%arg6 : memref<64x128xf32, #tpu.memory_space<hbm>>) target(%arg12 : memref<64x128xf32, #tpu.memory_space<vmem>>) target_semaphore(%run_scoped3A : memref<!tpu.dma_semaphore, #tpu.memory_space<semaphore_mem>>)
      tpu.wait_dma2 semaphore(%run_scoped3A : memref<!tpu.dma_semaphore, #tpu.memory_space<semaphore_mem>>) src(%arg6 : memref<64x128xf32, #tpu.memory_space<hbm>>) dst(%arg12 : memref<64x128xf32, #tpu.memory_space<vmem>>)
      tpu.yield
    }) : () -> ()
    "tpu.region"() ({
      %run_scoped3A = tpu.sem_alloc : memref<!tpu.dma_semaphore, #tpu.memory_space<semaphore_mem>>
      tpu.enqueue_dma source(%arg7 : memref<64x128xf32, #tpu.memory_space<hbm>>) target(%arg13 : memref<64x128xf32, #tpu.memory_space<vmem>>) target_semaphore(%run_scoped3A : memref<!tpu.dma_semaphore, #tpu.memory_space<semaphore_mem>>)
      tpu.wait_dma2 semaphore(%run_scoped3A : memref<!tpu.dma_semaphore, #tpu.memory_space<semaphore_mem>>) src(%arg7 : memref<64x128xf32, #tpu.memory_space<hbm>>) dst(%arg13 : memref<64x128xf32, #tpu.memory_space<vmem>>)
      tpu.yield
    }) : () -> ()
    %mul3A_1 = arith.constant 128 : i32
    %mul3A_2 = arith.muli %add3A, %mul3A_1 : i32
    "tpu.region"() ({
      %run_scoped3A = tpu.sem_alloc : memref<!tpu.dma_semaphore, #tpu.memory_space<semaphore_mem>>
      %dma_start3A_24 = tpu.memref_slice %arg4[%mul3A_2] : memref<4096xi32, #tpu.memory_space<hbm>> -> memref<128xi32, #tpu.memory_space<hbm>>
      %dma_start3A_25 = tpu.memref_slice %arg4[%mul3A_2] : memref<4096xi32, #tpu.memory_space<hbm>> -> memref<128xi32, #tpu.memory_space<hbm>>
      tpu.enqueue_dma source(%dma_start3A_25 : memref<128xi32, #tpu.memory_space<hbm>>) target(%arg10 : memref<128xi32, #tpu.memory_space<vmem>>) target_semaphore(%run_scoped3A : memref<!tpu.dma_semaphore, #tpu.memory_space<semaphore_mem>>)
      %dma_wait3A_26 = tpu.memref_slice %arg4[%mul3A_2] : memref<4096xi32, #tpu.memory_space<hbm>> -> memref<128xi32, #tpu.memory_space<hbm>>
      %dma_wait3A_27 = tpu.memref_slice %arg4[%mul3A_2] : memref<4096xi32, #tpu.memory_space<hbm>> -> memref<128xi32, #tpu.memory_space<hbm>>
      tpu.wait_dma2 semaphore(%run_scoped3A : memref<!tpu.dma_semaphore, #tpu.memory_space<semaphore_mem>>) src(%dma_wait3A_27 : memref<128xi32, #tpu.memory_space<hbm>>) dst(%arg10 : memref<128xi32, #tpu.memory_space<vmem>>)
      tpu.yield
    }) : () -> ()
    %dma_start3A = arith.constant 0 : i32
    %dma_start3A_3 = arith.constant 0 : i32
    %dma_start3A_4 = tpu.memref_slice %arg2[%dma_start3A, %dma_start3A_3] : memref<32768x128xf32, #tpu.memory_space<hbm>> -> memref<32768x128xf32, #tpu.memory_space<hbm>>
    tpu.enqueue_indirect_dma source(%dma_start3A_4 : memref<32768x128xf32, #tpu.memory_space<hbm>>) target(%arg11 : memref<128x128xf32, #tpu.memory_space<vmem>>) offsets(%arg10 : memref<128xi32, #tpu.memory_space<vmem>>) semaphore(%arg16 : memref<!tpu.dma_semaphore, #tpu.memory_space<semaphore_mem>>)
    %dma_wait3A = arith.constant 0 : i32
    %dma_wait3A_5 = arith.constant 0 : i32
    %dma_wait3A_6 = tpu.memref_slice %arg2[%dma_wait3A, %dma_wait3A_5] : memref<32768x128xf32, #tpu.memory_space<hbm>> -> memref<32768x128xf32, #tpu.memory_space<hbm>>
    tpu.wait_indirect_dma semaphore(%arg16 : memref<!tpu.dma_semaphore, #tpu.memory_space<semaphore_mem>>) src(%dma_wait3A_6 : memref<32768x128xf32, #tpu.memory_space<hbm>>) dst(%arg11 : memref<128x128xf32, #tpu.memory_space<vmem>>)
    %scan3A = arith.constant 0 : i32
    %scan3A_7 = arith.constant 5 : i32
    %scan3A_8 = arith.addi %scan3A, %scan3A_7 : i32
    %scan3A_9 = arith.constant 1 : i32
    scf.for %scan3A_24 = %scan3A to %scan3A_8 step %scan3A_9  : i32 {
      %mul3A_25 = arith.constant 1 : i32
      %mul3A_26 = arith.muli %scan3A_24, %mul3A_25 : i32
      %add3A_27 = arith.constant 0 : i32
      %add3A_28 = arith.addi %add3A_27, %mul3A_26 : i32
      %mul3A_29 = arith.constant 5 : i32
      %mul3A_30 = arith.muli %add3A, %mul3A_29 : i32
      %add3A_31 = arith.addi %mul3A_30, %add3A_28 : i32
      %jit3A = arith.constant 10 : i32
      %div3A = arith.divsi %add3A_31, %jit3A : i32
      %sign3A = arith.constant 0 : i32
      %sign3A_32 = arith.cmpi sgt, %add3A_31, %sign3A : i32
      %sign3A_33 = arith.extui %sign3A_32 : i1 to i32
      %sign3A_34 = arith.constant 0 : i32
      %sign3A_35 = arith.cmpi slt, %add3A_31, %sign3A_34 : i32
      %sign3A_36 = arith.extui %sign3A_35 : i1 to i32
      %sign3A_37 = arith.subi %sign3A_33, %sign3A_36 : i32
      %sign3A_38 = arith.constant 0 : i32
      %sign3A_39 = arith.cmpi sgt, %jit3A, %sign3A_38 : i32
      %sign3A_40 = arith.extui %sign3A_39 : i1 to i32
      %sign3A_41 = arith.constant 0 : i32
      %sign3A_42 = arith.cmpi slt, %jit3A, %sign3A_41 : i32
      %sign3A_43 = arith.extui %sign3A_42 : i1 to i32
      %sign3A_44 = arith.subi %sign3A_40, %sign3A_43 : i32
      %ne3A = arith.cmpi ne, %sign3A_37, %sign3A_44 : i32
      %rem3A = arith.remsi %add3A_31, %jit3A : i32
      %ne3A_45 = arith.constant 0 : i32
      %ne3A_46 = arith.cmpi ne, %rem3A, %ne3A_45 : i32
      %and3A = arith.andi %ne3A, %ne3A_46 : i1
      %sub3A = arith.constant 1 : i32
      %sub3A_47 = arith.subi %div3A, %sub3A : i32
      %select_n3A = arith.select %and3A, %sub3A_47, %div3A : i32
      %scan3A_48 = arith.constant 0 : i32
      %scan3A_49 = arith.constant 8 : i32
      %scan3A_50 = arith.addi %scan3A_48, %scan3A_49 : i32
      %scan3A_51 = arith.constant 1 : i32
      scf.for %scan3A_68 = %scan3A_48 to %scan3A_50 step %scan3A_51  : i32 {
        %mul3A_69 = arith.constant 16 : i32
        %mul3A_70 = arith.muli %scan3A_68, %mul3A_69 : i32
        %add3A_71 = arith.constant 0 : i32
        %add3A_72 = arith.addi %add3A_71, %mul3A_70 : i32
        %mul3A_73 = arith.constant 20 : i32
        %mul3A_74 = arith.muli %add3A_28, %mul3A_73 : i32
        %add3A_75 = arith.constant 0 : i32
        %add3A_76 = arith.addi %mul3A_74, %add3A_75 : i32
        %get3A = arith.index_cast %add3A_76 : i32 to index
        %get3A_77 = arith.index_cast %add3A_72 : i32 to index
        %get3A_78 = tpu.vector_load %arg11[%get3A, %get3A_77] {strides = array<i32>} : memref<128x128xf32, #tpu.memory_space<vmem>>, vector<1x16xf32>,
        %get3A_79 = vector.shape_cast %get3A_78 : vector<1x16xf32> to vector<16xf32>
        %mul3A_80 = arith.constant 20 : i32
        %mul3A_81 = arith.muli %add3A_28, %mul3A_80 : i32
        %add3A_82 = arith.constant 4 : i32
        %add3A_83 = arith.addi %mul3A_81, %add3A_82 : i32
        %add3A_84 = arith.constant 0 : i32
        %add3A_85 = arith.addi %add3A_83, %add3A_84 : i32
        %get3A_86 = arith.index_cast %add3A_85 : i32 to index
        %get3A_87 = arith.index_cast %add3A_72 : i32 to index
        %get3A_88 = tpu.vector_load %arg11[%get3A_86, %get3A_87] {strides = array<i32>} : memref<128x128xf32, #tpu.memory_space<vmem>>, vector<1x16xf32>,
        %get3A_89 = vector.shape_cast %get3A_88 : vector<1x16xf32> to vector<16xf32>
        %add3A_90 = arith.addf %get3A_79, %get3A_89 : vector<16xf32>
        %mul3A_91 = arith.constant 20 : i32
        %mul3A_92 = arith.muli %add3A_28, %mul3A_91 : i32
        %add3A_93 = arith.constant 8 : i32
        %add3A_94 = arith.addi %mul3A_92, %add3A_93 : i32
        %add3A_95 = arith.constant 0 : i32
        %add3A_96 = arith.addi %add3A_94, %add3A_95 : i32
        %get3A_97 = arith.index_cast %add3A_96 : i32 to index
        %get3A_98 = arith.index_cast %add3A_72 : i32 to index
        %get3A_99 = tpu.vector_load %arg11[%get3A_97, %get3A_98] {strides = array<i32>} : memref<128x128xf32, #tpu.memory_space<vmem>>, vector<1x16xf32>,
        %get3A_100 = vector.shape_cast %get3A_99 : vector<1x16xf32> to vector<16xf32>
        %add3A_101 = arith.addf %add3A_90, %get3A_100 : vector<16xf32>
        %mul3A_102 = arith.constant 20 : i32
        %mul3A_103 = arith.muli %add3A_28, %mul3A_102 : i32
        %add3A_104 = arith.constant 12 : i32
        %add3A_105 = arith.addi %mul3A_103, %add3A_104 : i32
        %add3A_106 = arith.constant 0 : i32
        %add3A_107 = arith.addi %add3A_105, %add3A_106 : i32
        %get3A_108 = arith.index_cast %add3A_107 : i32 to index
        %get3A_109 = arith.index_cast %add3A_72 : i32 to index
        %get3A_110 = tpu.vector_load %arg11[%get3A_108, %get3A_109] {strides = array<i32>} : memref<128x128xf32, #tpu.memory_space<vmem>>, vector<1x16xf32>,
        %get3A_111 = vector.shape_cast %get3A_110 : vector<1x16xf32> to vector<16xf32>
        %add3A_112 = arith.addf %add3A_101, %get3A_111 : vector<16xf32>
        %mul3A_113 = arith.constant 20 : i32
        %mul3A_114 = arith.muli %add3A_28, %mul3A_113 : i32
        %add3A_115 = arith.constant 16 : i32
        %add3A_116 = arith.addi %mul3A_114, %add3A_115 : i32
        %add3A_117 = arith.constant 0 : i32
        %add3A_118 = arith.addi %add3A_116, %add3A_117 : i32
        %get3A_119 = arith.index_cast %add3A_118 : i32 to index
        %get3A_120 = arith.index_cast %add3A_72 : i32 to index
        %get3A_121 = tpu.vector_load %arg11[%get3A_119, %get3A_120] {strides = array<i32>} : memref<128x128xf32, #tpu.memory_space<vmem>>, vector<1x16xf32>,
        %get3A_122 = vector.shape_cast %get3A_121 : vector<1x16xf32> to vector<16xf32>
        %add3A_123 = arith.addf %add3A_112, %get3A_122 : vector<16xf32>
        %mul3A_124 = arith.constant 4 : i32
        %mul3A_125 = arith.muli %select_n3A, %mul3A_124 : i32
        %add3A_126 = arith.constant 0 : i32
        %add3A_127 = arith.addi %mul3A_125, %add3A_126 : i32
        %get3A_128 = arith.index_cast %add3A_127 : i32 to index
        %get3A_129 = arith.index_cast %add3A_72 : i32 to index
        %get3A_130 = tpu.vector_load %arg12[%get3A_128, %get3A_129] {strides = array<i32>} : memref<64x128xf32, #tpu.memory_space<vmem>>, vector<1x16xf32>,
        %get3A_131 = vector.shape_cast %get3A_130 : vector<1x16xf32> to vector<16xf32>
        %mul3A_132 = arith.mulf %add3A_123, %get3A_131 : vector<16xf32>
        %mul3A_133 = arith.constant 2.000000e-01 : f32
        %mul3A_134 = vector.broadcast %mul3A_133 : f32 to vector<16xf32>
        %mul3A_135 = arith.mulf %mul3A_132, %mul3A_134 : vector<16xf32>
        %mul3A_136 = arith.constant 4 : i32
        %mul3A_137 = arith.muli %add3A_28, %mul3A_136 : i32
        %add3A_138 = arith.constant 0 : i32
        %add3A_139 = arith.addi %mul3A_137, %add3A_138 : i32
        %swap3A = arith.index_cast %add3A_139 : i32 to index
        %swap3A_140 = arith.index_cast %add3A_72 : i32 to index
        %swap3A_141 = tpu.vector_load %arg14[%swap3A, %swap3A_140] {strides = array<i32>} : memref<20x128xf32, #tpu.memory_space<vmem>>, vector<1x16xf32>,
        %swap3A_142 = vector.shape_cast %swap3A_141 : vector<1x16xf32> to vector<16xf32>
        %swap3A_143 = vector.shape_cast %mul3A_135 : vector<16xf32> to vector<1x16xf32>
        tpu.vector_store %arg14[%swap3A, %swap3A_140], %swap3A_143 {strides = array<i32>} : memref<20x128xf32, #tpu.memory_space<vmem>>, vector<1x16xf32>,
      }
      %scan3A_52 = arith.constant 8 : i32
      %scan3A_53 = arith.constant 0 : i32
      %scan3A_54 = arith.constant 8 : i32
      %scan3A_55 = arith.addi %scan3A_53, %scan3A_54 : i32
      %scan3A_56 = arith.constant 1 : i32
      scf.for %scan3A_68 = %scan3A_53 to %scan3A_55 step %scan3A_56  : i32 {
        %mul3A_69 = arith.constant 16 : i32
        %mul3A_70 = arith.muli %scan3A_68, %mul3A_69 : i32
        %add3A_71 = arith.constant 0 : i32
        %add3A_72 = arith.addi %add3A_71, %mul3A_70 : i32
        %mul3A_73 = arith.constant 20 : i32
        %mul3A_74 = arith.muli %add3A_28, %mul3A_73 : i32
        %add3A_75 = arith.constant 1 : i32
        %add3A_76 = arith.addi %mul3A_74, %add3A_75 : i32
        %get3A = arith.index_cast %add3A_76 : i32 to index
        %get3A_77 = arith.index_cast %add3A_72 : i32 to index
        %get3A_78 = tpu.vector_load %arg11[%get3A, %get3A_77] {strides = array<i32>} : memref<128x128xf32, #tpu.memory_space<vmem>>, vector<1x16xf32>,
        %get3A_79 = vector.shape_cast %get3A_78 : vector<1x16xf32> to vector<16xf32>
        %mul3A_80 = arith.constant 20 : i32
        %mul3A_81 = arith.muli %add3A_28, %mul3A_80 : i32
        %add3A_82 = arith.constant 4 : i32
        %add3A_83 = arith.addi %mul3A_81, %add3A_82 : i32
        %add3A_84 = arith.constant 1 : i32
        %add3A_85 = arith.addi %add3A_83, %add3A_84 : i32
        %get3A_86 = arith.index_cast %add3A_85 : i32 to index
        %get3A_87 = arith.index_cast %add3A_72 : i32 to index
        %get3A_88 = tpu.vector_load %arg11[%get3A_86, %get3A_87] {strides = array<i32>} : memref<128x128xf32, #tpu.memory_space<vmem>>, vector<1x16xf32>,
        %get3A_89 = vector.shape_cast %get3A_88 : vector<1x16xf32> to vector<16xf32>
        %add3A_90 = arith.addf %get3A_79, %get3A_89 : vector<16xf32>
        %mul3A_91 = arith.constant 20 : i32
        %mul3A_92 = arith.muli %add3A_28, %mul3A_91 : i32
        %add3A_93 = arith.constant 8 : i32
        %add3A_94 = arith.addi %mul3A_92, %add3A_93 : i32
        %add3A_95 = arith.constant 1 : i32
        %add3A_96 = arith.addi %add3A_94, %add3A_95 : i32
        %get3A_97 = arith.index_cast %add3A_96 : i32 to index
        %get3A_98 = arith.index_cast %add3A_72 : i32 to index
        %get3A_99 = tpu.vector_load %arg11[%get3A_97, %get3A_98] {strides = array<i32>} : memref<128x128xf32, #tpu.memory_space<vmem>>, vector<1x16xf32>,
        %get3A_100 = vector.shape_cast %get3A_99 : vector<1x16xf32> to vector<16xf32>
        %add3A_101 = arith.addf %add3A_90, %get3A_100 : vector<16xf32>
        %mul3A_102 = arith.constant 20 : i32
        %mul3A_103 = arith.muli %add3A_28, %mul3A_102 : i32
        %add3A_104 = arith.constant 12 : i32
        %add3A_105 = arith.addi %mul3A_103, %add3A_104 : i32
        %add3A_106 = arith.constant 1 : i32
        %add3A_107 = arith.addi %add3A_105, %add3A_106 : i32
        %get3A_108 = arith.index_cast %add3A_107 : i32 to index
        %get3A_109 = arith.index_cast %add3A_72 : i32 to index
        %get3A_110 = tpu.vector_load %arg11[%get3A_108, %get3A_109] {strides = array<i32>} : memref<128x128xf32, #tpu.memory_space<vmem>>, vector<1x16xf32>,
        %get3A_111 = vector.shape_cast %get3A_110 : vector<1x16xf32> to vector<16xf32>
        %add3A_112 = arith.addf %add3A_101, %get3A_111 : vector<16xf32>
        %mul3A_113 = arith.constant 20 : i32
        %mul3A_114 = arith.muli %add3A_28, %mul3A_113 : i32
        %add3A_115 = arith.constant 16 : i32
        %add3A_116 = arith.addi %mul3A_114, %add3A_115 : i32
        %add3A_117 = arith.constant 1 : i32
        %add3A_118 = arith.addi %add3A_116, %add3A_117 : i32
        %get3A_119 = arith.index_cast %add3A_118 : i32 to index
        %get3A_120 = arith.index_cast %add3A_72 : i32 to index
        %get3A_121 = tpu.vector_load %arg11[%get3A_119, %get3A_120] {strides = array<i32>} : memref<128x128xf32, #tpu.memory_space<vmem>>, vector<1x16xf32>,
        %get3A_122 = vector.shape_cast %get3A_121 : vector<1x16xf32> to vector<16xf32>
        %add3A_123 = arith.addf %add3A_112, %get3A_122 : vector<16xf32>
        %mul3A_124 = arith.constant 4 : i32
        %mul3A_125 = arith.muli %select_n3A, %mul3A_124 : i32
        %add3A_126 = arith.constant 1 : i32
        %add3A_127 = arith.addi %mul3A_125, %add3A_126 : i32
        %get3A_128 = arith.index_cast %add3A_127 : i32 to index
        %get3A_129 = arith.index_cast %add3A_72 : i32 to index
        %get3A_130 = tpu.vector_load %arg12[%get3A_128, %get3A_129] {strides = array<i32>} : memref<64x128xf32, #tpu.memory_space<vmem>>, vector<1x16xf32>,
        %get3A_131 = vector.shape_cast %get3A_130 : vector<1x16xf32> to vector<16xf32>
        %mul3A_132 = arith.mulf %add3A_123, %get3A_131 : vector<16xf32>
        %mul3A_133 = arith.constant 2.000000e-01 : f32
        %mul3A_134 = vector.broadcast %mul3A_133 : f32 to vector<16xf32>
        %mul3A_135 = arith.mulf %mul3A_132, %mul3A_134 : vector<16xf32>
        %mul3A_136 = arith.constant 4 : i32
        %mul3A_137 = arith.muli %add3A_28, %mul3A_136 : i32
        %add3A_138 = arith.constant 1 : i32
        %add3A_139 = arith.addi %mul3A_137, %add3A_138 : i32
        %swap3A = arith.index_cast %add3A_139 : i32 to index
        %swap3A_140 = arith.index_cast %add3A_72 : i32 to index
        %swap3A_141 = tpu.vector_load %arg14[%swap3A, %swap3A_140] {strides = array<i32>} : memref<20x128xf32, #tpu.memory_space<vmem>>, vector<1x16xf32>,
        %swap3A_142 = vector.shape_cast %swap3A_141 : vector<1x16xf32> to vector<16xf32>
        %swap3A_143 = vector.shape_cast %mul3A_135 : vector<16xf32> to vector<1x16xf32>
        tpu.vector_store %arg14[%swap3A, %swap3A_140], %swap3A_143 {strides = array<i32>} : memref<20x128xf32, #tpu.memory_space<vmem>>, vector<1x16xf32>,
      }
      %scan3A_57 = arith.constant 8 : i32
      %scan3A_58 = arith.constant 0 : i32
      %scan3A_59 = arith.constant 8 : i32
      %scan3A_60 = arith.addi %scan3A_58, %scan3A_59 : i32
      %scan3A_61 = arith.constant 1 : i32
      scf.for %scan3A_68 = %scan3A_58 to %scan3A_60 step %scan3A_61  : i32 {
        %mul3A_69 = arith.constant 16 : i32
        %mul3A_70 = arith.muli %scan3A_68, %mul3A_69 : i32
        %add3A_71 = arith.constant 0 : i32
        %add3A_72 = arith.addi %add3A_71, %mul3A_70 : i32
        %mul3A_73 = arith.constant 20 : i32
        %mul3A_74 = arith.muli %add3A_28, %mul3A_73 : i32
        %add3A_75 = arith.constant 2 : i32
        %add3A_76 = arith.addi %mul3A_74, %add3A_75 : i32
        %get3A = arith.index_cast %add3A_76 : i32 to index
        %get3A_77 = arith.index_cast %add3A_72 : i32 to index
        %get3A_78 = tpu.vector_load %arg11[%get3A, %get3A_77] {strides = array<i32>} : memref<128x128xf32, #tpu.memory_space<vmem>>, vector<1x16xf32>,
        %get3A_79 = vector.shape_cast %get3A_78 : vector<1x16xf32> to vector<16xf32>
        %mul3A_80 = arith.constant 20 : i32
        %mul3A_81 = arith.muli %add3A_28, %mul3A_80 : i32
        %add3A_82 = arith.constant 4 : i32
        %add3A_83 = arith.addi %mul3A_81, %add3A_82 : i32
        %add3A_84 = arith.constant 2 : i32
        %add3A_85 = arith.addi %add3A_83, %add3A_84 : i32
        %get3A_86 = arith.index_cast %add3A_85 : i32 to index
        %get3A_87 = arith.index_cast %add3A_72 : i32 to index
        %get3A_88 = tpu.vector_load %arg11[%get3A_86, %get3A_87] {strides = array<i32>} : memref<128x128xf32, #tpu.memory_space<vmem>>, vector<1x16xf32>,
        %get3A_89 = vector.shape_cast %get3A_88 : vector<1x16xf32> to vector<16xf32>
        %add3A_90 = arith.addf %get3A_79, %get3A_89 : vector<16xf32>
        %mul3A_91 = arith.constant 20 : i32
        %mul3A_92 = arith.muli %add3A_28, %mul3A_91 : i32
        %add3A_93 = arith.constant 8 : i32
        %add3A_94 = arith.addi %mul3A_92, %add3A_93 : i32
        %add3A_95 = arith.constant 2 : i32
        %add3A_96 = arith.addi %add3A_94, %add3A_95 : i32
        %get3A_97 = arith.index_cast %add3A_96 : i32 to index
        %get3A_98 = arith.index_cast %add3A_72 : i32 to index
        %get3A_99 = tpu.vector_load %arg11[%get3A_97, %get3A_98] {strides = array<i32>} : memref<128x128xf32, #tpu.memory_space<vmem>>, vector<1x16xf32>,
        %get3A_100 = vector.shape_cast %get3A_99 : vector<1x16xf32> to vector<16xf32>
        %add3A_101 = arith.addf %add3A_90, %get3A_100 : vector<16xf32>
        %mul3A_102 = arith.constant 20 : i32
        %mul3A_103 = arith.muli %add3A_28, %mul3A_102 : i32
        %add3A_104 = arith.constant 12 : i32
        %add3A_105 = arith.addi %mul3A_103, %add3A_104 : i32
        %add3A_106 = arith.constant 2 : i32
        %add3A_107 = arith.addi %add3A_105, %add3A_106 : i32
        %get3A_108 = arith.index_cast %add3A_107 : i32 to index
        %get3A_109 = arith.index_cast %add3A_72 : i32 to index
        %get3A_110 = tpu.vector_load %arg11[%get3A_108, %get3A_109] {strides = array<i32>} : memref<128x128xf32, #tpu.memory_space<vmem>>, vector<1x16xf32>,
        %get3A_111 = vector.shape_cast %get3A_110 : vector<1x16xf32> to vector<16xf32>
        %add3A_112 = arith.addf %add3A_101, %get3A_111 : vector<16xf32>
        %mul3A_113 = arith.constant 20 : i32
        %mul3A_114 = arith.muli %add3A_28, %mul3A_113 : i32
        %add3A_115 = arith.constant 16 : i32
        %add3A_116 = arith.addi %mul3A_114, %add3A_115 : i32
        %add3A_117 = arith.constant 2 : i32
        %add3A_118 = arith.addi %add3A_116, %add3A_117 : i32
        %get3A_119 = arith.index_cast %add3A_118 : i32 to index
        %get3A_120 = arith.index_cast %add3A_72 : i32 to index
        %get3A_121 = tpu.vector_load %arg11[%get3A_119, %get3A_120] {strides = array<i32>} : memref<128x128xf32, #tpu.memory_space<vmem>>, vector<1x16xf32>,
        %get3A_122 = vector.shape_cast %get3A_121 : vector<1x16xf32> to vector<16xf32>
        %add3A_123 = arith.addf %add3A_112, %get3A_122 : vector<16xf32>
        %mul3A_124 = arith.constant 4 : i32
        %mul3A_125 = arith.muli %select_n3A, %mul3A_124 : i32
        %add3A_126 = arith.constant 2 : i32
        %add3A_127 = arith.addi %mul3A_125, %add3A_126 : i32
        %get3A_128 = arith.index_cast %add3A_127 : i32 to index
        %get3A_129 = arith.index_cast %add3A_72 : i32 to index
        %get3A_130 = tpu.vector_load %arg12[%get3A_128, %get3A_129] {strides = array<i32>} : memref<64x128xf32, #tpu.memory_space<vmem>>, vector<1x16xf32>,
        %get3A_131 = vector.shape_cast %get3A_130 : vector<1x16xf32> to vector<16xf32>
        %mul3A_132 = arith.mulf %add3A_123, %get3A_131 : vector<16xf32>
        %mul3A_133 = arith.constant 2.000000e-01 : f32
        %mul3A_134 = vector.broadcast %mul3A_133 : f32 to vector<16xf32>
        %mul3A_135 = arith.mulf %mul3A_132, %mul3A_134 : vector<16xf32>
        %mul3A_136 = arith.constant 4 : i32
        %mul3A_137 = arith.muli %add3A_28, %mul3A_136 : i32
        %add3A_138 = arith.constant 2 : i32
        %add3A_139 = arith.addi %mul3A_137, %add3A_138 : i32
        %swap3A = arith.index_cast %add3A_139 : i32 to index
        %swap3A_140 = arith.index_cast %add3A_72 : i32 to index
        %swap3A_141 = tpu.vector_load %arg14[%swap3A, %swap3A_140] {strides = array<i32>} : memref<20x128xf32, #tpu.memory_space<vmem>>, vector<1x16xf32>,
        %swap3A_142 = vector.shape_cast %swap3A_141 : vector<1x16xf32> to vector<16xf32>
        %swap3A_143 = vector.shape_cast %mul3A_135 : vector<16xf32> to vector<1x16xf32>
        tpu.vector_store %arg14[%swap3A, %swap3A_140], %swap3A_143 {strides = array<i32>} : memref<20x128xf32, #tpu.memory_space<vmem>>, vector<1x16xf32>,
      }
      %scan3A_62 = arith.constant 8 : i32
      %scan3A_63 = arith.constant 0 : i32
      %scan3A_64 = arith.constant 8 : i32
      %scan3A_65 = arith.addi %scan3A_63, %scan3A_64 : i32
      %scan3A_66 = arith.constant 1 : i32
      scf.for %scan3A_68 = %scan3A_63 to %scan3A_65 step %scan3A_66  : i32 {
        %mul3A_69 = arith.constant 16 : i32
        %mul3A_70 = arith.muli %scan3A_68, %mul3A_69 : i32
        %add3A_71 = arith.constant 0 : i32
        %add3A_72 = arith.addi %add3A_71, %mul3A_70 : i32
        %mul3A_73 = arith.constant 20 : i32
        %mul3A_74 = arith.muli %add3A_28, %mul3A_73 : i32
        %add3A_75 = arith.constant 3 : i32
        %add3A_76 = arith.addi %mul3A_74, %add3A_75 : i32
        %get3A = arith.index_cast %add3A_76 : i32 to index
        %get3A_77 = arith.index_cast %add3A_72 : i32 to index
        %get3A_78 = tpu.vector_load %arg11[%get3A, %get3A_77] {strides = array<i32>} : memref<128x128xf32, #tpu.memory_space<vmem>>, vector<1x16xf32>,
        %get3A_79 = vector.shape_cast %get3A_78 : vector<1x16xf32> to vector<16xf32>
        %mul3A_80 = arith.constant 20 : i32
        %mul3A_81 = arith.muli %add3A_28, %mul3A_80 : i32
        %add3A_82 = arith.constant 4 : i32
        %add3A_83 = arith.addi %mul3A_81, %add3A_82 : i32
        %add3A_84 = arith.constant 3 : i32
        %add3A_85 = arith.addi %add3A_83, %add3A_84 : i32
        %get3A_86 = arith.index_cast %add3A_85 : i32 to index
        %get3A_87 = arith.index_cast %add3A_72 : i32 to index
        %get3A_88 = tpu.vector_load %arg11[%get3A_86, %get3A_87] {strides = array<i32>} : memref<128x128xf32, #tpu.memory_space<vmem>>, vector<1x16xf32>,
        %get3A_89 = vector.shape_cast %get3A_88 : vector<1x16xf32> to vector<16xf32>
        %add3A_90 = arith.addf %get3A_79, %get3A_89 : vector<16xf32>
        %mul3A_91 = arith.constant 20 : i32
        %mul3A_92 = arith.muli %add3A_28, %mul3A_91 : i32
        %add3A_93 = arith.constant 8 : i32
        %add3A_94 = arith.addi %mul3A_92, %add3A_93 : i32
        %add3A_95 = arith.constant 3 : i32
        %add3A_96 = arith.addi %add3A_94, %add3A_95 : i32
        %get3A_97 = arith.index_cast %add3A_96 : i32 to index
        %get3A_98 = arith.index_cast %add3A_72 : i32 to index
        %get3A_99 = tpu.vector_load %arg11[%get3A_97, %get3A_98] {strides = array<i32>} : memref<128x128xf32, #tpu.memory_space<vmem>>, vector<1x16xf32>,
        %get3A_100 = vector.shape_cast %get3A_99 : vector<1x16xf32> to vector<16xf32>
        %add3A_101 = arith.addf %add3A_90, %get3A_100 : vector<16xf32>
        %mul3A_102 = arith.constant 20 : i32
        %mul3A_103 = arith.muli %add3A_28, %mul3A_102 : i32
        %add3A_104 = arith.constant 12 : i32
        %add3A_105 = arith.addi %mul3A_103, %add3A_104 : i32
        %add3A_106 = arith.constant 3 : i32
        %add3A_107 = arith.addi %add3A_105, %add3A_106 : i32
        %get3A_108 = arith.index_cast %add3A_107 : i32 to index
        %get3A_109 = arith.index_cast %add3A_72 : i32 to index
        %get3A_110 = tpu.vector_load %arg11[%get3A_108, %get3A_109] {strides = array<i32>} : memref<128x128xf32, #tpu.memory_space<vmem>>, vector<1x16xf32>,
        %get3A_111 = vector.shape_cast %get3A_110 : vector<1x16xf32> to vector<16xf32>
        %add3A_112 = arith.addf %add3A_101, %get3A_111 : vector<16xf32>
        %mul3A_113 = arith.constant 20 : i32
        %mul3A_114 = arith.muli %add3A_28, %mul3A_113 : i32
        %add3A_115 = arith.constant 16 : i32
        %add3A_116 = arith.addi %mul3A_114, %add3A_115 : i32
        %add3A_117 = arith.constant 3 : i32
        %add3A_118 = arith.addi %add3A_116, %add3A_117 : i32
        %get3A_119 = arith.index_cast %add3A_118 : i32 to index
        %get3A_120 = arith.index_cast %add3A_72 : i32 to index
        %get3A_121 = tpu.vector_load %arg11[%get3A_119, %get3A_120] {strides = array<i32>} : memref<128x128xf32, #tpu.memory_space<vmem>>, vector<1x16xf32>,
        %get3A_122 = vector.shape_cast %get3A_121 : vector<1x16xf32> to vector<16xf32>
        %add3A_123 = arith.addf %add3A_112, %get3A_122 : vector<16xf32>
        %mul3A_124 = arith.constant 4 : i32
        %mul3A_125 = arith.muli %select_n3A, %mul3A_124 : i32
        %add3A_126 = arith.constant 3 : i32
        %add3A_127 = arith.addi %mul3A_125, %add3A_126 : i32
        %get3A_128 = arith.index_cast %add3A_127 : i32 to index
        %get3A_129 = arith.index_cast %add3A_72 : i32 to index
        %get3A_130 = tpu.vector_load %arg12[%get3A_128, %get3A_129] {strides = array<i32>} : memref<64x128xf32, #tpu.memory_space<vmem>>, vector<1x16xf32>,
        %get3A_131 = vector.shape_cast %get3A_130 : vector<1x16xf32> to vector<16xf32>
        %mul3A_132 = arith.mulf %add3A_123, %get3A_131 : vector<16xf32>
        %mul3A_133 = arith.constant 2.000000e-01 : f32
        %mul3A_134 = vector.broadcast %mul3A_133 : f32 to vector<16xf32>
        %mul3A_135 = arith.mulf %mul3A_132, %mul3A_134 : vector<16xf32>
        %mul3A_136 = arith.constant 4 : i32
        %mul3A_137 = arith.muli %add3A_28, %mul3A_136 : i32
        %add3A_138 = arith.constant 3 : i32
        %add3A_139 = arith.addi %mul3A_137, %add3A_138 : i32
        %swap3A = arith.index_cast %add3A_139 : i32 to index
        %swap3A_140 = arith.index_cast %add3A_72 : i32 to index
        %swap3A_141 = tpu.vector_load %arg14[%swap3A, %swap3A_140] {strides = array<i32>} : memref<20x128xf32, #tpu.memory_space<vmem>>, vector<1x16xf32>,
        %swap3A_142 = vector.shape_cast %swap3A_141 : vector<1x16xf32> to vector<16xf32>
        %swap3A_143 = vector.shape_cast %mul3A_135 : vector<16xf32> to vector<1x16xf32>
        tpu.vector_store %arg14[%swap3A, %swap3A_140], %swap3A_143 {strides = array<i32>} : memref<20x128xf32, #tpu.memory_space<vmem>>, vector<1x16xf32>,
      }
      %scan3A_67 = arith.constant 8 : i32
    }
    %scan3A_10 = arith.constant 5 : i32
    "tpu.region"() ({
      %run_scoped3A = tpu.sem_alloc : memref<!tpu.dma_semaphore, #tpu.memory_space<semaphore_mem>>
      %dma_start3A_24 = arith.constant 0 : i32
      %dma_start3A_25 = arith.constant 0 : i32
      %dma_start3A_26 = tpu.memref_slice %arg8[%add3A, %dma_start3A_24, %dma_start3A_25] : memref<32x20x128xf32, #tpu.memory_space<hbm>> -> memref<1x20x128xf32, #tpu.memory_space<hbm>>
      %dma_start3A_27 = tpu.memref_squeeze %dma_start3A_26 : memref<1x20x128xf32, #tpu.memory_space<hbm>> -> memref<20x128xf32, #tpu.memory_space<hbm>>
      %dma_start3A_28 = arith.constant 0 : i32
      %dma_start3A_29 = arith.constant 0 : i32
      %dma_start3A_30 = tpu.memref_slice %arg8[%add3A, %dma_start3A_28, %dma_start3A_29] : memref<32x20x128xf32, #tpu.memory_space<hbm>> -> memref<1x20x128xf32, #tpu.memory_space<hbm>>
      %dma_start3A_31 = tpu.memref_squeeze %dma_start3A_30 : memref<1x20x128xf32, #tpu.memory_space<hbm>> -> memref<20x128xf32, #tpu.memory_space<hbm>>
      tpu.enqueue_dma source(%arg14 : memref<20x128xf32, #tpu.memory_space<vmem>>) target(%dma_start3A_31 : memref<20x128xf32, #tpu.memory_space<hbm>>) target_semaphore(%run_scoped3A : memref<!tpu.dma_semaphore, #tpu.memory_space<semaphore_mem>>)
      %dma_wait3A_32 = arith.constant 0 : i32
      %dma_wait3A_33 = arith.constant 0 : i32
      %dma_wait3A_34 = tpu.memref_slice %arg8[%add3A, %dma_wait3A_32, %dma_wait3A_33] : memref<32x20x128xf32, #tpu.memory_space<hbm>> -> memref<1x20x128xf32, #tpu.memory_space<hbm>>
      %dma_wait3A_35 = tpu.memref_squeeze %dma_wait3A_34 : memref<1x20x128xf32, #tpu.memory_space<hbm>> -> memref<20x128xf32, #tpu.memory_space<hbm>>
      %dma_wait3A_36 = arith.constant 0 : i32
      %dma_wait3A_37 = arith.constant 0 : i32
      %dma_wait3A_38 = tpu.memref_slice %arg8[%add3A, %dma_wait3A_36, %dma_wait3A_37] : memref<32x20x128xf32, #tpu.memory_space<hbm>> -> memref<1x20x128xf32, #tpu.memory_space<hbm>>
      %dma_wait3A_39 = tpu.memref_squeeze %dma_wait3A_38 : memref<1x20x128xf32, #tpu.memory_space<hbm>> -> memref<20x128xf32, #tpu.memory_space<hbm>>
      tpu.wait_dma2 semaphore(%run_scoped3A : memref<!tpu.dma_semaphore, #tpu.memory_space<semaphore_mem>>) src(%arg14 : memref<20x128xf32, #tpu.memory_space<vmem>>) dst(%dma_wait3A_39 : memref<20x128xf32, #tpu.memory_space<hbm>>)
      tpu.yield
    }) : () -> ()
    %mul3A_11 = arith.constant 128 : i32
    %mul3A_12 = arith.muli %add3A, %mul3A_11 : i32
    "tpu.region"() ({
      %run_scoped3A = tpu.sem_alloc : memref<!tpu.dma_semaphore, #tpu.memory_space<semaphore_mem>>
      %dma_start3A_24 = tpu.memref_slice %arg5[%mul3A_12] : memref<4096xi32, #tpu.memory_space<hbm>> -> memref<128xi32, #tpu.memory_space<hbm>>
      %dma_start3A_25 = tpu.memref_slice %arg5[%mul3A_12] : memref<4096xi32, #tpu.memory_space<hbm>> -> memref<128xi32, #tpu.memory_space<hbm>>
      tpu.enqueue_dma source(%dma_start3A_25 : memref<128xi32, #tpu.memory_space<hbm>>) target(%arg10 : memref<128xi32, #tpu.memory_space<vmem>>) target_semaphore(%run_scoped3A : memref<!tpu.dma_semaphore, #tpu.memory_space<semaphore_mem>>)
      %dma_wait3A_26 = tpu.memref_slice %arg5[%mul3A_12] : memref<4096xi32, #tpu.memory_space<hbm>> -> memref<128xi32, #tpu.memory_space<hbm>>
      %dma_wait3A_27 = tpu.memref_slice %arg5[%mul3A_12] : memref<4096xi32, #tpu.memory_space<hbm>> -> memref<128xi32, #tpu.memory_space<hbm>>
      tpu.wait_dma2 semaphore(%run_scoped3A : memref<!tpu.dma_semaphore, #tpu.memory_space<semaphore_mem>>) src(%dma_wait3A_27 : memref<128xi32, #tpu.memory_space<hbm>>) dst(%arg10 : memref<128xi32, #tpu.memory_space<vmem>>)
      tpu.yield
    }) : () -> ()
    %dma_start3A_13 = arith.constant 0 : i32
    %dma_start3A_14 = arith.constant 0 : i32
    %dma_start3A_15 = tpu.memref_slice %arg3[%dma_start3A_13, %dma_start3A_14] : memref<32768x128xf32, #tpu.memory_space<hbm>> -> memref<32768x128xf32, #tpu.memory_space<hbm>>
    tpu.enqueue_indirect_dma source(%dma_start3A_15 : memref<32768x128xf32, #tpu.memory_space<hbm>>) target(%arg11 : memref<128x128xf32, #tpu.memory_space<vmem>>) offsets(%arg10 : memref<128xi32, #tpu.memory_space<vmem>>) semaphore(%arg16 : memref<!tpu.dma_semaphore, #tpu.memory_space<semaphore_mem>>)
    %dma_wait3A_16 = arith.constant 0 : i32
    %dma_wait3A_17 = arith.constant 0 : i32
    %dma_wait3A_18 = tpu.memref_slice %arg3[%dma_wait3A_16, %dma_wait3A_17] : memref<32768x128xf32, #tpu.memory_space<hbm>> -> memref<32768x128xf32, #tpu.memory_space<hbm>>
    tpu.wait_indirect_dma semaphore(%arg16 : memref<!tpu.dma_semaphore, #tpu.memory_space<semaphore_mem>>) src(%dma_wait3A_18 : memref<32768x128xf32, #tpu.memory_space<hbm>>) dst(%arg11 : memref<128x128xf32, #tpu.memory_space<vmem>>)
    %scan3A_19 = arith.constant 0 : i32
    %scan3A_20 = arith.constant 10 : i32
    %scan3A_21 = arith.addi %scan3A_19, %scan3A_20 : i32
    %scan3A_22 = arith.constant 1 : i32
    scf.for %scan3A_24 = %scan3A_19 to %scan3A_21 step %scan3A_22  : i32 {
      %mul3A_25 = arith.constant 1 : i32
      %mul3A_26 = arith.muli %scan3A_24, %mul3A_25 : i32
      %add3A_27 = arith.constant 0 : i32
      %add3A_28 = arith.addi %add3A_27, %mul3A_26 : i32
      %mul3A_29 = arith.constant 10 : i32
      %mul3A_30 = arith.muli %add3A, %mul3A_29 : i32
      %add3A_31 = arith.addi %mul3A_30, %add3A_28 : i32
      %jit3A = arith.constant 20 : i32
      %div3A = arith.divsi %add3A_31, %jit3A : i32
      %sign3A = arith.constant 0 : i32
      %sign3A_32 = arith.cmpi sgt, %add3A_31, %sign3A : i32
      %sign3A_33 = arith.extui %sign3A_32 : i1 to i32
      %sign3A_34 = arith.constant 0 : i32
      %sign3A_35 = arith.cmpi slt, %add3A_31, %sign3A_34 : i32
      %sign3A_36 = arith.extui %sign3A_35 : i1 to i32
      %sign3A_37 = arith.subi %sign3A_33, %sign3A_36 : i32
      %sign3A_38 = arith.constant 0 : i32
      %sign3A_39 = arith.cmpi sgt, %jit3A, %sign3A_38 : i32
      %sign3A_40 = arith.extui %sign3A_39 : i1 to i32
      %sign3A_41 = arith.constant 0 : i32
      %sign3A_42 = arith.cmpi slt, %jit3A, %sign3A_41 : i32
      %sign3A_43 = arith.extui %sign3A_42 : i1 to i32
      %sign3A_44 = arith.subi %sign3A_40, %sign3A_43 : i32
      %ne3A = arith.cmpi ne, %sign3A_37, %sign3A_44 : i32
      %rem3A = arith.remsi %add3A_31, %jit3A : i32
      %ne3A_45 = arith.constant 0 : i32
      %ne3A_46 = arith.cmpi ne, %rem3A, %ne3A_45 : i32
      %and3A = arith.andi %ne3A, %ne3A_46 : i1
      %sub3A = arith.constant 1 : i32
      %sub3A_47 = arith.subi %div3A, %sub3A : i32
      %select_n3A = arith.select %and3A, %sub3A_47, %div3A : i32
      %scan3A_48 = arith.constant 0 : i32
      %scan3A_49 = arith.constant 8 : i32
      %scan3A_50 = arith.addi %scan3A_48, %scan3A_49 : i32
      %scan3A_51 = arith.constant 1 : i32
      scf.for %scan3A_68 = %scan3A_48 to %scan3A_50 step %scan3A_51  : i32 {
        %mul3A_69 = arith.constant 16 : i32
        %mul3A_70 = arith.muli %scan3A_68, %mul3A_69 : i32
        %add3A_71 = arith.constant 0 : i32
        %add3A_72 = arith.addi %add3A_71, %mul3A_70 : i32
        %mul3A_73 = arith.constant 12 : i32
        %mul3A_74 = arith.muli %add3A_28, %mul3A_73 : i32
        %add3A_75 = arith.constant 0 : i32
        %add3A_76 = arith.addi %mul3A_74, %add3A_75 : i32
        %get3A = arith.index_cast %add3A_76 : i32 to index
        %get3A_77 = arith.index_cast %add3A_72 : i32 to index
        %get3A_78 = tpu.vector_load %arg11[%get3A, %get3A_77] {strides = array<i32>} : memref<128x128xf32, #tpu.memory_space<vmem>>, vector<1x16xf32>,
        %get3A_79 = vector.shape_cast %get3A_78 : vector<1x16xf32> to vector<16xf32>
        %mul3A_80 = arith.constant 12 : i32
        %mul3A_81 = arith.muli %add3A_28, %mul3A_80 : i32
        %add3A_82 = arith.constant 4 : i32
        %add3A_83 = arith.addi %mul3A_81, %add3A_82 : i32
        %add3A_84 = arith.constant 0 : i32
        %add3A_85 = arith.addi %add3A_83, %add3A_84 : i32
        %get3A_86 = arith.index_cast %add3A_85 : i32 to index
        %get3A_87 = arith.index_cast %add3A_72 : i32 to index
        %get3A_88 = tpu.vector_load %arg11[%get3A_86, %get3A_87] {strides = array<i32>} : memref<128x128xf32, #tpu.memory_space<vmem>>, vector<1x16xf32>,
        %get3A_89 = vector.shape_cast %get3A_88 : vector<1x16xf32> to vector<16xf32>
        %add3A_90 = arith.addf %get3A_79, %get3A_89 : vector<16xf32>
        %mul3A_91 = arith.constant 12 : i32
        %mul3A_92 = arith.muli %add3A_28, %mul3A_91 : i32
        %add3A_93 = arith.constant 8 : i32
        %add3A_94 = arith.addi %mul3A_92, %add3A_93 : i32
        %add3A_95 = arith.constant 0 : i32
        %add3A_96 = arith.addi %add3A_94, %add3A_95 : i32
        %get3A_97 = arith.index_cast %add3A_96 : i32 to index
        %get3A_98 = arith.index_cast %add3A_72 : i32 to index
        %get3A_99 = tpu.vector_load %arg11[%get3A_97, %get3A_98] {strides = array<i32>} : memref<128x128xf32, #tpu.memory_space<vmem>>, vector<1x16xf32>,
        %get3A_100 = vector.shape_cast %get3A_99 : vector<1x16xf32> to vector<16xf32>
        %add3A_101 = arith.addf %add3A_90, %get3A_100 : vector<16xf32>
        %mul3A_102 = arith.constant 4 : i32
        %mul3A_103 = arith.muli %select_n3A, %mul3A_102 : i32
        %add3A_104 = arith.constant 0 : i32
        %add3A_105 = arith.addi %mul3A_103, %add3A_104 : i32
        %get3A_106 = arith.index_cast %add3A_105 : i32 to index
        %get3A_107 = arith.index_cast %add3A_72 : i32 to index
        %get3A_108 = tpu.vector_load %arg13[%get3A_106, %get3A_107] {strides = array<i32>} : memref<64x128xf32, #tpu.memory_space<vmem>>, vector<1x16xf32>,
        %get3A_109 = vector.shape_cast %get3A_108 : vector<1x16xf32> to vector<16xf32>
        %mul3A_110 = arith.mulf %add3A_101, %get3A_109 : vector<16xf32>
        %mul3A_111 = arith.constant 0.333333343 : f32
        %mul3A_112 = vector.broadcast %mul3A_111 : f32 to vector<16xf32>
        %mul3A_113 = arith.mulf %mul3A_110, %mul3A_112 : vector<16xf32>
        %mul3A_114 = arith.constant 4 : i32
        %mul3A_115 = arith.muli %add3A_28, %mul3A_114 : i32
        %add3A_116 = arith.constant 0 : i32
        %add3A_117 = arith.addi %mul3A_115, %add3A_116 : i32
        %swap3A = arith.index_cast %add3A_117 : i32 to index
        %swap3A_118 = arith.index_cast %add3A_72 : i32 to index
        %swap3A_119 = tpu.vector_load %arg15[%swap3A, %swap3A_118] {strides = array<i32>} : memref<40x128xf32, #tpu.memory_space<vmem>>, vector<1x16xf32>,
        %swap3A_120 = vector.shape_cast %swap3A_119 : vector<1x16xf32> to vector<16xf32>
        %swap3A_121 = vector.shape_cast %mul3A_113 : vector<16xf32> to vector<1x16xf32>
        tpu.vector_store %arg15[%swap3A, %swap3A_118], %swap3A_121 {strides = array<i32>} : memref<40x128xf32, #tpu.memory_space<vmem>>, vector<1x16xf32>,
      }
      %scan3A_52 = arith.constant 8 : i32
      %scan3A_53 = arith.constant 0 : i32
      %scan3A_54 = arith.constant 8 : i32
      %scan3A_55 = arith.addi %scan3A_53, %scan3A_54 : i32
      %scan3A_56 = arith.constant 1 : i32
      scf.for %scan3A_68 = %scan3A_53 to %scan3A_55 step %scan3A_56  : i32 {
        %mul3A_69 = arith.constant 16 : i32
        %mul3A_70 = arith.muli %scan3A_68, %mul3A_69 : i32
        %add3A_71 = arith.constant 0 : i32
        %add3A_72 = arith.addi %add3A_71, %mul3A_70 : i32
        %mul3A_73 = arith.constant 12 : i32
        %mul3A_74 = arith.muli %add3A_28, %mul3A_73 : i32
        %add3A_75 = arith.constant 1 : i32
        %add3A_76 = arith.addi %mul3A_74, %add3A_75 : i32
        %get3A = arith.index_cast %add3A_76 : i32 to index
        %get3A_77 = arith.index_cast %add3A_72 : i32 to index
        %get3A_78 = tpu.vector_load %arg11[%get3A, %get3A_77] {strides = array<i32>} : memref<128x128xf32, #tpu.memory_space<vmem>>, vector<1x16xf32>,
        %get3A_79 = vector.shape_cast %get3A_78 : vector<1x16xf32> to vector<16xf32>
        %mul3A_80 = arith.constant 12 : i32
        %mul3A_81 = arith.muli %add3A_28, %mul3A_80 : i32
        %add3A_82 = arith.constant 4 : i32
        %add3A_83 = arith.addi %mul3A_81, %add3A_82 : i32
        %add3A_84 = arith.constant 1 : i32
        %add3A_85 = arith.addi %add3A_83, %add3A_84 : i32
        %get3A_86 = arith.index_cast %add3A_85 : i32 to index
        %get3A_87 = arith.index_cast %add3A_72 : i32 to index
        %get3A_88 = tpu.vector_load %arg11[%get3A_86, %get3A_87] {strides = array<i32>} : memref<128x128xf32, #tpu.memory_space<vmem>>, vector<1x16xf32>,
        %get3A_89 = vector.shape_cast %get3A_88 : vector<1x16xf32> to vector<16xf32>
        %add3A_90 = arith.addf %get3A_79, %get3A_89 : vector<16xf32>
        %mul3A_91 = arith.constant 12 : i32
        %mul3A_92 = arith.muli %add3A_28, %mul3A_91 : i32
        %add3A_93 = arith.constant 8 : i32
        %add3A_94 = arith.addi %mul3A_92, %add3A_93 : i32
        %add3A_95 = arith.constant 1 : i32
        %add3A_96 = arith.addi %add3A_94, %add3A_95 : i32
        %get3A_97 = arith.index_cast %add3A_96 : i32 to index
        %get3A_98 = arith.index_cast %add3A_72 : i32 to index
        %get3A_99 = tpu.vector_load %arg11[%get3A_97, %get3A_98] {strides = array<i32>} : memref<128x128xf32, #tpu.memory_space<vmem>>, vector<1x16xf32>,
        %get3A_100 = vector.shape_cast %get3A_99 : vector<1x16xf32> to vector<16xf32>
        %add3A_101 = arith.addf %add3A_90, %get3A_100 : vector<16xf32>
        %mul3A_102 = arith.constant 4 : i32
        %mul3A_103 = arith.muli %select_n3A, %mul3A_102 : i32
        %add3A_104 = arith.constant 1 : i32
        %add3A_105 = arith.addi %mul3A_103, %add3A_104 : i32
        %get3A_106 = arith.index_cast %add3A_105 : i32 to index
        %get3A_107 = arith.index_cast %add3A_72 : i32 to index
        %get3A_108 = tpu.vector_load %arg13[%get3A_106, %get3A_107] {strides = array<i32>} : memref<64x128xf32, #tpu.memory_space<vmem>>, vector<1x16xf32>,
        %get3A_109 = vector.shape_cast %get3A_108 : vector<1x16xf32> to vector<16xf32>
        %mul3A_110 = arith.mulf %add3A_101, %get3A_109 : vector<16xf32>
        %mul3A_111 = arith.constant 0.333333343 : f32
        %mul3A_112 = vector.broadcast %mul3A_111 : f32 to vector<16xf32>
        %mul3A_113 = arith.mulf %mul3A_110, %mul3A_112 : vector<16xf32>
        %mul3A_114 = arith.constant 4 : i32
        %mul3A_115 = arith.muli %add3A_28, %mul3A_114 : i32
        %add3A_116 = arith.constant 1 : i32
        %add3A_117 = arith.addi %mul3A_115, %add3A_116 : i32
        %swap3A = arith.index_cast %add3A_117 : i32 to index
        %swap3A_118 = arith.index_cast %add3A_72 : i32 to index
        %swap3A_119 = tpu.vector_load %arg15[%swap3A, %swap3A_118] {strides = array<i32>} : memref<40x128xf32, #tpu.memory_space<vmem>>, vector<1x16xf32>,
        %swap3A_120 = vector.shape_cast %swap3A_119 : vector<1x16xf32> to vector<16xf32>
        %swap3A_121 = vector.shape_cast %mul3A_113 : vector<16xf32> to vector<1x16xf32>
        tpu.vector_store %arg15[%swap3A, %swap3A_118], %swap3A_121 {strides = array<i32>} : memref<40x128xf32, #tpu.memory_space<vmem>>, vector<1x16xf32>,
      }
      %scan3A_57 = arith.constant 8 : i32
      %scan3A_58 = arith.constant 0 : i32
      %scan3A_59 = arith.constant 8 : i32
      %scan3A_60 = arith.addi %scan3A_58, %scan3A_59 : i32
      %scan3A_61 = arith.constant 1 : i32
      scf.for %scan3A_68 = %scan3A_58 to %scan3A_60 step %scan3A_61  : i32 {
        %mul3A_69 = arith.constant 16 : i32
        %mul3A_70 = arith.muli %scan3A_68, %mul3A_69 : i32
        %add3A_71 = arith.constant 0 : i32
        %add3A_72 = arith.addi %add3A_71, %mul3A_70 : i32
        %mul3A_73 = arith.constant 12 : i32
        %mul3A_74 = arith.muli %add3A_28, %mul3A_73 : i32
        %add3A_75 = arith.constant 2 : i32
        %add3A_76 = arith.addi %mul3A_74, %add3A_75 : i32
        %get3A = arith.index_cast %add3A_76 : i32 to index
        %get3A_77 = arith.index_cast %add3A_72 : i32 to index
        %get3A_78 = tpu.vector_load %arg11[%get3A, %get3A_77] {strides = array<i32>} : memref<128x128xf32, #tpu.memory_space<vmem>>, vector<1x16xf32>,
        %get3A_79 = vector.shape_cast %get3A_78 : vector<1x16xf32> to vector<16xf32>
        %mul3A_80 = arith.constant 12 : i32
        %mul3A_81 = arith.muli %add3A_28, %mul3A_80 : i32
        %add3A_82 = arith.constant 4 : i32
        %add3A_83 = arith.addi %mul3A_81, %add3A_82 : i32
        %add3A_84 = arith.constant 2 : i32
        %add3A_85 = arith.addi %add3A_83, %add3A_84 : i32
        %get3A_86 = arith.index_cast %add3A_85 : i32 to index
        %get3A_87 = arith.index_cast %add3A_72 : i32 to index
        %get3A_88 = tpu.vector_load %arg11[%get3A_86, %get3A_87] {strides = array<i32>} : memref<128x128xf32, #tpu.memory_space<vmem>>, vector<1x16xf32>,
        %get3A_89 = vector.shape_cast %get3A_88 : vector<1x16xf32> to vector<16xf32>
        %add3A_90 = arith.addf %get3A_79, %get3A_89 : vector<16xf32>
        %mul3A_91 = arith.constant 12 : i32
        %mul3A_92 = arith.muli %add3A_28, %mul3A_91 : i32
        %add3A_93 = arith.constant 8 : i32
        %add3A_94 = arith.addi %mul3A_92, %add3A_93 : i32
        %add3A_95 = arith.constant 2 : i32
        %add3A_96 = arith.addi %add3A_94, %add3A_95 : i32
        %get3A_97 = arith.index_cast %add3A_96 : i32 to index
        %get3A_98 = arith.index_cast %add3A_72 : i32 to index
        %get3A_99 = tpu.vector_load %arg11[%get3A_97, %get3A_98] {strides = array<i32>} : memref<128x128xf32, #tpu.memory_space<vmem>>, vector<1x16xf32>,
        %get3A_100 = vector.shape_cast %get3A_99 : vector<1x16xf32> to vector<16xf32>
        %add3A_101 = arith.addf %add3A_90, %get3A_100 : vector<16xf32>
        %mul3A_102 = arith.constant 4 : i32
        %mul3A_103 = arith.muli %select_n3A, %mul3A_102 : i32
        %add3A_104 = arith.constant 2 : i32
        %add3A_105 = arith.addi %mul3A_103, %add3A_104 : i32
        %get3A_106 = arith.index_cast %add3A_105 : i32 to index
        %get3A_107 = arith.index_cast %add3A_72 : i32 to index
        %get3A_108 = tpu.vector_load %arg13[%get3A_106, %get3A_107] {strides = array<i32>} : memref<64x128xf32, #tpu.memory_space<vmem>>, vector<1x16xf32>,
        %get3A_109 = vector.shape_cast %get3A_108 : vector<1x16xf32> to vector<16xf32>
        %mul3A_110 = arith.mulf %add3A_101, %get3A_109 : vector<16xf32>
        %mul3A_111 = arith.constant 0.333333343 : f32
        %mul3A_112 = vector.broadcast %mul3A_111 : f32 to vector<16xf32>
        %mul3A_113 = arith.mulf %mul3A_110, %mul3A_112 : vector<16xf32>
        %mul3A_114 = arith.constant 4 : i32
        %mul3A_115 = arith.muli %add3A_28, %mul3A_114 : i32
        %add3A_116 = arith.constant 2 : i32
        %add3A_117 = arith.addi %mul3A_115, %add3A_116 : i32
        %swap3A = arith.index_cast %add3A_117 : i32 to index
        %swap3A_118 = arith.index_cast %add3A_72 : i32 to index
        %swap3A_119 = tpu.vector_load %arg15[%swap3A, %swap3A_118] {strides = array<i32>} : memref<40x128xf32, #tpu.memory_space<vmem>>, vector<1x16xf32>,
        %swap3A_120 = vector.shape_cast %swap3A_119 : vector<1x16xf32> to vector<16xf32>
        %swap3A_121 = vector.shape_cast %mul3A_113 : vector<16xf32> to vector<1x16xf32>
        tpu.vector_store %arg15[%swap3A, %swap3A_118], %swap3A_121 {strides = array<i32>} : memref<40x128xf32, #tpu.memory_space<vmem>>, vector<1x16xf32>,
      }
      %scan3A_62 = arith.constant 8 : i32
      %scan3A_63 = arith.constant 0 : i32
      %scan3A_64 = arith.constant 8 : i32
      %scan3A_65 = arith.addi %scan3A_63, %scan3A_64 : i32
      %scan3A_66 = arith.constant 1 : i32
      scf.for %scan3A_68 = %scan3A_63 to %scan3A_65 step %scan3A_66  : i32 {
        %mul3A_69 = arith.constant 16 : i32
        %mul3A_70 = arith.muli %scan3A_68, %mul3A_69 : i32
        %add3A_71 = arith.constant 0 : i32
        %add3A_72 = arith.addi %add3A_71, %mul3A_70 : i32
        %mul3A_73 = arith.constant 12 : i32
        %mul3A_74 = arith.muli %add3A_28, %mul3A_73 : i32
        %add3A_75 = arith.constant 3 : i32
        %add3A_76 = arith.addi %mul3A_74, %add3A_75 : i32
        %get3A = arith.index_cast %add3A_76 : i32 to index
        %get3A_77 = arith.index_cast %add3A_72 : i32 to index
        %get3A_78 = tpu.vector_load %arg11[%get3A, %get3A_77] {strides = array<i32>} : memref<128x128xf32, #tpu.memory_space<vmem>>, vector<1x16xf32>,
        %get3A_79 = vector.shape_cast %get3A_78 : vector<1x16xf32> to vector<16xf32>
        %mul3A_80 = arith.constant 12 : i32
        %mul3A_81 = arith.muli %add3A_28, %mul3A_80 : i32
        %add3A_82 = arith.constant 4 : i32
        %add3A_83 = arith.addi %mul3A_81, %add3A_82 : i32
        %add3A_84 = arith.constant 3 : i32
        %add3A_85 = arith.addi %add3A_83, %add3A_84 : i32
        %get3A_86 = arith.index_cast %add3A_85 : i32 to index
        %get3A_87 = arith.index_cast %add3A_72 : i32 to index
        %get3A_88 = tpu.vector_load %arg11[%get3A_86, %get3A_87] {strides = array<i32>} : memref<128x128xf32, #tpu.memory_space<vmem>>, vector<1x16xf32>,
        %get3A_89 = vector.shape_cast %get3A_88 : vector<1x16xf32> to vector<16xf32>
        %add3A_90 = arith.addf %get3A_79, %get3A_89 : vector<16xf32>
        %mul3A_91 = arith.constant 12 : i32
        %mul3A_92 = arith.muli %add3A_28, %mul3A_91 : i32
        %add3A_93 = arith.constant 8 : i32
        %add3A_94 = arith.addi %mul3A_92, %add3A_93 : i32
        %add3A_95 = arith.constant 3 : i32
        %add3A_96 = arith.addi %add3A_94, %add3A_95 : i32
        %get3A_97 = arith.index_cast %add3A_96 : i32 to index
        %get3A_98 = arith.index_cast %add3A_72 : i32 to index
        %get3A_99 = tpu.vector_load %arg11[%get3A_97, %get3A_98] {strides = array<i32>} : memref<128x128xf32, #tpu.memory_space<vmem>>, vector<1x16xf32>,
        %get3A_100 = vector.shape_cast %get3A_99 : vector<1x16xf32> to vector<16xf32>
        %add3A_101 = arith.addf %add3A_90, %get3A_100 : vector<16xf32>
        %mul3A_102 = arith.constant 4 : i32
        %mul3A_103 = arith.muli %select_n3A, %mul3A_102 : i32
        %add3A_104 = arith.constant 3 : i32
        %add3A_105 = arith.addi %mul3A_103, %add3A_104 : i32
        %get3A_106 = arith.index_cast %add3A_105 : i32 to index
        %get3A_107 = arith.index_cast %add3A_72 : i32 to index
        %get3A_108 = tpu.vector_load %arg13[%get3A_106, %get3A_107] {strides = array<i32>} : memref<64x128xf32, #tpu.memory_space<vmem>>, vector<1x16xf32>,
        %get3A_109 = vector.shape_cast %get3A_108 : vector<1x16xf32> to vector<16xf32>
        %mul3A_110 = arith.mulf %add3A_101, %get3A_109 : vector<16xf32>
        %mul3A_111 = arith.constant 0.333333343 : f32
        %mul3A_112 = vector.broadcast %mul3A_111 : f32 to vector<16xf32>
        %mul3A_113 = arith.mulf %mul3A_110, %mul3A_112 : vector<16xf32>
        %mul3A_114 = arith.constant 4 : i32
        %mul3A_115 = arith.muli %add3A_28, %mul3A_114 : i32
        %add3A_116 = arith.constant 3 : i32
        %add3A_117 = arith.addi %mul3A_115, %add3A_116 : i32
        %swap3A = arith.index_cast %add3A_117 : i32 to index
        %swap3A_118 = arith.index_cast %add3A_72 : i32 to index
        %swap3A_119 = tpu.vector_load %arg15[%swap3A, %swap3A_118] {strides = array<i32>} : memref<40x128xf32, #tpu.memory_space<vmem>>, vector<1x16xf32>,
        %swap3A_120 = vector.shape_cast %swap3A_119 : vector<1x16xf32> to vector<16xf32>
        %swap3A_121 = vector.shape_cast %mul3A_113 : vector<16xf32> to vector<1x16xf32>
        tpu.vector_store %arg15[%swap3A, %swap3A_118], %swap3A_121 {strides = array<i32>} : memref<40x128xf32, #tpu.memory_space<vmem>>, vector<1x16xf32>,
      }
      %scan3A_67 = arith.constant 8 : i32
    }
    %scan3A_23 = arith.constant 10 : i32
    "tpu.region"() ({
      %run_scoped3A = tpu.sem_alloc : memref<!tpu.dma_semaphore, #tpu.memory_space<semaphore_mem>>
      %dma_start3A_24 = arith.constant 0 : i32
      %dma_start3A_25 = arith.constant 0 : i32
      %dma_start3A_26 = tpu.memref_slice %arg9[%add3A, %dma_start3A_24, %dma_start3A_25] : memref<32x40x128xf32, #tpu.memory_space<hbm>> -> memref<1x40x128xf32, #tpu.memory_space<hbm>>
      %dma_start3A_27 = tpu.memref_squeeze %dma_start3A_26 : memref<1x40x128xf32, #tpu.memory_space<hbm>> -> memref<40x128xf32, #tpu.memory_space<hbm>>
      %dma_start3A_28 = arith.constant 0 : i32
      %dma_start3A_29 = arith.constant 0 : i32
      %dma_start3A_30 = tpu.memref_slice %arg9[%add3A, %dma_start3A_28, %dma_start3A_29] : memref<32x40x128xf32, #tpu.memory_space<hbm>> -> memref<1x40x128xf32, #tpu.memory_space<hbm>>
      %dma_start3A_31 = tpu.memref_squeeze %dma_start3A_30 : memref<1x40x128xf32, #tpu.memory_space<hbm>> -> memref<40x128xf32, #tpu.memory_space<hbm>>
      tpu.enqueue_dma source(%arg15 : memref<40x128xf32, #tpu.memory_space<vmem>>) target(%dma_start3A_31 : memref<40x128xf32, #tpu.memory_space<hbm>>) target_semaphore(%run_scoped3A : memref<!tpu.dma_semaphore, #tpu.memory_space<semaphore_mem>>)
      %dma_wait3A_32 = arith.constant 0 : i32
      %dma_wait3A_33 = arith.constant 0 : i32
      %dma_wait3A_34 = tpu.memref_slice %arg9[%add3A, %dma_wait3A_32, %dma_wait3A_33] : memref<32x40x128xf32, #tpu.memory_space<hbm>> -> memref<1x40x128xf32, #tpu.memory_space<hbm>>
      %dma_wait3A_35 = tpu.memref_squeeze %dma_wait3A_34 : memref<1x40x128xf32, #tpu.memory_space<hbm>> -> memref<40x128xf32, #tpu.memory_space<hbm>>
      %dma_wait3A_36 = arith.constant 0 : i32
      %dma_wait3A_37 = arith.constant 0 : i32
      %dma_wait3A_38 = tpu.memref_slice %arg9[%add3A, %dma_wait3A_36, %dma_wait3A_37] : memref<32x40x128xf32, #tpu.memory_space<hbm>> -> memref<1x40x128xf32, #tpu.memory_space<hbm>>
      %dma_wait3A_39 = tpu.memref_squeeze %dma_wait3A_38 : memref<1x40x128xf32, #tpu.memory_space<hbm>> -> memref<40x128xf32, #tpu.memory_space<hbm>>
      tpu.wait_dma2 semaphore(%run_scoped3A : memref<!tpu.dma_semaphore, #tpu.memory_space<semaphore_mem>>) src(%arg15 : memref<40x128xf32, #tpu.memory_space<vmem>>) dst(%dma_wait3A_39 : memref<40x128xf32, #tpu.memory_space<hbm>>)
      tpu.yield
    }) : () -> ()
    return
  }
}

module attributes {stable_mosaic.version = 14 : i64} {
  func.func @_body(%arg0: i32, %arg1: memref<16xi32, #tpu.memory_space<smem>>, %arg2: memref<1x512x1024xf32, #tpu.memory_space<vmem>>, %arg3: memref<1024x512xf32, #tpu.memory_space<vmem>>, %arg4: memref<1x512xf32, #tpu.memory_space<vmem>>, %arg5: memref<1024x512xf32, #tpu.memory_space<vmem>>, %arg6: memref<1x512xf32, #tpu.memory_space<vmem>>, %arg7: memref<1024x512xf32, #tpu.memory_space<vmem>>, %arg8: memref<1x512xf32, #tpu.memory_space<vmem>>, %arg9: memref<1024x1xf32, #tpu.memory_space<vmem>>, %arg10: memref<1x1xf32, #tpu.memory_space<vmem>>, %arg11: memref<5x512x512xf32, #tpu.memory_space<vmem>>, %arg12: memref<1x512xf32, #tpu.memory_space<vmem>>, %arg13: memref<1x512xf32, #tpu.memory_space<vmem>>, %arg14: memref<1x512xf32, #tpu.memory_space<vmem>>, %arg15: memref<512x1024xf32, #tpu.memory_space<vmem>>, %arg16: memref<1x1024xf32, #tpu.memory_space<vmem>>, %arg17: memref<1x1024xf32, #tpu.memory_space<vmem>>, %arg18: memref<1x1024xf32, #tpu.memory_space<vmem>>, %arg19: memref<512x32xf32, #tpu.memory_space<vmem>>, %arg20: memref<32x512xf32, #tpu.memory_space<vmem>>, %arg21: memref<512x32xf32, #tpu.memory_space<vmem>>, %arg22: memref<32x512xf32, #tpu.memory_space<vmem>>, %arg23: memref<1x512x512xf32, #tpu.memory_space<vmem>>, %arg24: memref<1x512x512xf32, #tpu.memory_space<vmem>>, %arg25: memref<1x2048x128xf32, #tpu.memory_space<vmem>>, %arg26: memref<1x2048x128xf32, #tpu.memory_space<vmem>>, %arg27: memref<1x1x512xf32, #tpu.memory_space<vmem>>, %arg28: memref<1x1x512xf32, #tpu.memory_space<vmem>>, %arg29: memref<1x1x1024xf32, #tpu.memory_space<vmem>>, %arg30: memref<1x1x16xi32, #tpu.memory_space<vmem>>, %arg31: memref<1x1x32xi32, #tpu.memory_space<vmem>>, %arg32: memref<1x1x512xf32, #tpu.memory_space<vmem>>, %arg33: memref<1x1x512xf32, #tpu.memory_space<vmem>>, %arg34: memref<1x5x16xi32, #tpu.memory_space<vmem>>, %arg35: memref<1x3x32xi32, #tpu.memory_space<vmem>>) attributes {dimension_semantics = [#tpu.dimension_semantics<parallel>], iteration_bounds = array<i64: 16>, scalar_prefetch = 0 : i64, scratch_operands = 0 : i64, tpu.core_type = #tpu.core_type<tc>, window_params = [{transform_indices = @transform_0, window_bounds = array<i64: 16>}, {transform_indices = @transform_1, window_bounds = array<i64: 1, 512, 1024>}, {pipeline_mode = #tpu.pipeline_mode<synchronous>, transform_indices = @transform_2, window_bounds = array<i64: 1024, 512>}, {pipeline_mode = #tpu.pipeline_mode<synchronous>, transform_indices = @transform_3, window_bounds = array<i64: 1, 512>}, {pipeline_mode = #tpu.pipeline_mode<synchronous>, transform_indices = @transform_4, window_bounds = array<i64: 1024, 512>}, {pipeline_mode = #tpu.pipeline_mode<synchronous>, transform_indices = @transform_5, window_bounds = array<i64: 1, 512>}, {pipeline_mode = #tpu.pipeline_mode<synchronous>, transform_indices = @transform_6, window_bounds = array<i64: 1024, 512>}, {pipeline_mode = #tpu.pipeline_mode<synchronous>, transform_indices = @transform_7, window_bounds = array<i64: 1, 512>}, {pipeline_mode = #tpu.pipeline_mode<synchronous>, transform_indices = @transform_8, window_bounds = array<i64: 1024, 1>}, {pipeline_mode = #tpu.pipeline_mode<synchronous>, transform_indices = @transform_9, window_bounds = array<i64: 1, 1>}, {pipeline_mode = #tpu.pipeline_mode<synchronous>, transform_indices = @transform_10, window_bounds = array<i64: 5, 512, 512>}, {pipeline_mode = #tpu.pipeline_mode<synchronous>, transform_indices = @transform_11, window_bounds = array<i64: 1, 512>}, {pipeline_mode = #tpu.pipeline_mode<synchronous>, transform_indices = @transform_12, window_bounds = array<i64: 1, 512>}, {pipeline_mode = #tpu.pipeline_mode<synchronous>, transform_indices = @transform_13, window_bounds = array<i64: 1, 512>}, {pipeline_mode = #tpu.pipeline_mode<synchronous>, transform_indices = @transform_14, window_bounds = array<i64: 512, 1024>}, {pipeline_mode = #tpu.pipeline_mode<synchronous>, transform_indices = @transform_15, window_bounds = array<i64: 1, 1024>}, {pipeline_mode = #tpu.pipeline_mode<synchronous>, transform_indices = @transform_16, window_bounds = array<i64: 1, 1024>}, {pipeline_mode = #tpu.pipeline_mode<synchronous>, transform_indices = @transform_17, window_bounds = array<i64: 1, 1024>}, {pipeline_mode = #tpu.pipeline_mode<synchronous>, transform_indices = @transform_18, window_bounds = array<i64: 512, 32>}, {pipeline_mode = #tpu.pipeline_mode<synchronous>, transform_indices = @transform_19, window_bounds = array<i64: 32, 512>}, {pipeline_mode = #tpu.pipeline_mode<synchronous>, transform_indices = @transform_20, window_bounds = array<i64: 512, 32>}, {pipeline_mode = #tpu.pipeline_mode<synchronous>, transform_indices = @transform_21, window_bounds = array<i64: 32, 512>}, {transform_indices = @transform_22, window_bounds = array<i64: 1, 512, 512>}, {transform_indices = @transform_23, window_bounds = array<i64: 1, 512, 512>}, {transform_indices = @transform_24, window_bounds = array<i64: 1, 2048, 128>}, {transform_indices = @transform_25, window_bounds = array<i64: 1, 2048, 128>}, {transform_indices = @transform_26, window_bounds = array<i64: 1, 1, 512>}, {transform_indices = @transform_27, window_bounds = array<i64: 1, 1, 512>}, {transform_indices = @transform_28, window_bounds = array<i64: 1, 1, 1024>}, {transform_indices = @transform_29, window_bounds = array<i64: 1, 1, 16>}, {transform_indices = @transform_30, window_bounds = array<i64: 1, 1, 32>}, {transform_indices = @transform_31, window_bounds = array<i64: 1, 1, 512>}, {transform_indices = @transform_32, window_bounds = array<i64: 1, 1, 512>}, {transform_indices = @transform_33, window_bounds = array<i64: 1, 5, 16>}, {transform_indices = @transform_34, window_bounds = array<i64: 1, 3, 32>}]} {
    %get3A = arith.index_cast %arg0 : i32 to index
    %get3A_0 = memref.load %arg1[%get3A] : memref<16xi32, #tpu.memory_space<smem>>
    %get3A_1 = arith.constant 0 : index
    %get3A_2 = arith.constant 0 : index
    %get3A_3 = arith.constant 0 : index
    %get3A_4 = vector.load %arg2[%get3A_1, %get3A_2, %get3A_3] : memref<1x512x1024xf32, #tpu.memory_space<vmem>>, vector<1x512x1024xf32>
    %get3A_5 = vector.shape_cast %get3A_4 : vector<1x512x1024xf32> to vector<512x1024xf32>
    %get3A_6 = arith.constant 0 : index
    %get3A_7 = arith.constant 0 : index
    %get3A_8 = vector.load %arg5[%get3A_6, %get3A_7] : memref<1024x512xf32, #tpu.memory_space<vmem>>, vector<1024x512xf32>
    %dot_general3A = arith.constant dense<0.000000e+00> : vector<512x512xf32>
    %dot_general3A_9 = tpu.matmul %get3A_5, %get3A_8, %dot_general3A {dimension_numbers = #tpu.dot_dimension_numbers<[1], [0], [0], [1], [0, 0, 1, 1], [], []>, transpose_lhs_hint = false} : vector<512x1024xf32>, vector<1024x512xf32>, vector<512x512xf32> -> vector<512x512xf32>
    %get3A_10 = arith.constant 0 : index
    %get3A_11 = arith.constant 0 : index
    %get3A_12 = vector.load %arg6[%get3A_10, %get3A_11] : memref<1x512xf32, #tpu.memory_space<vmem>>, vector<1x512xf32>
    %add3A = vector.broadcast %get3A_12 : vector<1x512xf32> to vector<512x512xf32>
    %add3A_13 = arith.addf %dot_general3A_9, %add3A : vector<512x512xf32>
    %get3A_14 = arith.constant 0 : index
    %get3A_15 = arith.constant 0 : index
    %get3A_16 = vector.load %arg7[%get3A_14, %get3A_15] : memref<1024x512xf32, #tpu.memory_space<vmem>>, vector<1024x512xf32>
    %dot_general3A_17 = arith.constant dense<0.000000e+00> : vector<512x512xf32>
    %dot_general3A_18 = tpu.matmul %get3A_5, %get3A_16, %dot_general3A_17 {dimension_numbers = #tpu.dot_dimension_numbers<[1], [0], [0], [1], [0, 0, 1, 1], [], []>, transpose_lhs_hint = false} : vector<512x1024xf32>, vector<1024x512xf32>, vector<512x512xf32> -> vector<512x512xf32>
    %get3A_19 = arith.constant 0 : index
    %get3A_20 = arith.constant 0 : index
    %get3A_21 = vector.load %arg8[%get3A_19, %get3A_20] : memref<1x512xf32, #tpu.memory_space<vmem>>, vector<1x512xf32>
    %add3A_22 = vector.broadcast %get3A_21 : vector<1x512xf32> to vector<512x512xf32>
    %add3A_23 = arith.addf %dot_general3A_18, %add3A_22 : vector<512x512xf32>
    %swap3A = arith.constant 0 : index
    %swap3A_24 = arith.constant 0 : index
    %swap3A_25 = arith.constant 0 : index
    %swap3A_26 = vector.load %arg23[%swap3A, %swap3A_24, %swap3A_25] : memref<1x512x512xf32, #tpu.memory_space<vmem>>, vector<1x512x512xf32>
    %swap3A_27 = vector.shape_cast %swap3A_26 : vector<1x512x512xf32> to vector<512x512xf32>
    %swap3A_28 = vector.shape_cast %add3A_13 : vector<512x512xf32> to vector<1x512x512xf32>
    tpu.vector_store %arg23[%swap3A, %swap3A_24, %swap3A_25], %swap3A_28 {strides = array<i32>} : memref<1x512x512xf32, #tpu.memory_space<vmem>>, vector<1x512x512xf32>,
    %swap3A_29 = arith.constant 0 : index
    %swap3A_30 = arith.constant 0 : index
    %swap3A_31 = arith.constant 0 : index
    %swap3A_32 = vector.load %arg24[%swap3A_29, %swap3A_30, %swap3A_31] : memref<1x512x512xf32, #tpu.memory_space<vmem>>, vector<1x512x512xf32>
    %swap3A_33 = vector.shape_cast %swap3A_32 : vector<1x512x512xf32> to vector<512x512xf32>
    %swap3A_34 = vector.shape_cast %add3A_23 : vector<512x512xf32> to vector<1x512x512xf32>
    tpu.vector_store %arg24[%swap3A_29, %swap3A_30, %swap3A_31], %swap3A_34 {strides = array<i32>} : memref<1x512x512xf32, #tpu.memory_space<vmem>>, vector<1x512x512xf32>,
    %reshape3A = vector.shape_cast %add3A_13 : vector<512x512xf32> to vector<2048x128xf32>
    %swap3A_35 = arith.constant 0 : index
    %swap3A_36 = arith.constant 0 : index
    %swap3A_37 = arith.constant 0 : index
    %swap3A_38 = vector.load %arg25[%swap3A_35, %swap3A_36, %swap3A_37] : memref<1x2048x128xf32, #tpu.memory_space<vmem>>, vector<1x2048x128xf32>
    %swap3A_39 = vector.shape_cast %swap3A_38 : vector<1x2048x128xf32> to vector<2048x128xf32>
    %swap3A_40 = vector.shape_cast %reshape3A : vector<2048x128xf32> to vector<1x2048x128xf32>
    tpu.vector_store %arg25[%swap3A_35, %swap3A_36, %swap3A_37], %swap3A_40 {strides = array<i32>} : memref<1x2048x128xf32, #tpu.memory_space<vmem>>, vector<1x2048x128xf32>,
    %reshape3A_41 = vector.shape_cast %add3A_23 : vector<512x512xf32> to vector<2048x128xf32>
    %swap3A_42 = arith.constant 0 : index
    %swap3A_43 = arith.constant 0 : index
    %swap3A_44 = arith.constant 0 : index
    %swap3A_45 = vector.load %arg26[%swap3A_42, %swap3A_43, %swap3A_44] : memref<1x2048x128xf32, #tpu.memory_space<vmem>>, vector<1x2048x128xf32>
    %swap3A_46 = vector.shape_cast %swap3A_45 : vector<1x2048x128xf32> to vector<2048x128xf32>
    %swap3A_47 = vector.shape_cast %reshape3A_41 : vector<2048x128xf32> to vector<1x2048x128xf32>
    tpu.vector_store %arg26[%swap3A_42, %swap3A_43, %swap3A_44], %swap3A_47 {strides = array<i32>} : memref<1x2048x128xf32, #tpu.memory_space<vmem>>, vector<1x2048x128xf32>,
    %iota3A = tpu.iota {dimensions = array<i32: 0>} : vector<512x1xi32>
    %get3A_48 = arith.constant 0 : index
    %get3A_49 = arith.constant 0 : index
    %get3A_50 = vector.load %arg9[%get3A_48, %get3A_49] : memref<1024x1xf32, #tpu.memory_space<vmem>>, vector<1024x1xf32>
    %dot_general3A_51 = arith.constant dense<0.000000e+00> : vector<512x1xf32>
    %dot_general3A_52 = tpu.matmul %get3A_5, %get3A_50, %dot_general3A_51 {dimension_numbers = #tpu.dot_dimension_numbers<[1], [0], [0], [1], [0, 0, 1, 1], [], []>, transpose_lhs_hint = false} : vector<512x1024xf32>, vector<1024x1xf32>, vector<512x1xf32> -> vector<512x1xf32>
    %get3A_53 = arith.constant 0 : index
    %get3A_54 = arith.constant 0 : index
    %get3A_55 = vector.load %arg10[%get3A_53, %get3A_54] : memref<1x1xf32, #tpu.memory_space<vmem>>, vector<1x1xf32>
    %get3A_56 = vector.extract %get3A_55[0, 0] : f32 from vector<1x1xf32>
    %add3A_57 = vector.broadcast %get3A_56 : f32 to vector<512x1xf32>
    %add3A_58 = arith.addf %dot_general3A_52, %add3A_57 : vector<512x1xf32>
    %ge3A = vector.broadcast %get3A_0 : i32 to vector<512x1xi32>
    %ge3A_59 = arith.cmpi sge, %iota3A, %ge3A : vector<512x1xi32>
    %jit3A = arith.constant -9.99999984E+17 : f32
    %broadcast_in_dim3A = vector.broadcast %jit3A : f32 to vector<512x1xf32>
    %select_n3A = arith.select %ge3A_59, %broadcast_in_dim3A, %add3A_58 : vector<512x1xi1>, vector<512x1xf32>
    %reduce_max3A = arith.constant dense<0xFF800000> : vector<1xf32>
    %reduce_max3A_60 = vector.multi_reduction <maximumf>, %select_n3A, %reduce_max3A [0] : vector<512x1xf32> to vector<1xf32>
    %broadcast_in_dim3A_61 = vector.shape_cast %reduce_max3A_60 : vector<1xf32> to vector<1x1xf32>
    %sub3A = vector.broadcast %broadcast_in_dim3A_61 : vector<1x1xf32> to vector<512x1xf32>
    %sub3A_62 = arith.subf %select_n3A, %sub3A : vector<512x1xf32>
    %exp3A = math.exp %sub3A_62 : vector<512x1xf32>
    %reduce_sum3A = arith.constant dense<0.000000e+00> : vector<1xf32>
    %reduce_sum3A_63 = vector.multi_reduction <add>, %exp3A, %reduce_sum3A [0] : vector<512x1xf32> to vector<1xf32>
    %broadcast_in_dim3A_64 = vector.shape_cast %reduce_sum3A_63 : vector<1xf32> to vector<1x1xf32>
    %div3A = vector.broadcast %broadcast_in_dim3A_64 : vector<1x1xf32> to vector<512x1xf32>
    %div3A_65 = arith.divf %exp3A, %div3A : vector<512x1xf32>
    %dot_general3A_66 = arith.constant dense<0.000000e+00> : vector<1x1024xf32>
    %dot_general3A_67 = tpu.matmul %div3A_65, %get3A_5, %dot_general3A_66 {dimension_numbers = #tpu.dot_dimension_numbers<[0], [0], [1], [1], [0, 1, 1, 1], [], []>, transpose_lhs_hint = false} : vector<512x1xf32>, vector<512x1024xf32>, vector<1x1024xf32> -> vector<1x1024xf32>
    %get3A_68 = arith.constant 0 : index
    %get3A_69 = arith.constant 0 : index
    %get3A_70 = vector.load %arg3[%get3A_68, %get3A_69] : memref<1024x512xf32, #tpu.memory_space<vmem>>, vector<1024x512xf32>
    %dot_general3A_71 = arith.constant dense<0.000000e+00> : vector<1x512xf32>
    %dot_general3A_72 = tpu.matmul %dot_general3A_67, %get3A_70, %dot_general3A_71 {dimension_numbers = #tpu.dot_dimension_numbers<[1], [0], [0], [1], [0, 0, 1, 1], [], []>, transpose_lhs_hint = false} : vector<1x1024xf32>, vector<1024x512xf32>, vector<1x512xf32> -> vector<1x512xf32>
    %get3A_73 = arith.constant 0 : index
    %get3A_74 = arith.constant 0 : index
    %get3A_75 = vector.load %arg4[%get3A_73, %get3A_74] : memref<1x512xf32, #tpu.memory_space<vmem>>, vector<1x512xf32>
    %add3A_76 = arith.addf %dot_general3A_72, %get3A_75 : vector<1x512xf32>
    %swap3A_77 = arith.constant 0 : index
    %swap3A_78 = arith.constant 0 : index
    %swap3A_79 = arith.constant 0 : index
    %swap3A_80 = vector.load %arg27[%swap3A_77, %swap3A_78, %swap3A_79] : memref<1x1x512xf32, #tpu.memory_space<vmem>>, vector<1x1x512xf32>
    %swap3A_81 = vector.shape_cast %swap3A_80 : vector<1x1x512xf32> to vector<1x512xf32>
    %swap3A_82 = vector.shape_cast %add3A_76 : vector<1x512xf32> to vector<1x1x512xf32>
    tpu.vector_store %arg27[%swap3A_77, %swap3A_78, %swap3A_79], %swap3A_82 {strides = array<i32>} : memref<1x1x512xf32, #tpu.memory_space<vmem>>, vector<1x1x512xf32>,
    %reduce_sum3A_83 = arith.constant dense<0.000000e+00> : vector<512xf32>
    %reduce_sum3A_84 = vector.multi_reduction <add>, %add3A_13, %reduce_sum3A_83 [0] : vector<512x512xf32> to vector<512xf32>
    %broadcast_in_dim3A_85 = vector.shape_cast %reduce_sum3A_84 : vector<512xf32> to vector<1x512xf32>
    %div3A_86 = arith.constant 5.120000e+02 : f32
    %div3A_87 = vector.broadcast %div3A_86 : f32 to vector<1x512xf32>
    %div3A_88 = arith.divf %broadcast_in_dim3A_85, %div3A_87 : vector<1x512xf32>
    %get3A_89 = arith.constant 0 : index
    %get3A_90 = arith.constant 0 : index
    %get3A_91 = vector.load %arg19[%get3A_89, %get3A_90] : memref<512x32xf32, #tpu.memory_space<vmem>>, vector<512x32xf32>
    %dot_general3A_92 = arith.constant dense<0.000000e+00> : vector<1x32xf32>
    %dot_general3A_93 = tpu.matmul %div3A_88, %get3A_91, %dot_general3A_92 {dimension_numbers = #tpu.dot_dimension_numbers<[1], [0], [0], [1], [0, 0, 1, 1], [], []>, transpose_lhs_hint = false} : vector<1x512xf32>, vector<512x32xf32>, vector<1x32xf32> -> vector<1x32xf32>
    %max3A = arith.constant 0.000000e+00 : f32
    %max3A_94 = vector.broadcast %max3A : f32 to vector<1x32xf32>
    %max3A_95 = arith.maximumf %dot_general3A_93, %max3A_94 : vector<1x32xf32>
    %get3A_96 = arith.constant 0 : index
    %get3A_97 = arith.constant 0 : index
    %get3A_98 = vector.load %arg20[%get3A_96, %get3A_97] : memref<32x512xf32, #tpu.memory_space<vmem>>, vector<32x512xf32>
    %dot_general3A_99 = arith.constant dense<0.000000e+00> : vector<1x512xf32>
    %dot_general3A_100 = tpu.matmul %max3A_95, %get3A_98, %dot_general3A_99 {dimension_numbers = #tpu.dot_dimension_numbers<[1], [0], [0], [1], [0, 0, 1, 1], [], []>, transpose_lhs_hint = false} : vector<1x32xf32>, vector<32x512xf32>, vector<1x512xf32> -> vector<1x512xf32>
    %logistic3A = arith.negf %dot_general3A_100 : vector<1x512xf32>
    %logistic3A_101 = math.exp %logistic3A : vector<1x512xf32>
    %logistic3A_102 = arith.constant 1.000000e+00 : f32
    %logistic3A_103 = vector.broadcast %logistic3A_102 : f32 to vector<1x512xf32>
    %logistic3A_104 = arith.addf %logistic3A_103, %logistic3A_101 : vector<1x512xf32>
    %logistic3A_105 = arith.divf %logistic3A_103, %logistic3A_104 : vector<1x512xf32>
    %reduce_sum3A_106 = arith.constant dense<0.000000e+00> : vector<512xf32>
    %reduce_sum3A_107 = vector.multi_reduction <add>, %add3A_23, %reduce_sum3A_106 [0] : vector<512x512xf32> to vector<512xf32>
    %broadcast_in_dim3A_108 = vector.shape_cast %reduce_sum3A_107 : vector<512xf32> to vector<1x512xf32>
    %div3A_109 = arith.constant 5.120000e+02 : f32
    %div3A_110 = vector.broadcast %div3A_109 : f32 to vector<1x512xf32>
    %div3A_111 = arith.divf %broadcast_in_dim3A_108, %div3A_110 : vector<1x512xf32>
    %get3A_112 = arith.constant 0 : index
    %get3A_113 = arith.constant 0 : index
    %get3A_114 = vector.load %arg21[%get3A_112, %get3A_113] : memref<512x32xf32, #tpu.memory_space<vmem>>, vector<512x32xf32>
    %dot_general3A_115 = arith.constant dense<0.000000e+00> : vector<1x32xf32>
    %dot_general3A_116 = tpu.matmul %div3A_111, %get3A_114, %dot_general3A_115 {dimension_numbers = #tpu.dot_dimension_numbers<[1], [0], [0], [1], [0, 0, 1, 1], [], []>, transpose_lhs_hint = false} : vector<1x512xf32>, vector<512x32xf32>, vector<1x32xf32> -> vector<1x32xf32>
    %max3A_117 = arith.constant 0.000000e+00 : f32
    %max3A_118 = vector.broadcast %max3A_117 : f32 to vector<1x32xf32>
    %max3A_119 = arith.maximumf %dot_general3A_116, %max3A_118 : vector<1x32xf32>
    %get3A_120 = arith.constant 0 : index
    %get3A_121 = arith.constant 0 : index
    %get3A_122 = vector.load %arg22[%get3A_120, %get3A_121] : memref<32x512xf32, #tpu.memory_space<vmem>>, vector<32x512xf32>
    %dot_general3A_123 = arith.constant dense<0.000000e+00> : vector<1x512xf32>
    %dot_general3A_124 = tpu.matmul %max3A_119, %get3A_122, %dot_general3A_123 {dimension_numbers = #tpu.dot_dimension_numbers<[1], [0], [0], [1], [0, 0, 1, 1], [], []>, transpose_lhs_hint = false} : vector<1x32xf32>, vector<32x512xf32>, vector<1x512xf32> -> vector<1x512xf32>
    %logistic3A_125 = arith.negf %dot_general3A_124 : vector<1x512xf32>
    %logistic3A_126 = math.exp %logistic3A_125 : vector<1x512xf32>
    %logistic3A_127 = arith.constant 1.000000e+00 : f32
    %logistic3A_128 = vector.broadcast %logistic3A_127 : f32 to vector<1x512xf32>
    %logistic3A_129 = arith.addf %logistic3A_128, %logistic3A_126 : vector<1x512xf32>
    %logistic3A_130 = arith.divf %logistic3A_128, %logistic3A_129 : vector<1x512xf32>
    %swap3A_131 = arith.constant 0 : index
    %swap3A_132 = arith.constant 0 : index
    %swap3A_133 = arith.constant 0 : index
    %swap3A_134 = vector.load %arg32[%swap3A_131, %swap3A_132, %swap3A_133] : memref<1x1x512xf32, #tpu.memory_space<vmem>>, vector<1x1x512xf32>
    %swap3A_135 = vector.shape_cast %swap3A_134 : vector<1x1x512xf32> to vector<1x512xf32>
    %swap3A_136 = vector.shape_cast %logistic3A_105 : vector<1x512xf32> to vector<1x1x512xf32>
    tpu.vector_store %arg32[%swap3A_131, %swap3A_132, %swap3A_133], %swap3A_136 {strides = array<i32>} : memref<1x1x512xf32, #tpu.memory_space<vmem>>, vector<1x1x512xf32>,
    %swap3A_137 = arith.constant 0 : index
    %swap3A_138 = arith.constant 0 : index
    %swap3A_139 = arith.constant 0 : index
    %swap3A_140 = vector.load %arg33[%swap3A_137, %swap3A_138, %swap3A_139] : memref<1x1x512xf32, #tpu.memory_space<vmem>>, vector<1x1x512xf32>
    %swap3A_141 = vector.shape_cast %swap3A_140 : vector<1x1x512xf32> to vector<1x512xf32>
    %swap3A_142 = vector.shape_cast %logistic3A_130 : vector<1x512xf32> to vector<1x1x512xf32>
    tpu.vector_store %arg33[%swap3A_137, %swap3A_138, %swap3A_139], %swap3A_142 {strides = array<i32>} : memref<1x1x512xf32, #tpu.memory_space<vmem>>, vector<1x1x512xf32>,
    %broadcast_in_dim3A_143 = arith.constant 0.000000e+00 : f32
    %broadcast_in_dim3A_144 = vector.broadcast %broadcast_in_dim3A_143 : f32 to vector<2x512xf32>
    %concatenate3A = tpu.concatenate %broadcast_in_dim3A_144, %add3A_13, %broadcast_in_dim3A_144 in 0 : vector<2x512xf32>, vector<512x512xf32>, vector<2x512xf32> -> vector<516x512xf32>
    %slice3A = vector.extract_strided_slice %concatenate3A {offsets = [0, 0], sizes = [512, 512], strides = [1, 1]} : vector<516x512xf32> to vector<512x512xf32>
    %get3A_145 = arith.constant 0 : index
    %get3A_146 = arith.constant 0 : index
    %get3A_147 = arith.constant 0 : index
    %get3A_148 = vector.load %arg11[%get3A_145, %get3A_146, %get3A_147] : memref<5x512x512xf32, #tpu.memory_space<vmem>>, vector<1x512x512xf32>
    %get3A_149 = vector.shape_cast %get3A_148 : vector<1x512x512xf32> to vector<512x512xf32>
    %dot_general3A_150 = arith.constant dense<0.000000e+00> : vector<512x512xf32>
    %dot_general3A_151 = tpu.matmul %slice3A, %get3A_149, %dot_general3A_150 {dimension_numbers = #tpu.dot_dimension_numbers<[1], [0], [0], [1], [0, 0, 1, 1], [], []>, transpose_lhs_hint = false} : vector<512x512xf32>, vector<512x512xf32>, vector<512x512xf32> -> vector<512x512xf32>
    %slice3A_152 = vector.extract_strided_slice %concatenate3A {offsets = [1, 0], sizes = [512, 512], strides = [1, 1]} : vector<516x512xf32> to vector<512x512xf32>
    %get3A_153 = arith.constant 1 : index
    %get3A_154 = arith.constant 0 : index
    %get3A_155 = arith.constant 0 : index
    %get3A_156 = vector.load %arg11[%get3A_153, %get3A_154, %get3A_155] : memref<5x512x512xf32, #tpu.memory_space<vmem>>, vector<1x512x512xf32>
    %get3A_157 = vector.shape_cast %get3A_156 : vector<1x512x512xf32> to vector<512x512xf32>
    %dot_general3A_158 = arith.constant dense<0.000000e+00> : vector<512x512xf32>
    %dot_general3A_159 = tpu.matmul %slice3A_152, %get3A_157, %dot_general3A_158 {dimension_numbers = #tpu.dot_dimension_numbers<[1], [0], [0], [1], [0, 0, 1, 1], [], []>, transpose_lhs_hint = false} : vector<512x512xf32>, vector<512x512xf32>, vector<512x512xf32> -> vector<512x512xf32>
    %add3A_160 = arith.addf %dot_general3A_151, %dot_general3A_159 : vector<512x512xf32>
    %slice3A_161 = vector.extract_strided_slice %concatenate3A {offsets = [2, 0], sizes = [512, 512], strides = [1, 1]} : vector<516x512xf32> to vector<512x512xf32>
    %get3A_162 = arith.constant 2 : index
    %get3A_163 = arith.constant 0 : index
    %get3A_164 = arith.constant 0 : index
    %get3A_165 = vector.load %arg11[%get3A_162, %get3A_163, %get3A_164] : memref<5x512x512xf32, #tpu.memory_space<vmem>>, vector<1x512x512xf32>
    %get3A_166 = vector.shape_cast %get3A_165 : vector<1x512x512xf32> to vector<512x512xf32>
    %dot_general3A_167 = arith.constant dense<0.000000e+00> : vector<512x512xf32>
    %dot_general3A_168 = tpu.matmul %slice3A_161, %get3A_166, %dot_general3A_167 {dimension_numbers = #tpu.dot_dimension_numbers<[1], [0], [0], [1], [0, 0, 1, 1], [], []>, transpose_lhs_hint = false} : vector<512x512xf32>, vector<512x512xf32>, vector<512x512xf32> -> vector<512x512xf32>
    %add3A_169 = arith.addf %add3A_160, %dot_general3A_168 : vector<512x512xf32>
    %slice3A_170 = vector.extract_strided_slice %concatenate3A {offsets = [3, 0], sizes = [512, 512], strides = [1, 1]} : vector<516x512xf32> to vector<512x512xf32>
    %get3A_171 = arith.constant 3 : index
    %get3A_172 = arith.constant 0 : index
    %get3A_173 = arith.constant 0 : index
    %get3A_174 = vector.load %arg11[%get3A_171, %get3A_172, %get3A_173] : memref<5x512x512xf32, #tpu.memory_space<vmem>>, vector<1x512x512xf32>
    %get3A_175 = vector.shape_cast %get3A_174 : vector<1x512x512xf32> to vector<512x512xf32>
    %dot_general3A_176 = arith.constant dense<0.000000e+00> : vector<512x512xf32>
    %dot_general3A_177 = tpu.matmul %slice3A_170, %get3A_175, %dot_general3A_176 {dimension_numbers = #tpu.dot_dimension_numbers<[1], [0], [0], [1], [0, 0, 1, 1], [], []>, transpose_lhs_hint = false} : vector<512x512xf32>, vector<512x512xf32>, vector<512x512xf32> -> vector<512x512xf32>
    %add3A_178 = arith.addf %add3A_169, %dot_general3A_177 : vector<512x512xf32>
    %slice3A_179 = vector.extract_strided_slice %concatenate3A {offsets = [4, 0], sizes = [512, 512], strides = [1, 1]} : vector<516x512xf32> to vector<512x512xf32>
    %get3A_180 = arith.constant 4 : index
    %get3A_181 = arith.constant 0 : index
    %get3A_182 = arith.constant 0 : index
    %get3A_183 = vector.load %arg11[%get3A_180, %get3A_181, %get3A_182] : memref<5x512x512xf32, #tpu.memory_space<vmem>>, vector<1x512x512xf32>
    %get3A_184 = vector.shape_cast %get3A_183 : vector<1x512x512xf32> to vector<512x512xf32>
    %dot_general3A_185 = arith.constant dense<0.000000e+00> : vector<512x512xf32>
    %dot_general3A_186 = tpu.matmul %slice3A_179, %get3A_184, %dot_general3A_185 {dimension_numbers = #tpu.dot_dimension_numbers<[1], [0], [0], [1], [0, 0, 1, 1], [], []>, transpose_lhs_hint = false} : vector<512x512xf32>, vector<512x512xf32>, vector<512x512xf32> -> vector<512x512xf32>
    %add3A_187 = arith.addf %add3A_178, %dot_general3A_186 : vector<512x512xf32>
    %get3A_188 = arith.constant 0 : index
    %get3A_189 = arith.constant 0 : index
    %get3A_190 = vector.load %arg13[%get3A_188, %get3A_189] : memref<1x512xf32, #tpu.memory_space<vmem>>, vector<1x512xf32>
    %mul3A = vector.broadcast %get3A_190 : vector<1x512xf32> to vector<512x512xf32>
    %mul3A_191 = arith.mulf %add3A_187, %mul3A : vector<512x512xf32>
    %get3A_192 = arith.constant 0 : index
    %get3A_193 = arith.constant 0 : index
    %get3A_194 = vector.load %arg12[%get3A_192, %get3A_193] : memref<1x512xf32, #tpu.memory_space<vmem>>, vector<1x512xf32>
    %get3A_195 = arith.constant 0 : index
    %get3A_196 = arith.constant 0 : index
    %get3A_197 = vector.load %arg13[%get3A_195, %get3A_196] : memref<1x512xf32, #tpu.memory_space<vmem>>, vector<1x512xf32>
    %mul3A_198 = arith.mulf %get3A_194, %get3A_197 : vector<1x512xf32>
    %get3A_199 = arith.constant 0 : index
    %get3A_200 = arith.constant 0 : index
    %get3A_201 = vector.load %arg14[%get3A_199, %get3A_200] : memref<1x512xf32, #tpu.memory_space<vmem>>, vector<1x512xf32>
    %add3A_202 = arith.addf %mul3A_198, %get3A_201 : vector<1x512xf32>
    %add3A_203 = vector.broadcast %add3A_202 : vector<1x512xf32> to vector<512x512xf32>
    %add3A_204 = arith.addf %mul3A_191, %add3A_203 : vector<512x512xf32>
    %logistic3A_205 = arith.negf %add3A_204 : vector<512x512xf32>
    %logistic3A_206 = math.exp %logistic3A_205 : vector<512x512xf32>
    %logistic3A_207 = arith.constant 1.000000e+00 : f32
    %logistic3A_208 = vector.broadcast %logistic3A_207 : f32 to vector<512x512xf32>
    %logistic3A_209 = arith.addf %logistic3A_208, %logistic3A_206 : vector<512x512xf32>
    %logistic3A_210 = arith.divf %logistic3A_208, %logistic3A_209 : vector<512x512xf32>
    %get3A_211 = arith.constant 0 : index
    %get3A_212 = arith.constant 0 : index
    %get3A_213 = vector.load %arg15[%get3A_211, %get3A_212] : memref<512x1024xf32, #tpu.memory_space<vmem>>, vector<512x1024xf32>
    %dot_general3A_214 = arith.constant dense<0.000000e+00> : vector<512x1024xf32>
    %dot_general3A_215 = tpu.matmul %add3A_23, %get3A_213, %dot_general3A_214 {dimension_numbers = #tpu.dot_dimension_numbers<[1], [0], [0], [1], [0, 0, 1, 1], [], []>, transpose_lhs_hint = false} : vector<512x512xf32>, vector<512x1024xf32>, vector<512x1024xf32> -> vector<512x1024xf32>
    %get3A_216 = arith.constant 0 : index
    %get3A_217 = arith.constant 0 : index
    %get3A_218 = vector.load %arg17[%get3A_216, %get3A_217] : memref<1x1024xf32, #tpu.memory_space<vmem>>, vector<1x1024xf32>
    %mul3A_219 = vector.broadcast %get3A_218 : vector<1x1024xf32> to vector<512x1024xf32>
    %mul3A_220 = arith.mulf %dot_general3A_215, %mul3A_219 : vector<512x1024xf32>
    %get3A_221 = arith.constant 0 : index
    %get3A_222 = arith.constant 0 : index
    %get3A_223 = vector.load %arg16[%get3A_221, %get3A_222] : memref<1x1024xf32, #tpu.memory_space<vmem>>, vector<1x1024xf32>
    %get3A_224 = arith.constant 0 : index
    %get3A_225 = arith.constant 0 : index
    %get3A_226 = vector.load %arg17[%get3A_224, %get3A_225] : memref<1x1024xf32, #tpu.memory_space<vmem>>, vector<1x1024xf32>
    %mul3A_227 = arith.mulf %get3A_223, %get3A_226 : vector<1x1024xf32>
    %get3A_228 = arith.constant 0 : index
    %get3A_229 = arith.constant 0 : index
    %get3A_230 = vector.load %arg18[%get3A_228, %get3A_229] : memref<1x1024xf32, #tpu.memory_space<vmem>>, vector<1x1024xf32>
    %add3A_231 = arith.addf %mul3A_227, %get3A_230 : vector<1x1024xf32>
    %add3A_232 = vector.broadcast %add3A_231 : vector<1x1024xf32> to vector<512x1024xf32>
    %add3A_233 = arith.addf %mul3A_220, %add3A_232 : vector<512x1024xf32>
    %logistic3A_234 = arith.negf %add3A_233 : vector<512x1024xf32>
    %logistic3A_235 = math.exp %logistic3A_234 : vector<512x1024xf32>
    %logistic3A_236 = arith.constant 1.000000e+00 : f32
    %logistic3A_237 = vector.broadcast %logistic3A_236 : f32 to vector<512x1024xf32>
    %logistic3A_238 = arith.addf %logistic3A_237, %logistic3A_235 : vector<512x1024xf32>
    %logistic3A_239 = arith.divf %logistic3A_237, %logistic3A_238 : vector<512x1024xf32>
    %lt3A = vector.broadcast %get3A_0 : i32 to vector<512x1xi32>
    %lt3A_240 = arith.cmpi slt, %iota3A, %lt3A : vector<512x1xi32>
    %add3A_241 = arith.constant 7 : i32
    %add3A_242 = arith.addi %get3A_0, %add3A_241 : i32
    %jit3A_243 = arith.constant 8 : i32
    %div3A_244 = arith.divsi %add3A_242, %jit3A_243 : i32
    %sign3A = arith.constant 0 : i32
    %sign3A_245 = arith.cmpi sgt, %add3A_242, %sign3A : i32
    %sign3A_246 = arith.extui %sign3A_245 : i1 to i32
    %sign3A_247 = arith.constant 0 : i32
    %sign3A_248 = arith.cmpi slt, %add3A_242, %sign3A_247 : i32
    %sign3A_249 = arith.extui %sign3A_248 : i1 to i32
    %sign3A_250 = arith.subi %sign3A_246, %sign3A_249 : i32
    %sign3A_251 = arith.constant 0 : i32
    %sign3A_252 = arith.cmpi sgt, %jit3A_243, %sign3A_251 : i32
    %sign3A_253 = arith.extui %sign3A_252 : i1 to i32
    %sign3A_254 = arith.constant 0 : i32
    %sign3A_255 = arith.cmpi slt, %jit3A_243, %sign3A_254 : i32
    %sign3A_256 = arith.extui %sign3A_255 : i1 to i32
    %sign3A_257 = arith.subi %sign3A_253, %sign3A_256 : i32
    %ne3A = arith.cmpi ne, %sign3A_250, %sign3A_257 : i32
    %rem3A = arith.remsi %add3A_242, %jit3A_243 : i32
    %ne3A_258 = arith.constant 0 : i32
    %ne3A_259 = arith.cmpi ne, %rem3A, %ne3A_258 : i32
    %and3A = arith.andi %ne3A, %ne3A_259 : i1
    %sub3A_260 = arith.constant 1 : i32
    %sub3A_261 = arith.subi %div3A_244, %sub3A_260 : i32
    %select_n3A_262 = arith.select %and3A, %sub3A_261, %div3A_244 : i32
    %sub3A_263 = arith.constant 2 : i32
    %sub3A_264 = arith.subi %select_n3A_262, %sub3A_263 : i32
    %jit3A_265 = arith.constant 0 : i32
    %jit3A_266 = arith.constant 62 : i32
    %max3A_267 = arith.maxsi %jit3A_265, %sub3A_264 : i32
    %min3A = arith.minsi %jit3A_266, %max3A_267 : i32
    %add3A_268 = arith.constant 2 : i32
    %add3A_269 = arith.addi %min3A, %add3A_268 : i32
    %convert_element_type3A = arith.sitofp %add3A_269 : i32 to f32
    %jit3A_270 = arith.constant -1.000000e+00 : f32
    %broadcast_in_dim3A_271 = vector.shape_cast %lt3A_240 : vector<512x1xi1> to vector<512x1xi1>
    %broadcast_in_dim3A_272 = vector.broadcast %broadcast_in_dim3A_271 : vector<512x1xi1> to vector<512x512xi1>
    %broadcast_in_dim3A_273 = vector.broadcast %jit3A_270 : f32 to vector<512x512xf32>
    %select_n3A_274 = arith.select %broadcast_in_dim3A_272, %logistic3A_210, %broadcast_in_dim3A_273 : vector<512x512xi1>, vector<512x512xf32>
    %broadcast_in_dim3A_275 = arith.constant 0.000000e+00 : f32
    %broadcast_in_dim3A_276 = vector.broadcast %broadcast_in_dim3A_275 : f32 to vector<1x512xf32>
    %broadcast_in_dim3A_277 = arith.constant 1.010000e+00 : f32
    %broadcast_in_dim3A_278 = vector.broadcast %broadcast_in_dim3A_277 : f32 to vector<1x512xf32>
    %scan3A = arith.constant 0 : i32
    %scan3A_279 = arith.constant 21 : i32
    %scan3A_280 = arith.addi %scan3A, %scan3A_279 : i32
    %scan3A_281 = arith.constant 1 : i32
    %scan3A_282:2 = scf.for %scan3A_1269 = %scan3A to %scan3A_280 step %scan3A_281 iter_args(%scan3A_1270 = %broadcast_in_dim3A_276, %scan3A_1271 = %broadcast_in_dim3A_278) -> (vector<1x512xf32>, vector<1x512xf32>)  : i32 {
      %add3A_1272 = arith.addf %scan3A_1270, %scan3A_1271 : vector<1x512xf32>
      %mul3A_1273 = arith.constant 5.000000e-01 : f32
      %mul3A_1274 = vector.broadcast %mul3A_1273 : f32 to vector<1x512xf32>
      %mul3A_1275 = arith.mulf %add3A_1272, %mul3A_1274 : vector<1x512xf32>
      %ge3A_1276 = vector.broadcast %mul3A_1275 : vector<1x512xf32> to vector<512x512xf32>
      %ge3A_1277 = arith.cmpf oge, %select_n3A_274, %ge3A_1276 : vector<512x512xf32>
      %jit3A_1278 = arith.constant 1.000000e+00 : f32
      %jit3A_1279 = arith.constant 0.000000e+00 : f32
      %broadcast_in_dim3A_1280 = vector.broadcast %jit3A_1278 : f32 to vector<512x512xf32>
      %broadcast_in_dim3A_1281 = vector.broadcast %jit3A_1279 : f32 to vector<512x512xf32>
      %select_n3A_1282 = arith.select %ge3A_1277, %broadcast_in_dim3A_1280, %broadcast_in_dim3A_1281 : vector<512x512xi1>, vector<512x512xf32>
      %reduce_sum3A_1283 = arith.constant dense<0.000000e+00> : vector<512xf32>
      %reduce_sum3A_1284 = vector.multi_reduction <add>, %select_n3A_1282, %reduce_sum3A_1283 [0] : vector<512x512xf32> to vector<512xf32>
      %broadcast_in_dim3A_1285 = vector.shape_cast %reduce_sum3A_1284 : vector<512xf32> to vector<1x512xf32>
      %ge3A_1286 = vector.broadcast %convert_element_type3A : f32 to vector<1x512xf32>
      %ge3A_1287 = arith.cmpf oge, %broadcast_in_dim3A_1285, %ge3A_1286 : vector<1x512xf32>
      %select_n3A_1288 = arith.select %ge3A_1287, %mul3A_1275, %scan3A_1270 : vector<1x512xi1>, vector<1x512xf32>
      %select_n3A_1289 = arith.select %ge3A_1287, %scan3A_1271, %mul3A_1275 : vector<1x512xi1>, vector<1x512xf32>
      scf.yield %select_n3A_1288, %select_n3A_1289 : vector<1x512xf32>, vector<1x512xf32>
    }
    %ge3A_283 = vector.broadcast %scan3A_282#0 : vector<1x512xf32> to vector<512x512xf32>
    %ge3A_284 = arith.cmpf oge, %select_n3A_274, %ge3A_283 : vector<512x512xf32>
    %jit3A_285 = arith.constant 0.000000e+00 : f32
    %broadcast_in_dim3A_286 = vector.broadcast %jit3A_285 : f32 to vector<512x512xf32>
    %select_n3A_287 = arith.select %ge3A_284, %select_n3A_274, %broadcast_in_dim3A_286 : vector<512x512xi1>, vector<512x512xf32>
    %reduce_sum3A_288 = arith.constant dense<0.000000e+00> : vector<512xf32>
    %reduce_sum3A_289 = vector.multi_reduction <add>, %select_n3A_287, %reduce_sum3A_288 [0] : vector<512x512xf32> to vector<512xf32>
    %broadcast_in_dim3A_290 = vector.shape_cast %reduce_sum3A_289 : vector<512xf32> to vector<1x512xf32>
    %jit3A_291 = arith.constant 1.000000e+00 : f32
    %jit3A_292 = arith.constant 0.000000e+00 : f32
    %broadcast_in_dim3A_293 = vector.broadcast %jit3A_291 : f32 to vector<512x512xf32>
    %broadcast_in_dim3A_294 = vector.broadcast %jit3A_292 : f32 to vector<512x512xf32>
    %select_n3A_295 = arith.select %ge3A_284, %broadcast_in_dim3A_293, %broadcast_in_dim3A_294 : vector<512x512xi1>, vector<512x512xf32>
    %reduce_sum3A_296 = arith.constant dense<0.000000e+00> : vector<512xf32>
    %reduce_sum3A_297 = vector.multi_reduction <add>, %select_n3A_295, %reduce_sum3A_296 [0] : vector<512x512xf32> to vector<512xf32>
    %broadcast_in_dim3A_298 = vector.shape_cast %reduce_sum3A_297 : vector<512xf32> to vector<1x512xf32>
    %sub3A_299 = vector.broadcast %convert_element_type3A : f32 to vector<1x512xf32>
    %sub3A_300 = arith.subf %broadcast_in_dim3A_298, %sub3A_299 : vector<1x512xf32>
    %mul3A_301 = arith.mulf %sub3A_300, %scan3A_282#0 : vector<1x512xf32>
    %sub3A_302 = arith.subf %broadcast_in_dim3A_290, %mul3A_301 : vector<1x512xf32>
    %div3A_303 = vector.broadcast %convert_element_type3A : f32 to vector<1x512xf32>
    %div3A_304 = arith.divf %sub3A_302, %div3A_303 : vector<1x512xf32>
    %jit3A_305 = arith.constant -1.000000e+00 : f32
    %broadcast_in_dim3A_306 = vector.shape_cast %lt3A_240 : vector<512x1xi1> to vector<512x1xi1>
    %broadcast_in_dim3A_307 = vector.broadcast %broadcast_in_dim3A_306 : vector<512x1xi1> to vector<512x1024xi1>
    %broadcast_in_dim3A_308 = vector.broadcast %jit3A_305 : f32 to vector<512x1024xf32>
    %select_n3A_309 = arith.select %broadcast_in_dim3A_307, %logistic3A_239, %broadcast_in_dim3A_308 : vector<512x1024xi1>, vector<512x1024xf32>
    %broadcast_in_dim3A_310 = arith.constant 0.000000e+00 : f32
    %broadcast_in_dim3A_311 = vector.broadcast %broadcast_in_dim3A_310 : f32 to vector<1x1024xf32>
    %broadcast_in_dim3A_312 = arith.constant 1.010000e+00 : f32
    %broadcast_in_dim3A_313 = vector.broadcast %broadcast_in_dim3A_312 : f32 to vector<1x1024xf32>
    %scan3A_314 = arith.constant 0 : i32
    %scan3A_315 = arith.constant 21 : i32
    %scan3A_316 = arith.addi %scan3A_314, %scan3A_315 : i32
    %scan3A_317 = arith.constant 1 : i32
    %scan3A_318:2 = scf.for %scan3A_1269 = %scan3A_314 to %scan3A_316 step %scan3A_317 iter_args(%scan3A_1270 = %broadcast_in_dim3A_311, %scan3A_1271 = %broadcast_in_dim3A_313) -> (vector<1x1024xf32>, vector<1x1024xf32>)  : i32 {
      %add3A_1272 = arith.addf %scan3A_1270, %scan3A_1271 : vector<1x1024xf32>
      %mul3A_1273 = arith.constant 5.000000e-01 : f32
      %mul3A_1274 = vector.broadcast %mul3A_1273 : f32 to vector<1x1024xf32>
      %mul3A_1275 = arith.mulf %add3A_1272, %mul3A_1274 : vector<1x1024xf32>
      %ge3A_1276 = vector.broadcast %mul3A_1275 : vector<1x1024xf32> to vector<512x1024xf32>
      %ge3A_1277 = arith.cmpf oge, %select_n3A_309, %ge3A_1276 : vector<512x1024xf32>
      %jit3A_1278 = arith.constant 1.000000e+00 : f32
      %jit3A_1279 = arith.constant 0.000000e+00 : f32
      %broadcast_in_dim3A_1280 = vector.broadcast %jit3A_1278 : f32 to vector<512x1024xf32>
      %broadcast_in_dim3A_1281 = vector.broadcast %jit3A_1279 : f32 to vector<512x1024xf32>
      %select_n3A_1282 = arith.select %ge3A_1277, %broadcast_in_dim3A_1280, %broadcast_in_dim3A_1281 : vector<512x1024xi1>, vector<512x1024xf32>
      %reduce_sum3A_1283 = arith.constant dense<0.000000e+00> : vector<1024xf32>
      %reduce_sum3A_1284 = vector.multi_reduction <add>, %select_n3A_1282, %reduce_sum3A_1283 [0] : vector<512x1024xf32> to vector<1024xf32>
      %broadcast_in_dim3A_1285 = vector.shape_cast %reduce_sum3A_1284 : vector<1024xf32> to vector<1x1024xf32>
      %ge3A_1286 = vector.broadcast %convert_element_type3A : f32 to vector<1x1024xf32>
      %ge3A_1287 = arith.cmpf oge, %broadcast_in_dim3A_1285, %ge3A_1286 : vector<1x1024xf32>
      %select_n3A_1288 = arith.select %ge3A_1287, %mul3A_1275, %scan3A_1270 : vector<1x1024xi1>, vector<1x1024xf32>
      %select_n3A_1289 = arith.select %ge3A_1287, %scan3A_1271, %mul3A_1275 : vector<1x1024xi1>, vector<1x1024xf32>
      scf.yield %select_n3A_1288, %select_n3A_1289 : vector<1x1024xf32>, vector<1x1024xf32>
    }
    %ge3A_319 = vector.broadcast %scan3A_318#0 : vector<1x1024xf32> to vector<512x1024xf32>
    %ge3A_320 = arith.cmpf oge, %select_n3A_309, %ge3A_319 : vector<512x1024xf32>
    %jit3A_321 = arith.constant 0.000000e+00 : f32
    %broadcast_in_dim3A_322 = vector.broadcast %jit3A_321 : f32 to vector<512x1024xf32>
    %select_n3A_323 = arith.select %ge3A_320, %select_n3A_309, %broadcast_in_dim3A_322 : vector<512x1024xi1>, vector<512x1024xf32>
    %reduce_sum3A_324 = arith.constant dense<0.000000e+00> : vector<1024xf32>
    %reduce_sum3A_325 = vector.multi_reduction <add>, %select_n3A_323, %reduce_sum3A_324 [0] : vector<512x1024xf32> to vector<1024xf32>
    %broadcast_in_dim3A_326 = vector.shape_cast %reduce_sum3A_325 : vector<1024xf32> to vector<1x1024xf32>
    %jit3A_327 = arith.constant 1.000000e+00 : f32
    %jit3A_328 = arith.constant 0.000000e+00 : f32
    %broadcast_in_dim3A_329 = vector.broadcast %jit3A_327 : f32 to vector<512x1024xf32>
    %broadcast_in_dim3A_330 = vector.broadcast %jit3A_328 : f32 to vector<512x1024xf32>
    %select_n3A_331 = arith.select %ge3A_320, %broadcast_in_dim3A_329, %broadcast_in_dim3A_330 : vector<512x1024xi1>, vector<512x1024xf32>
    %reduce_sum3A_332 = arith.constant dense<0.000000e+00> : vector<1024xf32>
    %reduce_sum3A_333 = vector.multi_reduction <add>, %select_n3A_331, %reduce_sum3A_332 [0] : vector<512x1024xf32> to vector<1024xf32>
    %broadcast_in_dim3A_334 = vector.shape_cast %reduce_sum3A_333 : vector<1024xf32> to vector<1x1024xf32>
    %sub3A_335 = vector.broadcast %convert_element_type3A : f32 to vector<1x1024xf32>
    %sub3A_336 = arith.subf %broadcast_in_dim3A_334, %sub3A_335 : vector<1x1024xf32>
    %mul3A_337 = arith.mulf %sub3A_336, %scan3A_318#0 : vector<1x1024xf32>
    %sub3A_338 = arith.subf %broadcast_in_dim3A_326, %mul3A_337 : vector<1x1024xf32>
    %div3A_339 = vector.broadcast %convert_element_type3A : f32 to vector<1x1024xf32>
    %div3A_340 = arith.divf %sub3A_338, %div3A_339 : vector<1x1024xf32>
    %swap3A_341 = arith.constant 0 : index
    %swap3A_342 = arith.constant 0 : index
    %swap3A_343 = arith.constant 0 : index
    %swap3A_344 = vector.load %arg28[%swap3A_341, %swap3A_342, %swap3A_343] : memref<1x1x512xf32, #tpu.memory_space<vmem>>, vector<1x1x512xf32>
    %swap3A_345 = vector.shape_cast %swap3A_344 : vector<1x1x512xf32> to vector<1x512xf32>
    %swap3A_346 = vector.shape_cast %div3A_304 : vector<1x512xf32> to vector<1x1x512xf32>
    tpu.vector_store %arg28[%swap3A_341, %swap3A_342, %swap3A_343], %swap3A_346 {strides = array<i32>} : memref<1x1x512xf32, #tpu.memory_space<vmem>>, vector<1x1x512xf32>,
    %swap3A_347 = arith.constant 0 : index
    %swap3A_348 = arith.constant 0 : index
    %swap3A_349 = arith.constant 0 : index
    %swap3A_350 = vector.load %arg29[%swap3A_347, %swap3A_348, %swap3A_349] : memref<1x1x1024xf32, #tpu.memory_space<vmem>>, vector<1x1x1024xf32>
    %swap3A_351 = vector.shape_cast %swap3A_350 : vector<1x1x1024xf32> to vector<1x1024xf32>
    %swap3A_352 = vector.shape_cast %div3A_340 : vector<1x1024xf32> to vector<1x1x1024xf32>
    tpu.vector_store %arg29[%swap3A_347, %swap3A_348, %swap3A_349], %swap3A_352 {strides = array<i32>} : memref<1x1x1024xf32, #tpu.memory_space<vmem>>, vector<1x1x1024xf32>,
    %iota3A_353 = tpu.iota {dimensions = array<i32: 1>} : vector<1x512xi32>
    %iota3A_354 = tpu.iota {dimensions = array<i32: 1>} : vector<1x16xi32>
    %broadcast_in_dim3A_355 = arith.constant 0 : i32
    %broadcast_in_dim3A_356 = vector.broadcast %broadcast_in_dim3A_355 : i32 to vector<1x16xi32>
    %reduce_max3A_357 = arith.constant dense<0xFF800000> : vector<1xf32>
    %reduce_max3A_358 = vector.multi_reduction <maximumf>, %div3A_304, %reduce_max3A_357 [1] : vector<1x512xf32> to vector<1xf32>
    %broadcast_in_dim3A_359 = vector.shape_cast %reduce_max3A_358 : vector<1xf32> to vector<1x1xf32>
    %eq3A = vector.broadcast %broadcast_in_dim3A_359 : vector<1x1xf32> to vector<1x512xf32>
    %eq3A_360 = arith.cmpf oeq, %div3A_304, %eq3A : vector<1x512xf32>
    %jit3A_361 = arith.constant 512 : i32
    %broadcast_in_dim3A_362 = vector.broadcast %jit3A_361 : i32 to vector<1x512xi32>
    %select_n3A_363 = arith.select %eq3A_360, %iota3A_353, %broadcast_in_dim3A_362 : vector<1x512xi1>, vector<1x512xi32>
    %reduce_min3A = arith.constant dense<2147483647> : vector<1xi32>
    %reduce_min3A_364 = vector.multi_reduction <minsi>, %select_n3A_363, %reduce_min3A [1] : vector<1x512xi32> to vector<1xi32>
    %broadcast_in_dim3A_365 = vector.shape_cast %reduce_min3A_364 : vector<1xi32> to vector<1x1xi32>
    %eq3A_366 = arith.constant 0 : i32
    %eq3A_367 = vector.broadcast %eq3A_366 : i32 to vector<1x16xi32>
    %eq3A_368 = arith.cmpi eq, %iota3A_354, %eq3A_367 : vector<1x16xi32>
    %broadcast_in_dim3A_369 = vector.shape_cast %broadcast_in_dim3A_365 : vector<1x1xi32> to vector<1x1xi32>
    %broadcast_in_dim3A_370 = vector.broadcast %broadcast_in_dim3A_369 : vector<1x1xi32> to vector<1x16xi32>
    %select_n3A_371 = arith.select %eq3A_368, %broadcast_in_dim3A_370, %broadcast_in_dim3A_356 : vector<1x16xi1>, vector<1x16xi32>
    %eq3A_372 = vector.broadcast %broadcast_in_dim3A_365 : vector<1x1xi32> to vector<1x512xi32>
    %eq3A_373 = arith.cmpi eq, %iota3A_353, %eq3A_372 : vector<1x512xi32>
    %neg3A = arith.constant 0.000000e+00 : f32
    %neg3A_374 = arith.constant 0x7F800000 : f32
    %neg3A_375 = arith.subf %neg3A, %neg3A_374 : f32
    %broadcast_in_dim3A_376 = vector.broadcast %neg3A_375 : f32 to vector<1x512xf32>
    %select_n3A_377 = arith.select %eq3A_373, %broadcast_in_dim3A_376, %div3A_304 : vector<1x512xi1>, vector<1x512xf32>
    %reduce_max3A_378 = arith.constant dense<0xFF800000> : vector<1xf32>
    %reduce_max3A_379 = vector.multi_reduction <maximumf>, %select_n3A_377, %reduce_max3A_378 [1] : vector<1x512xf32> to vector<1xf32>
    %broadcast_in_dim3A_380 = vector.shape_cast %reduce_max3A_379 : vector<1xf32> to vector<1x1xf32>
    %eq3A_381 = vector.broadcast %broadcast_in_dim3A_380 : vector<1x1xf32> to vector<1x512xf32>
    %eq3A_382 = arith.cmpf oeq, %select_n3A_377, %eq3A_381 : vector<1x512xf32>
    %jit3A_383 = arith.constant 512 : i32
    %broadcast_in_dim3A_384 = vector.broadcast %jit3A_383 : i32 to vector<1x512xi32>
    %select_n3A_385 = arith.select %eq3A_382, %iota3A_353, %broadcast_in_dim3A_384 : vector<1x512xi1>, vector<1x512xi32>
    %reduce_min3A_386 = arith.constant dense<2147483647> : vector<1xi32>
    %reduce_min3A_387 = vector.multi_reduction <minsi>, %select_n3A_385, %reduce_min3A_386 [1] : vector<1x512xi32> to vector<1xi32>
    %broadcast_in_dim3A_388 = vector.shape_cast %reduce_min3A_387 : vector<1xi32> to vector<1x1xi32>
    %eq3A_389 = arith.constant 1 : i32
    %eq3A_390 = vector.broadcast %eq3A_389 : i32 to vector<1x16xi32>
    %eq3A_391 = arith.cmpi eq, %iota3A_354, %eq3A_390 : vector<1x16xi32>
    %broadcast_in_dim3A_392 = vector.shape_cast %broadcast_in_dim3A_388 : vector<1x1xi32> to vector<1x1xi32>
    %broadcast_in_dim3A_393 = vector.broadcast %broadcast_in_dim3A_392 : vector<1x1xi32> to vector<1x16xi32>
    %select_n3A_394 = arith.select %eq3A_391, %broadcast_in_dim3A_393, %select_n3A_371 : vector<1x16xi1>, vector<1x16xi32>
    %eq3A_395 = vector.broadcast %broadcast_in_dim3A_388 : vector<1x1xi32> to vector<1x512xi32>
    %eq3A_396 = arith.cmpi eq, %iota3A_353, %eq3A_395 : vector<1x512xi32>
    %neg3A_397 = arith.constant 0.000000e+00 : f32
    %neg3A_398 = arith.constant 0x7F800000 : f32
    %neg3A_399 = arith.subf %neg3A_397, %neg3A_398 : f32
    %broadcast_in_dim3A_400 = vector.broadcast %neg3A_399 : f32 to vector<1x512xf32>
    %select_n3A_401 = arith.select %eq3A_396, %broadcast_in_dim3A_400, %select_n3A_377 : vector<1x512xi1>, vector<1x512xf32>
    %reduce_max3A_402 = arith.constant dense<0xFF800000> : vector<1xf32>
    %reduce_max3A_403 = vector.multi_reduction <maximumf>, %select_n3A_401, %reduce_max3A_402 [1] : vector<1x512xf32> to vector<1xf32>
    %broadcast_in_dim3A_404 = vector.shape_cast %reduce_max3A_403 : vector<1xf32> to vector<1x1xf32>
    %eq3A_405 = vector.broadcast %broadcast_in_dim3A_404 : vector<1x1xf32> to vector<1x512xf32>
    %eq3A_406 = arith.cmpf oeq, %select_n3A_401, %eq3A_405 : vector<1x512xf32>
    %jit3A_407 = arith.constant 512 : i32
    %broadcast_in_dim3A_408 = vector.broadcast %jit3A_407 : i32 to vector<1x512xi32>
    %select_n3A_409 = arith.select %eq3A_406, %iota3A_353, %broadcast_in_dim3A_408 : vector<1x512xi1>, vector<1x512xi32>
    %reduce_min3A_410 = arith.constant dense<2147483647> : vector<1xi32>
    %reduce_min3A_411 = vector.multi_reduction <minsi>, %select_n3A_409, %reduce_min3A_410 [1] : vector<1x512xi32> to vector<1xi32>
    %broadcast_in_dim3A_412 = vector.shape_cast %reduce_min3A_411 : vector<1xi32> to vector<1x1xi32>
    %eq3A_413 = arith.constant 2 : i32
    %eq3A_414 = vector.broadcast %eq3A_413 : i32 to vector<1x16xi32>
    %eq3A_415 = arith.cmpi eq, %iota3A_354, %eq3A_414 : vector<1x16xi32>
    %broadcast_in_dim3A_416 = vector.shape_cast %broadcast_in_dim3A_412 : vector<1x1xi32> to vector<1x1xi32>
    %broadcast_in_dim3A_417 = vector.broadcast %broadcast_in_dim3A_416 : vector<1x1xi32> to vector<1x16xi32>
    %select_n3A_418 = arith.select %eq3A_415, %broadcast_in_dim3A_417, %select_n3A_394 : vector<1x16xi1>, vector<1x16xi32>
    %eq3A_419 = vector.broadcast %broadcast_in_dim3A_412 : vector<1x1xi32> to vector<1x512xi32>
    %eq3A_420 = arith.cmpi eq, %iota3A_353, %eq3A_419 : vector<1x512xi32>
    %neg3A_421 = arith.constant 0.000000e+00 : f32
    %neg3A_422 = arith.constant 0x7F800000 : f32
    %neg3A_423 = arith.subf %neg3A_421, %neg3A_422 : f32
    %broadcast_in_dim3A_424 = vector.broadcast %neg3A_423 : f32 to vector<1x512xf32>
    %select_n3A_425 = arith.select %eq3A_420, %broadcast_in_dim3A_424, %select_n3A_401 : vector<1x512xi1>, vector<1x512xf32>
    %reduce_max3A_426 = arith.constant dense<0xFF800000> : vector<1xf32>
    %reduce_max3A_427 = vector.multi_reduction <maximumf>, %select_n3A_425, %reduce_max3A_426 [1] : vector<1x512xf32> to vector<1xf32>
    %broadcast_in_dim3A_428 = vector.shape_cast %reduce_max3A_427 : vector<1xf32> to vector<1x1xf32>
    %eq3A_429 = vector.broadcast %broadcast_in_dim3A_428 : vector<1x1xf32> to vector<1x512xf32>
    %eq3A_430 = arith.cmpf oeq, %select_n3A_425, %eq3A_429 : vector<1x512xf32>
    %jit3A_431 = arith.constant 512 : i32
    %broadcast_in_dim3A_432 = vector.broadcast %jit3A_431 : i32 to vector<1x512xi32>
    %select_n3A_433 = arith.select %eq3A_430, %iota3A_353, %broadcast_in_dim3A_432 : vector<1x512xi1>, vector<1x512xi32>
    %reduce_min3A_434 = arith.constant dense<2147483647> : vector<1xi32>
    %reduce_min3A_435 = vector.multi_reduction <minsi>, %select_n3A_433, %reduce_min3A_434 [1] : vector<1x512xi32> to vector<1xi32>
    %broadcast_in_dim3A_436 = vector.shape_cast %reduce_min3A_435 : vector<1xi32> to vector<1x1xi32>
    %eq3A_437 = arith.constant 3 : i32
    %eq3A_438 = vector.broadcast %eq3A_437 : i32 to vector<1x16xi32>
    %eq3A_439 = arith.cmpi eq, %iota3A_354, %eq3A_438 : vector<1x16xi32>
    %broadcast_in_dim3A_440 = vector.shape_cast %broadcast_in_dim3A_436 : vector<1x1xi32> to vector<1x1xi32>
    %broadcast_in_dim3A_441 = vector.broadcast %broadcast_in_dim3A_440 : vector<1x1xi32> to vector<1x16xi32>
    %select_n3A_442 = arith.select %eq3A_439, %broadcast_in_dim3A_441, %select_n3A_418 : vector<1x16xi1>, vector<1x16xi32>
    %eq3A_443 = vector.broadcast %broadcast_in_dim3A_436 : vector<1x1xi32> to vector<1x512xi32>
    %eq3A_444 = arith.cmpi eq, %iota3A_353, %eq3A_443 : vector<1x512xi32>
    %neg3A_445 = arith.constant 0.000000e+00 : f32
    %neg3A_446 = arith.constant 0x7F800000 : f32
    %neg3A_447 = arith.subf %neg3A_445, %neg3A_446 : f32
    %broadcast_in_dim3A_448 = vector.broadcast %neg3A_447 : f32 to vector<1x512xf32>
    %select_n3A_449 = arith.select %eq3A_444, %broadcast_in_dim3A_448, %select_n3A_425 : vector<1x512xi1>, vector<1x512xf32>
    %reduce_max3A_450 = arith.constant dense<0xFF800000> : vector<1xf32>
    %reduce_max3A_451 = vector.multi_reduction <maximumf>, %select_n3A_449, %reduce_max3A_450 [1] : vector<1x512xf32> to vector<1xf32>
    %broadcast_in_dim3A_452 = vector.shape_cast %reduce_max3A_451 : vector<1xf32> to vector<1x1xf32>
    %eq3A_453 = vector.broadcast %broadcast_in_dim3A_452 : vector<1x1xf32> to vector<1x512xf32>
    %eq3A_454 = arith.cmpf oeq, %select_n3A_449, %eq3A_453 : vector<1x512xf32>
    %jit3A_455 = arith.constant 512 : i32
    %broadcast_in_dim3A_456 = vector.broadcast %jit3A_455 : i32 to vector<1x512xi32>
    %select_n3A_457 = arith.select %eq3A_454, %iota3A_353, %broadcast_in_dim3A_456 : vector<1x512xi1>, vector<1x512xi32>
    %reduce_min3A_458 = arith.constant dense<2147483647> : vector<1xi32>
    %reduce_min3A_459 = vector.multi_reduction <minsi>, %select_n3A_457, %reduce_min3A_458 [1] : vector<1x512xi32> to vector<1xi32>
    %broadcast_in_dim3A_460 = vector.shape_cast %reduce_min3A_459 : vector<1xi32> to vector<1x1xi32>
    %eq3A_461 = arith.constant 4 : i32
    %eq3A_462 = vector.broadcast %eq3A_461 : i32 to vector<1x16xi32>
    %eq3A_463 = arith.cmpi eq, %iota3A_354, %eq3A_462 : vector<1x16xi32>
    %broadcast_in_dim3A_464 = vector.shape_cast %broadcast_in_dim3A_460 : vector<1x1xi32> to vector<1x1xi32>
    %broadcast_in_dim3A_465 = vector.broadcast %broadcast_in_dim3A_464 : vector<1x1xi32> to vector<1x16xi32>
    %select_n3A_466 = arith.select %eq3A_463, %broadcast_in_dim3A_465, %select_n3A_442 : vector<1x16xi1>, vector<1x16xi32>
    %eq3A_467 = vector.broadcast %broadcast_in_dim3A_460 : vector<1x1xi32> to vector<1x512xi32>
    %eq3A_468 = arith.cmpi eq, %iota3A_353, %eq3A_467 : vector<1x512xi32>
    %neg3A_469 = arith.constant 0.000000e+00 : f32
    %neg3A_470 = arith.constant 0x7F800000 : f32
    %neg3A_471 = arith.subf %neg3A_469, %neg3A_470 : f32
    %broadcast_in_dim3A_472 = vector.broadcast %neg3A_471 : f32 to vector<1x512xf32>
    %select_n3A_473 = arith.select %eq3A_468, %broadcast_in_dim3A_472, %select_n3A_449 : vector<1x512xi1>, vector<1x512xf32>
    %reduce_max3A_474 = arith.constant dense<0xFF800000> : vector<1xf32>
    %reduce_max3A_475 = vector.multi_reduction <maximumf>, %select_n3A_473, %reduce_max3A_474 [1] : vector<1x512xf32> to vector<1xf32>
    %broadcast_in_dim3A_476 = vector.shape_cast %reduce_max3A_475 : vector<1xf32> to vector<1x1xf32>
    %eq3A_477 = vector.broadcast %broadcast_in_dim3A_476 : vector<1x1xf32> to vector<1x512xf32>
    %eq3A_478 = arith.cmpf oeq, %select_n3A_473, %eq3A_477 : vector<1x512xf32>
    %jit3A_479 = arith.constant 512 : i32
    %broadcast_in_dim3A_480 = vector.broadcast %jit3A_479 : i32 to vector<1x512xi32>
    %select_n3A_481 = arith.select %eq3A_478, %iota3A_353, %broadcast_in_dim3A_480 : vector<1x512xi1>, vector<1x512xi32>
    %reduce_min3A_482 = arith.constant dense<2147483647> : vector<1xi32>
    %reduce_min3A_483 = vector.multi_reduction <minsi>, %select_n3A_481, %reduce_min3A_482 [1] : vector<1x512xi32> to vector<1xi32>
    %broadcast_in_dim3A_484 = vector.shape_cast %reduce_min3A_483 : vector<1xi32> to vector<1x1xi32>
    %eq3A_485 = arith.constant 5 : i32
    %eq3A_486 = vector.broadcast %eq3A_485 : i32 to vector<1x16xi32>
    %eq3A_487 = arith.cmpi eq, %iota3A_354, %eq3A_486 : vector<1x16xi32>
    %broadcast_in_dim3A_488 = vector.shape_cast %broadcast_in_dim3A_484 : vector<1x1xi32> to vector<1x1xi32>
    %broadcast_in_dim3A_489 = vector.broadcast %broadcast_in_dim3A_488 : vector<1x1xi32> to vector<1x16xi32>
    %select_n3A_490 = arith.select %eq3A_487, %broadcast_in_dim3A_489, %select_n3A_466 : vector<1x16xi1>, vector<1x16xi32>
    %eq3A_491 = vector.broadcast %broadcast_in_dim3A_484 : vector<1x1xi32> to vector<1x512xi32>
    %eq3A_492 = arith.cmpi eq, %iota3A_353, %eq3A_491 : vector<1x512xi32>
    %neg3A_493 = arith.constant 0.000000e+00 : f32
    %neg3A_494 = arith.constant 0x7F800000 : f32
    %neg3A_495 = arith.subf %neg3A_493, %neg3A_494 : f32
    %broadcast_in_dim3A_496 = vector.broadcast %neg3A_495 : f32 to vector<1x512xf32>
    %select_n3A_497 = arith.select %eq3A_492, %broadcast_in_dim3A_496, %select_n3A_473 : vector<1x512xi1>, vector<1x512xf32>
    %reduce_max3A_498 = arith.constant dense<0xFF800000> : vector<1xf32>
    %reduce_max3A_499 = vector.multi_reduction <maximumf>, %select_n3A_497, %reduce_max3A_498 [1] : vector<1x512xf32> to vector<1xf32>
    %broadcast_in_dim3A_500 = vector.shape_cast %reduce_max3A_499 : vector<1xf32> to vector<1x1xf32>
    %eq3A_501 = vector.broadcast %broadcast_in_dim3A_500 : vector<1x1xf32> to vector<1x512xf32>
    %eq3A_502 = arith.cmpf oeq, %select_n3A_497, %eq3A_501 : vector<1x512xf32>
    %jit3A_503 = arith.constant 512 : i32
    %broadcast_in_dim3A_504 = vector.broadcast %jit3A_503 : i32 to vector<1x512xi32>
    %select_n3A_505 = arith.select %eq3A_502, %iota3A_353, %broadcast_in_dim3A_504 : vector<1x512xi1>, vector<1x512xi32>
    %reduce_min3A_506 = arith.constant dense<2147483647> : vector<1xi32>
    %reduce_min3A_507 = vector.multi_reduction <minsi>, %select_n3A_505, %reduce_min3A_506 [1] : vector<1x512xi32> to vector<1xi32>
    %broadcast_in_dim3A_508 = vector.shape_cast %reduce_min3A_507 : vector<1xi32> to vector<1x1xi32>
    %eq3A_509 = arith.constant 6 : i32
    %eq3A_510 = vector.broadcast %eq3A_509 : i32 to vector<1x16xi32>
    %eq3A_511 = arith.cmpi eq, %iota3A_354, %eq3A_510 : vector<1x16xi32>
    %broadcast_in_dim3A_512 = vector.shape_cast %broadcast_in_dim3A_508 : vector<1x1xi32> to vector<1x1xi32>
    %broadcast_in_dim3A_513 = vector.broadcast %broadcast_in_dim3A_512 : vector<1x1xi32> to vector<1x16xi32>
    %select_n3A_514 = arith.select %eq3A_511, %broadcast_in_dim3A_513, %select_n3A_490 : vector<1x16xi1>, vector<1x16xi32>
    %eq3A_515 = vector.broadcast %broadcast_in_dim3A_508 : vector<1x1xi32> to vector<1x512xi32>
    %eq3A_516 = arith.cmpi eq, %iota3A_353, %eq3A_515 : vector<1x512xi32>
    %neg3A_517 = arith.constant 0.000000e+00 : f32
    %neg3A_518 = arith.constant 0x7F800000 : f32
    %neg3A_519 = arith.subf %neg3A_517, %neg3A_518 : f32
    %broadcast_in_dim3A_520 = vector.broadcast %neg3A_519 : f32 to vector<1x512xf32>
    %select_n3A_521 = arith.select %eq3A_516, %broadcast_in_dim3A_520, %select_n3A_497 : vector<1x512xi1>, vector<1x512xf32>
    %reduce_max3A_522 = arith.constant dense<0xFF800000> : vector<1xf32>
    %reduce_max3A_523 = vector.multi_reduction <maximumf>, %select_n3A_521, %reduce_max3A_522 [1] : vector<1x512xf32> to vector<1xf32>
    %broadcast_in_dim3A_524 = vector.shape_cast %reduce_max3A_523 : vector<1xf32> to vector<1x1xf32>
    %eq3A_525 = vector.broadcast %broadcast_in_dim3A_524 : vector<1x1xf32> to vector<1x512xf32>
    %eq3A_526 = arith.cmpf oeq, %select_n3A_521, %eq3A_525 : vector<1x512xf32>
    %jit3A_527 = arith.constant 512 : i32
    %broadcast_in_dim3A_528 = vector.broadcast %jit3A_527 : i32 to vector<1x512xi32>
    %select_n3A_529 = arith.select %eq3A_526, %iota3A_353, %broadcast_in_dim3A_528 : vector<1x512xi1>, vector<1x512xi32>
    %reduce_min3A_530 = arith.constant dense<2147483647> : vector<1xi32>
    %reduce_min3A_531 = vector.multi_reduction <minsi>, %select_n3A_529, %reduce_min3A_530 [1] : vector<1x512xi32> to vector<1xi32>
    %broadcast_in_dim3A_532 = vector.shape_cast %reduce_min3A_531 : vector<1xi32> to vector<1x1xi32>
    %eq3A_533 = arith.constant 7 : i32
    %eq3A_534 = vector.broadcast %eq3A_533 : i32 to vector<1x16xi32>
    %eq3A_535 = arith.cmpi eq, %iota3A_354, %eq3A_534 : vector<1x16xi32>
    %broadcast_in_dim3A_536 = vector.shape_cast %broadcast_in_dim3A_532 : vector<1x1xi32> to vector<1x1xi32>
    %broadcast_in_dim3A_537 = vector.broadcast %broadcast_in_dim3A_536 : vector<1x1xi32> to vector<1x16xi32>
    %select_n3A_538 = arith.select %eq3A_535, %broadcast_in_dim3A_537, %select_n3A_514 : vector<1x16xi1>, vector<1x16xi32>
    %eq3A_539 = vector.broadcast %broadcast_in_dim3A_532 : vector<1x1xi32> to vector<1x512xi32>
    %eq3A_540 = arith.cmpi eq, %iota3A_353, %eq3A_539 : vector<1x512xi32>
    %neg3A_541 = arith.constant 0.000000e+00 : f32
    %neg3A_542 = arith.constant 0x7F800000 : f32
    %neg3A_543 = arith.subf %neg3A_541, %neg3A_542 : f32
    %broadcast_in_dim3A_544 = vector.broadcast %neg3A_543 : f32 to vector<1x512xf32>
    %select_n3A_545 = arith.select %eq3A_540, %broadcast_in_dim3A_544, %select_n3A_521 : vector<1x512xi1>, vector<1x512xf32>
    %reduce_max3A_546 = arith.constant dense<0xFF800000> : vector<1xf32>
    %reduce_max3A_547 = vector.multi_reduction <maximumf>, %select_n3A_545, %reduce_max3A_546 [1] : vector<1x512xf32> to vector<1xf32>
    %broadcast_in_dim3A_548 = vector.shape_cast %reduce_max3A_547 : vector<1xf32> to vector<1x1xf32>
    %eq3A_549 = vector.broadcast %broadcast_in_dim3A_548 : vector<1x1xf32> to vector<1x512xf32>
    %eq3A_550 = arith.cmpf oeq, %select_n3A_545, %eq3A_549 : vector<1x512xf32>
    %jit3A_551 = arith.constant 512 : i32
    %broadcast_in_dim3A_552 = vector.broadcast %jit3A_551 : i32 to vector<1x512xi32>
    %select_n3A_553 = arith.select %eq3A_550, %iota3A_353, %broadcast_in_dim3A_552 : vector<1x512xi1>, vector<1x512xi32>
    %reduce_min3A_554 = arith.constant dense<2147483647> : vector<1xi32>
    %reduce_min3A_555 = vector.multi_reduction <minsi>, %select_n3A_553, %reduce_min3A_554 [1] : vector<1x512xi32> to vector<1xi32>
    %broadcast_in_dim3A_556 = vector.shape_cast %reduce_min3A_555 : vector<1xi32> to vector<1x1xi32>
    %eq3A_557 = arith.constant 8 : i32
    %eq3A_558 = vector.broadcast %eq3A_557 : i32 to vector<1x16xi32>
    %eq3A_559 = arith.cmpi eq, %iota3A_354, %eq3A_558 : vector<1x16xi32>
    %broadcast_in_dim3A_560 = vector.shape_cast %broadcast_in_dim3A_556 : vector<1x1xi32> to vector<1x1xi32>
    %broadcast_in_dim3A_561 = vector.broadcast %broadcast_in_dim3A_560 : vector<1x1xi32> to vector<1x16xi32>
    %select_n3A_562 = arith.select %eq3A_559, %broadcast_in_dim3A_561, %select_n3A_538 : vector<1x16xi1>, vector<1x16xi32>
    %eq3A_563 = vector.broadcast %broadcast_in_dim3A_556 : vector<1x1xi32> to vector<1x512xi32>
    %eq3A_564 = arith.cmpi eq, %iota3A_353, %eq3A_563 : vector<1x512xi32>
    %neg3A_565 = arith.constant 0.000000e+00 : f32
    %neg3A_566 = arith.constant 0x7F800000 : f32
    %neg3A_567 = arith.subf %neg3A_565, %neg3A_566 : f32
    %broadcast_in_dim3A_568 = vector.broadcast %neg3A_567 : f32 to vector<1x512xf32>
    %select_n3A_569 = arith.select %eq3A_564, %broadcast_in_dim3A_568, %select_n3A_545 : vector<1x512xi1>, vector<1x512xf32>
    %reduce_max3A_570 = arith.constant dense<0xFF800000> : vector<1xf32>
    %reduce_max3A_571 = vector.multi_reduction <maximumf>, %select_n3A_569, %reduce_max3A_570 [1] : vector<1x512xf32> to vector<1xf32>
    %broadcast_in_dim3A_572 = vector.shape_cast %reduce_max3A_571 : vector<1xf32> to vector<1x1xf32>
    %eq3A_573 = vector.broadcast %broadcast_in_dim3A_572 : vector<1x1xf32> to vector<1x512xf32>
    %eq3A_574 = arith.cmpf oeq, %select_n3A_569, %eq3A_573 : vector<1x512xf32>
    %jit3A_575 = arith.constant 512 : i32
    %broadcast_in_dim3A_576 = vector.broadcast %jit3A_575 : i32 to vector<1x512xi32>
    %select_n3A_577 = arith.select %eq3A_574, %iota3A_353, %broadcast_in_dim3A_576 : vector<1x512xi1>, vector<1x512xi32>
    %reduce_min3A_578 = arith.constant dense<2147483647> : vector<1xi32>
    %reduce_min3A_579 = vector.multi_reduction <minsi>, %select_n3A_577, %reduce_min3A_578 [1] : vector<1x512xi32> to vector<1xi32>
    %broadcast_in_dim3A_580 = vector.shape_cast %reduce_min3A_579 : vector<1xi32> to vector<1x1xi32>
    %eq3A_581 = arith.constant 9 : i32
    %eq3A_582 = vector.broadcast %eq3A_581 : i32 to vector<1x16xi32>
    %eq3A_583 = arith.cmpi eq, %iota3A_354, %eq3A_582 : vector<1x16xi32>
    %broadcast_in_dim3A_584 = vector.shape_cast %broadcast_in_dim3A_580 : vector<1x1xi32> to vector<1x1xi32>
    %broadcast_in_dim3A_585 = vector.broadcast %broadcast_in_dim3A_584 : vector<1x1xi32> to vector<1x16xi32>
    %select_n3A_586 = arith.select %eq3A_583, %broadcast_in_dim3A_585, %select_n3A_562 : vector<1x16xi1>, vector<1x16xi32>
    %iota3A_587 = tpu.iota {dimensions = array<i32: 1>} : vector<1x1024xi32>
    %iota3A_588 = tpu.iota {dimensions = array<i32: 1>} : vector<1x32xi32>
    %broadcast_in_dim3A_589 = arith.constant 0 : i32
    %broadcast_in_dim3A_590 = vector.broadcast %broadcast_in_dim3A_589 : i32 to vector<1x32xi32>
    %reduce_max3A_591 = arith.constant dense<0xFF800000> : vector<1xf32>
    %reduce_max3A_592 = vector.multi_reduction <maximumf>, %div3A_340, %reduce_max3A_591 [1] : vector<1x1024xf32> to vector<1xf32>
    %broadcast_in_dim3A_593 = vector.shape_cast %reduce_max3A_592 : vector<1xf32> to vector<1x1xf32>
    %eq3A_594 = vector.broadcast %broadcast_in_dim3A_593 : vector<1x1xf32> to vector<1x1024xf32>
    %eq3A_595 = arith.cmpf oeq, %div3A_340, %eq3A_594 : vector<1x1024xf32>
    %jit3A_596 = arith.constant 1024 : i32
    %broadcast_in_dim3A_597 = vector.broadcast %jit3A_596 : i32 to vector<1x1024xi32>
    %select_n3A_598 = arith.select %eq3A_595, %iota3A_587, %broadcast_in_dim3A_597 : vector<1x1024xi1>, vector<1x1024xi32>
    %reduce_min3A_599 = arith.constant dense<2147483647> : vector<1xi32>
    %reduce_min3A_600 = vector.multi_reduction <minsi>, %select_n3A_598, %reduce_min3A_599 [1] : vector<1x1024xi32> to vector<1xi32>
    %broadcast_in_dim3A_601 = vector.shape_cast %reduce_min3A_600 : vector<1xi32> to vector<1x1xi32>
    %eq3A_602 = arith.constant 0 : i32
    %eq3A_603 = vector.broadcast %eq3A_602 : i32 to vector<1x32xi32>
    %eq3A_604 = arith.cmpi eq, %iota3A_588, %eq3A_603 : vector<1x32xi32>
    %broadcast_in_dim3A_605 = vector.shape_cast %broadcast_in_dim3A_601 : vector<1x1xi32> to vector<1x1xi32>
    %broadcast_in_dim3A_606 = vector.broadcast %broadcast_in_dim3A_605 : vector<1x1xi32> to vector<1x32xi32>
    %select_n3A_607 = arith.select %eq3A_604, %broadcast_in_dim3A_606, %broadcast_in_dim3A_590 : vector<1x32xi1>, vector<1x32xi32>
    %eq3A_608 = vector.broadcast %broadcast_in_dim3A_601 : vector<1x1xi32> to vector<1x1024xi32>
    %eq3A_609 = arith.cmpi eq, %iota3A_587, %eq3A_608 : vector<1x1024xi32>
    %neg3A_610 = arith.constant 0.000000e+00 : f32
    %neg3A_611 = arith.constant 0x7F800000 : f32
    %neg3A_612 = arith.subf %neg3A_610, %neg3A_611 : f32
    %broadcast_in_dim3A_613 = vector.broadcast %neg3A_612 : f32 to vector<1x1024xf32>
    %select_n3A_614 = arith.select %eq3A_609, %broadcast_in_dim3A_613, %div3A_340 : vector<1x1024xi1>, vector<1x1024xf32>
    %reduce_max3A_615 = arith.constant dense<0xFF800000> : vector<1xf32>
    %reduce_max3A_616 = vector.multi_reduction <maximumf>, %select_n3A_614, %reduce_max3A_615 [1] : vector<1x1024xf32> to vector<1xf32>
    %broadcast_in_dim3A_617 = vector.shape_cast %reduce_max3A_616 : vector<1xf32> to vector<1x1xf32>
    %eq3A_618 = vector.broadcast %broadcast_in_dim3A_617 : vector<1x1xf32> to vector<1x1024xf32>
    %eq3A_619 = arith.cmpf oeq, %select_n3A_614, %eq3A_618 : vector<1x1024xf32>
    %jit3A_620 = arith.constant 1024 : i32
    %broadcast_in_dim3A_621 = vector.broadcast %jit3A_620 : i32 to vector<1x1024xi32>
    %select_n3A_622 = arith.select %eq3A_619, %iota3A_587, %broadcast_in_dim3A_621 : vector<1x1024xi1>, vector<1x1024xi32>
    %reduce_min3A_623 = arith.constant dense<2147483647> : vector<1xi32>
    %reduce_min3A_624 = vector.multi_reduction <minsi>, %select_n3A_622, %reduce_min3A_623 [1] : vector<1x1024xi32> to vector<1xi32>
    %broadcast_in_dim3A_625 = vector.shape_cast %reduce_min3A_624 : vector<1xi32> to vector<1x1xi32>
    %eq3A_626 = arith.constant 1 : i32
    %eq3A_627 = vector.broadcast %eq3A_626 : i32 to vector<1x32xi32>
    %eq3A_628 = arith.cmpi eq, %iota3A_588, %eq3A_627 : vector<1x32xi32>
    %broadcast_in_dim3A_629 = vector.shape_cast %broadcast_in_dim3A_625 : vector<1x1xi32> to vector<1x1xi32>
    %broadcast_in_dim3A_630 = vector.broadcast %broadcast_in_dim3A_629 : vector<1x1xi32> to vector<1x32xi32>
    %select_n3A_631 = arith.select %eq3A_628, %broadcast_in_dim3A_630, %select_n3A_607 : vector<1x32xi1>, vector<1x32xi32>
    %eq3A_632 = vector.broadcast %broadcast_in_dim3A_625 : vector<1x1xi32> to vector<1x1024xi32>
    %eq3A_633 = arith.cmpi eq, %iota3A_587, %eq3A_632 : vector<1x1024xi32>
    %neg3A_634 = arith.constant 0.000000e+00 : f32
    %neg3A_635 = arith.constant 0x7F800000 : f32
    %neg3A_636 = arith.subf %neg3A_634, %neg3A_635 : f32
    %broadcast_in_dim3A_637 = vector.broadcast %neg3A_636 : f32 to vector<1x1024xf32>
    %select_n3A_638 = arith.select %eq3A_633, %broadcast_in_dim3A_637, %select_n3A_614 : vector<1x1024xi1>, vector<1x1024xf32>
    %reduce_max3A_639 = arith.constant dense<0xFF800000> : vector<1xf32>
    %reduce_max3A_640 = vector.multi_reduction <maximumf>, %select_n3A_638, %reduce_max3A_639 [1] : vector<1x1024xf32> to vector<1xf32>
    %broadcast_in_dim3A_641 = vector.shape_cast %reduce_max3A_640 : vector<1xf32> to vector<1x1xf32>
    %eq3A_642 = vector.broadcast %broadcast_in_dim3A_641 : vector<1x1xf32> to vector<1x1024xf32>
    %eq3A_643 = arith.cmpf oeq, %select_n3A_638, %eq3A_642 : vector<1x1024xf32>
    %jit3A_644 = arith.constant 1024 : i32
    %broadcast_in_dim3A_645 = vector.broadcast %jit3A_644 : i32 to vector<1x1024xi32>
    %select_n3A_646 = arith.select %eq3A_643, %iota3A_587, %broadcast_in_dim3A_645 : vector<1x1024xi1>, vector<1x1024xi32>
    %reduce_min3A_647 = arith.constant dense<2147483647> : vector<1xi32>
    %reduce_min3A_648 = vector.multi_reduction <minsi>, %select_n3A_646, %reduce_min3A_647 [1] : vector<1x1024xi32> to vector<1xi32>
    %broadcast_in_dim3A_649 = vector.shape_cast %reduce_min3A_648 : vector<1xi32> to vector<1x1xi32>
    %eq3A_650 = arith.constant 2 : i32
    %eq3A_651 = vector.broadcast %eq3A_650 : i32 to vector<1x32xi32>
    %eq3A_652 = arith.cmpi eq, %iota3A_588, %eq3A_651 : vector<1x32xi32>
    %broadcast_in_dim3A_653 = vector.shape_cast %broadcast_in_dim3A_649 : vector<1x1xi32> to vector<1x1xi32>
    %broadcast_in_dim3A_654 = vector.broadcast %broadcast_in_dim3A_653 : vector<1x1xi32> to vector<1x32xi32>
    %select_n3A_655 = arith.select %eq3A_652, %broadcast_in_dim3A_654, %select_n3A_631 : vector<1x32xi1>, vector<1x32xi32>
    %eq3A_656 = vector.broadcast %broadcast_in_dim3A_649 : vector<1x1xi32> to vector<1x1024xi32>
    %eq3A_657 = arith.cmpi eq, %iota3A_587, %eq3A_656 : vector<1x1024xi32>
    %neg3A_658 = arith.constant 0.000000e+00 : f32
    %neg3A_659 = arith.constant 0x7F800000 : f32
    %neg3A_660 = arith.subf %neg3A_658, %neg3A_659 : f32
    %broadcast_in_dim3A_661 = vector.broadcast %neg3A_660 : f32 to vector<1x1024xf32>
    %select_n3A_662 = arith.select %eq3A_657, %broadcast_in_dim3A_661, %select_n3A_638 : vector<1x1024xi1>, vector<1x1024xf32>
    %reduce_max3A_663 = arith.constant dense<0xFF800000> : vector<1xf32>
    %reduce_max3A_664 = vector.multi_reduction <maximumf>, %select_n3A_662, %reduce_max3A_663 [1] : vector<1x1024xf32> to vector<1xf32>
    %broadcast_in_dim3A_665 = vector.shape_cast %reduce_max3A_664 : vector<1xf32> to vector<1x1xf32>
    %eq3A_666 = vector.broadcast %broadcast_in_dim3A_665 : vector<1x1xf32> to vector<1x1024xf32>
    %eq3A_667 = arith.cmpf oeq, %select_n3A_662, %eq3A_666 : vector<1x1024xf32>
    %jit3A_668 = arith.constant 1024 : i32
    %broadcast_in_dim3A_669 = vector.broadcast %jit3A_668 : i32 to vector<1x1024xi32>
    %select_n3A_670 = arith.select %eq3A_667, %iota3A_587, %broadcast_in_dim3A_669 : vector<1x1024xi1>, vector<1x1024xi32>
    %reduce_min3A_671 = arith.constant dense<2147483647> : vector<1xi32>
    %reduce_min3A_672 = vector.multi_reduction <minsi>, %select_n3A_670, %reduce_min3A_671 [1] : vector<1x1024xi32> to vector<1xi32>
    %broadcast_in_dim3A_673 = vector.shape_cast %reduce_min3A_672 : vector<1xi32> to vector<1x1xi32>
    %eq3A_674 = arith.constant 3 : i32
    %eq3A_675 = vector.broadcast %eq3A_674 : i32 to vector<1x32xi32>
    %eq3A_676 = arith.cmpi eq, %iota3A_588, %eq3A_675 : vector<1x32xi32>
    %broadcast_in_dim3A_677 = vector.shape_cast %broadcast_in_dim3A_673 : vector<1x1xi32> to vector<1x1xi32>
    %broadcast_in_dim3A_678 = vector.broadcast %broadcast_in_dim3A_677 : vector<1x1xi32> to vector<1x32xi32>
    %select_n3A_679 = arith.select %eq3A_676, %broadcast_in_dim3A_678, %select_n3A_655 : vector<1x32xi1>, vector<1x32xi32>
    %eq3A_680 = vector.broadcast %broadcast_in_dim3A_673 : vector<1x1xi32> to vector<1x1024xi32>
    %eq3A_681 = arith.cmpi eq, %iota3A_587, %eq3A_680 : vector<1x1024xi32>
    %neg3A_682 = arith.constant 0.000000e+00 : f32
    %neg3A_683 = arith.constant 0x7F800000 : f32
    %neg3A_684 = arith.subf %neg3A_682, %neg3A_683 : f32
    %broadcast_in_dim3A_685 = vector.broadcast %neg3A_684 : f32 to vector<1x1024xf32>
    %select_n3A_686 = arith.select %eq3A_681, %broadcast_in_dim3A_685, %select_n3A_662 : vector<1x1024xi1>, vector<1x1024xf32>
    %reduce_max3A_687 = arith.constant dense<0xFF800000> : vector<1xf32>
    %reduce_max3A_688 = vector.multi_reduction <maximumf>, %select_n3A_686, %reduce_max3A_687 [1] : vector<1x1024xf32> to vector<1xf32>
    %broadcast_in_dim3A_689 = vector.shape_cast %reduce_max3A_688 : vector<1xf32> to vector<1x1xf32>
    %eq3A_690 = vector.broadcast %broadcast_in_dim3A_689 : vector<1x1xf32> to vector<1x1024xf32>
    %eq3A_691 = arith.cmpf oeq, %select_n3A_686, %eq3A_690 : vector<1x1024xf32>
    %jit3A_692 = arith.constant 1024 : i32
    %broadcast_in_dim3A_693 = vector.broadcast %jit3A_692 : i32 to vector<1x1024xi32>
    %select_n3A_694 = arith.select %eq3A_691, %iota3A_587, %broadcast_in_dim3A_693 : vector<1x1024xi1>, vector<1x1024xi32>
    %reduce_min3A_695 = arith.constant dense<2147483647> : vector<1xi32>
    %reduce_min3A_696 = vector.multi_reduction <minsi>, %select_n3A_694, %reduce_min3A_695 [1] : vector<1x1024xi32> to vector<1xi32>
    %broadcast_in_dim3A_697 = vector.shape_cast %reduce_min3A_696 : vector<1xi32> to vector<1x1xi32>
    %eq3A_698 = arith.constant 4 : i32
    %eq3A_699 = vector.broadcast %eq3A_698 : i32 to vector<1x32xi32>
    %eq3A_700 = arith.cmpi eq, %iota3A_588, %eq3A_699 : vector<1x32xi32>
    %broadcast_in_dim3A_701 = vector.shape_cast %broadcast_in_dim3A_697 : vector<1x1xi32> to vector<1x1xi32>
    %broadcast_in_dim3A_702 = vector.broadcast %broadcast_in_dim3A_701 : vector<1x1xi32> to vector<1x32xi32>
    %select_n3A_703 = arith.select %eq3A_700, %broadcast_in_dim3A_702, %select_n3A_679 : vector<1x32xi1>, vector<1x32xi32>
    %eq3A_704 = vector.broadcast %broadcast_in_dim3A_697 : vector<1x1xi32> to vector<1x1024xi32>
    %eq3A_705 = arith.cmpi eq, %iota3A_587, %eq3A_704 : vector<1x1024xi32>
    %neg3A_706 = arith.constant 0.000000e+00 : f32
    %neg3A_707 = arith.constant 0x7F800000 : f32
    %neg3A_708 = arith.subf %neg3A_706, %neg3A_707 : f32
    %broadcast_in_dim3A_709 = vector.broadcast %neg3A_708 : f32 to vector<1x1024xf32>
    %select_n3A_710 = arith.select %eq3A_705, %broadcast_in_dim3A_709, %select_n3A_686 : vector<1x1024xi1>, vector<1x1024xf32>
    %reduce_max3A_711 = arith.constant dense<0xFF800000> : vector<1xf32>
    %reduce_max3A_712 = vector.multi_reduction <maximumf>, %select_n3A_710, %reduce_max3A_711 [1] : vector<1x1024xf32> to vector<1xf32>
    %broadcast_in_dim3A_713 = vector.shape_cast %reduce_max3A_712 : vector<1xf32> to vector<1x1xf32>
    %eq3A_714 = vector.broadcast %broadcast_in_dim3A_713 : vector<1x1xf32> to vector<1x1024xf32>
    %eq3A_715 = arith.cmpf oeq, %select_n3A_710, %eq3A_714 : vector<1x1024xf32>
    %jit3A_716 = arith.constant 1024 : i32
    %broadcast_in_dim3A_717 = vector.broadcast %jit3A_716 : i32 to vector<1x1024xi32>
    %select_n3A_718 = arith.select %eq3A_715, %iota3A_587, %broadcast_in_dim3A_717 : vector<1x1024xi1>, vector<1x1024xi32>
    %reduce_min3A_719 = arith.constant dense<2147483647> : vector<1xi32>
    %reduce_min3A_720 = vector.multi_reduction <minsi>, %select_n3A_718, %reduce_min3A_719 [1] : vector<1x1024xi32> to vector<1xi32>
    %broadcast_in_dim3A_721 = vector.shape_cast %reduce_min3A_720 : vector<1xi32> to vector<1x1xi32>
    %eq3A_722 = arith.constant 5 : i32
    %eq3A_723 = vector.broadcast %eq3A_722 : i32 to vector<1x32xi32>
    %eq3A_724 = arith.cmpi eq, %iota3A_588, %eq3A_723 : vector<1x32xi32>
    %broadcast_in_dim3A_725 = vector.shape_cast %broadcast_in_dim3A_721 : vector<1x1xi32> to vector<1x1xi32>
    %broadcast_in_dim3A_726 = vector.broadcast %broadcast_in_dim3A_725 : vector<1x1xi32> to vector<1x32xi32>
    %select_n3A_727 = arith.select %eq3A_724, %broadcast_in_dim3A_726, %select_n3A_703 : vector<1x32xi1>, vector<1x32xi32>
    %eq3A_728 = vector.broadcast %broadcast_in_dim3A_721 : vector<1x1xi32> to vector<1x1024xi32>
    %eq3A_729 = arith.cmpi eq, %iota3A_587, %eq3A_728 : vector<1x1024xi32>
    %neg3A_730 = arith.constant 0.000000e+00 : f32
    %neg3A_731 = arith.constant 0x7F800000 : f32
    %neg3A_732 = arith.subf %neg3A_730, %neg3A_731 : f32
    %broadcast_in_dim3A_733 = vector.broadcast %neg3A_732 : f32 to vector<1x1024xf32>
    %select_n3A_734 = arith.select %eq3A_729, %broadcast_in_dim3A_733, %select_n3A_710 : vector<1x1024xi1>, vector<1x1024xf32>
    %reduce_max3A_735 = arith.constant dense<0xFF800000> : vector<1xf32>
    %reduce_max3A_736 = vector.multi_reduction <maximumf>, %select_n3A_734, %reduce_max3A_735 [1] : vector<1x1024xf32> to vector<1xf32>
    %broadcast_in_dim3A_737 = vector.shape_cast %reduce_max3A_736 : vector<1xf32> to vector<1x1xf32>
    %eq3A_738 = vector.broadcast %broadcast_in_dim3A_737 : vector<1x1xf32> to vector<1x1024xf32>
    %eq3A_739 = arith.cmpf oeq, %select_n3A_734, %eq3A_738 : vector<1x1024xf32>
    %jit3A_740 = arith.constant 1024 : i32
    %broadcast_in_dim3A_741 = vector.broadcast %jit3A_740 : i32 to vector<1x1024xi32>
    %select_n3A_742 = arith.select %eq3A_739, %iota3A_587, %broadcast_in_dim3A_741 : vector<1x1024xi1>, vector<1x1024xi32>
    %reduce_min3A_743 = arith.constant dense<2147483647> : vector<1xi32>
    %reduce_min3A_744 = vector.multi_reduction <minsi>, %select_n3A_742, %reduce_min3A_743 [1] : vector<1x1024xi32> to vector<1xi32>
    %broadcast_in_dim3A_745 = vector.shape_cast %reduce_min3A_744 : vector<1xi32> to vector<1x1xi32>
    %eq3A_746 = arith.constant 6 : i32
    %eq3A_747 = vector.broadcast %eq3A_746 : i32 to vector<1x32xi32>
    %eq3A_748 = arith.cmpi eq, %iota3A_588, %eq3A_747 : vector<1x32xi32>
    %broadcast_in_dim3A_749 = vector.shape_cast %broadcast_in_dim3A_745 : vector<1x1xi32> to vector<1x1xi32>
    %broadcast_in_dim3A_750 = vector.broadcast %broadcast_in_dim3A_749 : vector<1x1xi32> to vector<1x32xi32>
    %select_n3A_751 = arith.select %eq3A_748, %broadcast_in_dim3A_750, %select_n3A_727 : vector<1x32xi1>, vector<1x32xi32>
    %eq3A_752 = vector.broadcast %broadcast_in_dim3A_745 : vector<1x1xi32> to vector<1x1024xi32>
    %eq3A_753 = arith.cmpi eq, %iota3A_587, %eq3A_752 : vector<1x1024xi32>
    %neg3A_754 = arith.constant 0.000000e+00 : f32
    %neg3A_755 = arith.constant 0x7F800000 : f32
    %neg3A_756 = arith.subf %neg3A_754, %neg3A_755 : f32
    %broadcast_in_dim3A_757 = vector.broadcast %neg3A_756 : f32 to vector<1x1024xf32>
    %select_n3A_758 = arith.select %eq3A_753, %broadcast_in_dim3A_757, %select_n3A_734 : vector<1x1024xi1>, vector<1x1024xf32>
    %reduce_max3A_759 = arith.constant dense<0xFF800000> : vector<1xf32>
    %reduce_max3A_760 = vector.multi_reduction <maximumf>, %select_n3A_758, %reduce_max3A_759 [1] : vector<1x1024xf32> to vector<1xf32>
    %broadcast_in_dim3A_761 = vector.shape_cast %reduce_max3A_760 : vector<1xf32> to vector<1x1xf32>
    %eq3A_762 = vector.broadcast %broadcast_in_dim3A_761 : vector<1x1xf32> to vector<1x1024xf32>
    %eq3A_763 = arith.cmpf oeq, %select_n3A_758, %eq3A_762 : vector<1x1024xf32>
    %jit3A_764 = arith.constant 1024 : i32
    %broadcast_in_dim3A_765 = vector.broadcast %jit3A_764 : i32 to vector<1x1024xi32>
    %select_n3A_766 = arith.select %eq3A_763, %iota3A_587, %broadcast_in_dim3A_765 : vector<1x1024xi1>, vector<1x1024xi32>
    %reduce_min3A_767 = arith.constant dense<2147483647> : vector<1xi32>
    %reduce_min3A_768 = vector.multi_reduction <minsi>, %select_n3A_766, %reduce_min3A_767 [1] : vector<1x1024xi32> to vector<1xi32>
    %broadcast_in_dim3A_769 = vector.shape_cast %reduce_min3A_768 : vector<1xi32> to vector<1x1xi32>
    %eq3A_770 = arith.constant 7 : i32
    %eq3A_771 = vector.broadcast %eq3A_770 : i32 to vector<1x32xi32>
    %eq3A_772 = arith.cmpi eq, %iota3A_588, %eq3A_771 : vector<1x32xi32>
    %broadcast_in_dim3A_773 = vector.shape_cast %broadcast_in_dim3A_769 : vector<1x1xi32> to vector<1x1xi32>
    %broadcast_in_dim3A_774 = vector.broadcast %broadcast_in_dim3A_773 : vector<1x1xi32> to vector<1x32xi32>
    %select_n3A_775 = arith.select %eq3A_772, %broadcast_in_dim3A_774, %select_n3A_751 : vector<1x32xi1>, vector<1x32xi32>
    %eq3A_776 = vector.broadcast %broadcast_in_dim3A_769 : vector<1x1xi32> to vector<1x1024xi32>
    %eq3A_777 = arith.cmpi eq, %iota3A_587, %eq3A_776 : vector<1x1024xi32>
    %neg3A_778 = arith.constant 0.000000e+00 : f32
    %neg3A_779 = arith.constant 0x7F800000 : f32
    %neg3A_780 = arith.subf %neg3A_778, %neg3A_779 : f32
    %broadcast_in_dim3A_781 = vector.broadcast %neg3A_780 : f32 to vector<1x1024xf32>
    %select_n3A_782 = arith.select %eq3A_777, %broadcast_in_dim3A_781, %select_n3A_758 : vector<1x1024xi1>, vector<1x1024xf32>
    %reduce_max3A_783 = arith.constant dense<0xFF800000> : vector<1xf32>
    %reduce_max3A_784 = vector.multi_reduction <maximumf>, %select_n3A_782, %reduce_max3A_783 [1] : vector<1x1024xf32> to vector<1xf32>
    %broadcast_in_dim3A_785 = vector.shape_cast %reduce_max3A_784 : vector<1xf32> to vector<1x1xf32>
    %eq3A_786 = vector.broadcast %broadcast_in_dim3A_785 : vector<1x1xf32> to vector<1x1024xf32>
    %eq3A_787 = arith.cmpf oeq, %select_n3A_782, %eq3A_786 : vector<1x1024xf32>
    %jit3A_788 = arith.constant 1024 : i32
    %broadcast_in_dim3A_789 = vector.broadcast %jit3A_788 : i32 to vector<1x1024xi32>
    %select_n3A_790 = arith.select %eq3A_787, %iota3A_587, %broadcast_in_dim3A_789 : vector<1x1024xi1>, vector<1x1024xi32>
    %reduce_min3A_791 = arith.constant dense<2147483647> : vector<1xi32>
    %reduce_min3A_792 = vector.multi_reduction <minsi>, %select_n3A_790, %reduce_min3A_791 [1] : vector<1x1024xi32> to vector<1xi32>
    %broadcast_in_dim3A_793 = vector.shape_cast %reduce_min3A_792 : vector<1xi32> to vector<1x1xi32>
    %eq3A_794 = arith.constant 8 : i32
    %eq3A_795 = vector.broadcast %eq3A_794 : i32 to vector<1x32xi32>
    %eq3A_796 = arith.cmpi eq, %iota3A_588, %eq3A_795 : vector<1x32xi32>
    %broadcast_in_dim3A_797 = vector.shape_cast %broadcast_in_dim3A_793 : vector<1x1xi32> to vector<1x1xi32>
    %broadcast_in_dim3A_798 = vector.broadcast %broadcast_in_dim3A_797 : vector<1x1xi32> to vector<1x32xi32>
    %select_n3A_799 = arith.select %eq3A_796, %broadcast_in_dim3A_798, %select_n3A_775 : vector<1x32xi1>, vector<1x32xi32>
    %eq3A_800 = vector.broadcast %broadcast_in_dim3A_793 : vector<1x1xi32> to vector<1x1024xi32>
    %eq3A_801 = arith.cmpi eq, %iota3A_587, %eq3A_800 : vector<1x1024xi32>
    %neg3A_802 = arith.constant 0.000000e+00 : f32
    %neg3A_803 = arith.constant 0x7F800000 : f32
    %neg3A_804 = arith.subf %neg3A_802, %neg3A_803 : f32
    %broadcast_in_dim3A_805 = vector.broadcast %neg3A_804 : f32 to vector<1x1024xf32>
    %select_n3A_806 = arith.select %eq3A_801, %broadcast_in_dim3A_805, %select_n3A_782 : vector<1x1024xi1>, vector<1x1024xf32>
    %reduce_max3A_807 = arith.constant dense<0xFF800000> : vector<1xf32>
    %reduce_max3A_808 = vector.multi_reduction <maximumf>, %select_n3A_806, %reduce_max3A_807 [1] : vector<1x1024xf32> to vector<1xf32>
    %broadcast_in_dim3A_809 = vector.shape_cast %reduce_max3A_808 : vector<1xf32> to vector<1x1xf32>
    %eq3A_810 = vector.broadcast %broadcast_in_dim3A_809 : vector<1x1xf32> to vector<1x1024xf32>
    %eq3A_811 = arith.cmpf oeq, %select_n3A_806, %eq3A_810 : vector<1x1024xf32>
    %jit3A_812 = arith.constant 1024 : i32
    %broadcast_in_dim3A_813 = vector.broadcast %jit3A_812 : i32 to vector<1x1024xi32>
    %select_n3A_814 = arith.select %eq3A_811, %iota3A_587, %broadcast_in_dim3A_813 : vector<1x1024xi1>, vector<1x1024xi32>
    %reduce_min3A_815 = arith.constant dense<2147483647> : vector<1xi32>
    %reduce_min3A_816 = vector.multi_reduction <minsi>, %select_n3A_814, %reduce_min3A_815 [1] : vector<1x1024xi32> to vector<1xi32>
    %broadcast_in_dim3A_817 = vector.shape_cast %reduce_min3A_816 : vector<1xi32> to vector<1x1xi32>
    %eq3A_818 = arith.constant 9 : i32
    %eq3A_819 = vector.broadcast %eq3A_818 : i32 to vector<1x32xi32>
    %eq3A_820 = arith.cmpi eq, %iota3A_588, %eq3A_819 : vector<1x32xi32>
    %broadcast_in_dim3A_821 = vector.shape_cast %broadcast_in_dim3A_817 : vector<1x1xi32> to vector<1x1xi32>
    %broadcast_in_dim3A_822 = vector.broadcast %broadcast_in_dim3A_821 : vector<1x1xi32> to vector<1x32xi32>
    %select_n3A_823 = arith.select %eq3A_820, %broadcast_in_dim3A_822, %select_n3A_799 : vector<1x32xi1>, vector<1x32xi32>
    %eq3A_824 = vector.broadcast %broadcast_in_dim3A_817 : vector<1x1xi32> to vector<1x1024xi32>
    %eq3A_825 = arith.cmpi eq, %iota3A_587, %eq3A_824 : vector<1x1024xi32>
    %neg3A_826 = arith.constant 0.000000e+00 : f32
    %neg3A_827 = arith.constant 0x7F800000 : f32
    %neg3A_828 = arith.subf %neg3A_826, %neg3A_827 : f32
    %broadcast_in_dim3A_829 = vector.broadcast %neg3A_828 : f32 to vector<1x1024xf32>
    %select_n3A_830 = arith.select %eq3A_825, %broadcast_in_dim3A_829, %select_n3A_806 : vector<1x1024xi1>, vector<1x1024xf32>
    %reduce_max3A_831 = arith.constant dense<0xFF800000> : vector<1xf32>
    %reduce_max3A_832 = vector.multi_reduction <maximumf>, %select_n3A_830, %reduce_max3A_831 [1] : vector<1x1024xf32> to vector<1xf32>
    %broadcast_in_dim3A_833 = vector.shape_cast %reduce_max3A_832 : vector<1xf32> to vector<1x1xf32>
    %eq3A_834 = vector.broadcast %broadcast_in_dim3A_833 : vector<1x1xf32> to vector<1x1024xf32>
    %eq3A_835 = arith.cmpf oeq, %select_n3A_830, %eq3A_834 : vector<1x1024xf32>
    %jit3A_836 = arith.constant 1024 : i32
    %broadcast_in_dim3A_837 = vector.broadcast %jit3A_836 : i32 to vector<1x1024xi32>
    %select_n3A_838 = arith.select %eq3A_835, %iota3A_587, %broadcast_in_dim3A_837 : vector<1x1024xi1>, vector<1x1024xi32>
    %reduce_min3A_839 = arith.constant dense<2147483647> : vector<1xi32>
    %reduce_min3A_840 = vector.multi_reduction <minsi>, %select_n3A_838, %reduce_min3A_839 [1] : vector<1x1024xi32> to vector<1xi32>
    %broadcast_in_dim3A_841 = vector.shape_cast %reduce_min3A_840 : vector<1xi32> to vector<1x1xi32>
    %eq3A_842 = arith.constant 10 : i32
    %eq3A_843 = vector.broadcast %eq3A_842 : i32 to vector<1x32xi32>
    %eq3A_844 = arith.cmpi eq, %iota3A_588, %eq3A_843 : vector<1x32xi32>
    %broadcast_in_dim3A_845 = vector.shape_cast %broadcast_in_dim3A_841 : vector<1x1xi32> to vector<1x1xi32>
    %broadcast_in_dim3A_846 = vector.broadcast %broadcast_in_dim3A_845 : vector<1x1xi32> to vector<1x32xi32>
    %select_n3A_847 = arith.select %eq3A_844, %broadcast_in_dim3A_846, %select_n3A_823 : vector<1x32xi1>, vector<1x32xi32>
    %eq3A_848 = vector.broadcast %broadcast_in_dim3A_841 : vector<1x1xi32> to vector<1x1024xi32>
    %eq3A_849 = arith.cmpi eq, %iota3A_587, %eq3A_848 : vector<1x1024xi32>
    %neg3A_850 = arith.constant 0.000000e+00 : f32
    %neg3A_851 = arith.constant 0x7F800000 : f32
    %neg3A_852 = arith.subf %neg3A_850, %neg3A_851 : f32
    %broadcast_in_dim3A_853 = vector.broadcast %neg3A_852 : f32 to vector<1x1024xf32>
    %select_n3A_854 = arith.select %eq3A_849, %broadcast_in_dim3A_853, %select_n3A_830 : vector<1x1024xi1>, vector<1x1024xf32>
    %reduce_max3A_855 = arith.constant dense<0xFF800000> : vector<1xf32>
    %reduce_max3A_856 = vector.multi_reduction <maximumf>, %select_n3A_854, %reduce_max3A_855 [1] : vector<1x1024xf32> to vector<1xf32>
    %broadcast_in_dim3A_857 = vector.shape_cast %reduce_max3A_856 : vector<1xf32> to vector<1x1xf32>
    %eq3A_858 = vector.broadcast %broadcast_in_dim3A_857 : vector<1x1xf32> to vector<1x1024xf32>
    %eq3A_859 = arith.cmpf oeq, %select_n3A_854, %eq3A_858 : vector<1x1024xf32>
    %jit3A_860 = arith.constant 1024 : i32
    %broadcast_in_dim3A_861 = vector.broadcast %jit3A_860 : i32 to vector<1x1024xi32>
    %select_n3A_862 = arith.select %eq3A_859, %iota3A_587, %broadcast_in_dim3A_861 : vector<1x1024xi1>, vector<1x1024xi32>
    %reduce_min3A_863 = arith.constant dense<2147483647> : vector<1xi32>
    %reduce_min3A_864 = vector.multi_reduction <minsi>, %select_n3A_862, %reduce_min3A_863 [1] : vector<1x1024xi32> to vector<1xi32>
    %broadcast_in_dim3A_865 = vector.shape_cast %reduce_min3A_864 : vector<1xi32> to vector<1x1xi32>
    %eq3A_866 = arith.constant 11 : i32
    %eq3A_867 = vector.broadcast %eq3A_866 : i32 to vector<1x32xi32>
    %eq3A_868 = arith.cmpi eq, %iota3A_588, %eq3A_867 : vector<1x32xi32>
    %broadcast_in_dim3A_869 = vector.shape_cast %broadcast_in_dim3A_865 : vector<1x1xi32> to vector<1x1xi32>
    %broadcast_in_dim3A_870 = vector.broadcast %broadcast_in_dim3A_869 : vector<1x1xi32> to vector<1x32xi32>
    %select_n3A_871 = arith.select %eq3A_868, %broadcast_in_dim3A_870, %select_n3A_847 : vector<1x32xi1>, vector<1x32xi32>
    %eq3A_872 = vector.broadcast %broadcast_in_dim3A_865 : vector<1x1xi32> to vector<1x1024xi32>
    %eq3A_873 = arith.cmpi eq, %iota3A_587, %eq3A_872 : vector<1x1024xi32>
    %neg3A_874 = arith.constant 0.000000e+00 : f32
    %neg3A_875 = arith.constant 0x7F800000 : f32
    %neg3A_876 = arith.subf %neg3A_874, %neg3A_875 : f32
    %broadcast_in_dim3A_877 = vector.broadcast %neg3A_876 : f32 to vector<1x1024xf32>
    %select_n3A_878 = arith.select %eq3A_873, %broadcast_in_dim3A_877, %select_n3A_854 : vector<1x1024xi1>, vector<1x1024xf32>
    %reduce_max3A_879 = arith.constant dense<0xFF800000> : vector<1xf32>
    %reduce_max3A_880 = vector.multi_reduction <maximumf>, %select_n3A_878, %reduce_max3A_879 [1] : vector<1x1024xf32> to vector<1xf32>
    %broadcast_in_dim3A_881 = vector.shape_cast %reduce_max3A_880 : vector<1xf32> to vector<1x1xf32>
    %eq3A_882 = vector.broadcast %broadcast_in_dim3A_881 : vector<1x1xf32> to vector<1x1024xf32>
    %eq3A_883 = arith.cmpf oeq, %select_n3A_878, %eq3A_882 : vector<1x1024xf32>
    %jit3A_884 = arith.constant 1024 : i32
    %broadcast_in_dim3A_885 = vector.broadcast %jit3A_884 : i32 to vector<1x1024xi32>
    %select_n3A_886 = arith.select %eq3A_883, %iota3A_587, %broadcast_in_dim3A_885 : vector<1x1024xi1>, vector<1x1024xi32>
    %reduce_min3A_887 = arith.constant dense<2147483647> : vector<1xi32>
    %reduce_min3A_888 = vector.multi_reduction <minsi>, %select_n3A_886, %reduce_min3A_887 [1] : vector<1x1024xi32> to vector<1xi32>
    %broadcast_in_dim3A_889 = vector.shape_cast %reduce_min3A_888 : vector<1xi32> to vector<1x1xi32>
    %eq3A_890 = arith.constant 12 : i32
    %eq3A_891 = vector.broadcast %eq3A_890 : i32 to vector<1x32xi32>
    %eq3A_892 = arith.cmpi eq, %iota3A_588, %eq3A_891 : vector<1x32xi32>
    %broadcast_in_dim3A_893 = vector.shape_cast %broadcast_in_dim3A_889 : vector<1x1xi32> to vector<1x1xi32>
    %broadcast_in_dim3A_894 = vector.broadcast %broadcast_in_dim3A_893 : vector<1x1xi32> to vector<1x32xi32>
    %select_n3A_895 = arith.select %eq3A_892, %broadcast_in_dim3A_894, %select_n3A_871 : vector<1x32xi1>, vector<1x32xi32>
    %eq3A_896 = vector.broadcast %broadcast_in_dim3A_889 : vector<1x1xi32> to vector<1x1024xi32>
    %eq3A_897 = arith.cmpi eq, %iota3A_587, %eq3A_896 : vector<1x1024xi32>
    %neg3A_898 = arith.constant 0.000000e+00 : f32
    %neg3A_899 = arith.constant 0x7F800000 : f32
    %neg3A_900 = arith.subf %neg3A_898, %neg3A_899 : f32
    %broadcast_in_dim3A_901 = vector.broadcast %neg3A_900 : f32 to vector<1x1024xf32>
    %select_n3A_902 = arith.select %eq3A_897, %broadcast_in_dim3A_901, %select_n3A_878 : vector<1x1024xi1>, vector<1x1024xf32>
    %reduce_max3A_903 = arith.constant dense<0xFF800000> : vector<1xf32>
    %reduce_max3A_904 = vector.multi_reduction <maximumf>, %select_n3A_902, %reduce_max3A_903 [1] : vector<1x1024xf32> to vector<1xf32>
    %broadcast_in_dim3A_905 = vector.shape_cast %reduce_max3A_904 : vector<1xf32> to vector<1x1xf32>
    %eq3A_906 = vector.broadcast %broadcast_in_dim3A_905 : vector<1x1xf32> to vector<1x1024xf32>
    %eq3A_907 = arith.cmpf oeq, %select_n3A_902, %eq3A_906 : vector<1x1024xf32>
    %jit3A_908 = arith.constant 1024 : i32
    %broadcast_in_dim3A_909 = vector.broadcast %jit3A_908 : i32 to vector<1x1024xi32>
    %select_n3A_910 = arith.select %eq3A_907, %iota3A_587, %broadcast_in_dim3A_909 : vector<1x1024xi1>, vector<1x1024xi32>
    %reduce_min3A_911 = arith.constant dense<2147483647> : vector<1xi32>
    %reduce_min3A_912 = vector.multi_reduction <minsi>, %select_n3A_910, %reduce_min3A_911 [1] : vector<1x1024xi32> to vector<1xi32>
    %broadcast_in_dim3A_913 = vector.shape_cast %reduce_min3A_912 : vector<1xi32> to vector<1x1xi32>
    %eq3A_914 = arith.constant 13 : i32
    %eq3A_915 = vector.broadcast %eq3A_914 : i32 to vector<1x32xi32>
    %eq3A_916 = arith.cmpi eq, %iota3A_588, %eq3A_915 : vector<1x32xi32>
    %broadcast_in_dim3A_917 = vector.shape_cast %broadcast_in_dim3A_913 : vector<1x1xi32> to vector<1x1xi32>
    %broadcast_in_dim3A_918 = vector.broadcast %broadcast_in_dim3A_917 : vector<1x1xi32> to vector<1x32xi32>
    %select_n3A_919 = arith.select %eq3A_916, %broadcast_in_dim3A_918, %select_n3A_895 : vector<1x32xi1>, vector<1x32xi32>
    %eq3A_920 = vector.broadcast %broadcast_in_dim3A_913 : vector<1x1xi32> to vector<1x1024xi32>
    %eq3A_921 = arith.cmpi eq, %iota3A_587, %eq3A_920 : vector<1x1024xi32>
    %neg3A_922 = arith.constant 0.000000e+00 : f32
    %neg3A_923 = arith.constant 0x7F800000 : f32
    %neg3A_924 = arith.subf %neg3A_922, %neg3A_923 : f32
    %broadcast_in_dim3A_925 = vector.broadcast %neg3A_924 : f32 to vector<1x1024xf32>
    %select_n3A_926 = arith.select %eq3A_921, %broadcast_in_dim3A_925, %select_n3A_902 : vector<1x1024xi1>, vector<1x1024xf32>
    %reduce_max3A_927 = arith.constant dense<0xFF800000> : vector<1xf32>
    %reduce_max3A_928 = vector.multi_reduction <maximumf>, %select_n3A_926, %reduce_max3A_927 [1] : vector<1x1024xf32> to vector<1xf32>
    %broadcast_in_dim3A_929 = vector.shape_cast %reduce_max3A_928 : vector<1xf32> to vector<1x1xf32>
    %eq3A_930 = vector.broadcast %broadcast_in_dim3A_929 : vector<1x1xf32> to vector<1x1024xf32>
    %eq3A_931 = arith.cmpf oeq, %select_n3A_926, %eq3A_930 : vector<1x1024xf32>
    %jit3A_932 = arith.constant 1024 : i32
    %broadcast_in_dim3A_933 = vector.broadcast %jit3A_932 : i32 to vector<1x1024xi32>
    %select_n3A_934 = arith.select %eq3A_931, %iota3A_587, %broadcast_in_dim3A_933 : vector<1x1024xi1>, vector<1x1024xi32>
    %reduce_min3A_935 = arith.constant dense<2147483647> : vector<1xi32>
    %reduce_min3A_936 = vector.multi_reduction <minsi>, %select_n3A_934, %reduce_min3A_935 [1] : vector<1x1024xi32> to vector<1xi32>
    %broadcast_in_dim3A_937 = vector.shape_cast %reduce_min3A_936 : vector<1xi32> to vector<1x1xi32>
    %eq3A_938 = arith.constant 14 : i32
    %eq3A_939 = vector.broadcast %eq3A_938 : i32 to vector<1x32xi32>
    %eq3A_940 = arith.cmpi eq, %iota3A_588, %eq3A_939 : vector<1x32xi32>
    %broadcast_in_dim3A_941 = vector.shape_cast %broadcast_in_dim3A_937 : vector<1x1xi32> to vector<1x1xi32>
    %broadcast_in_dim3A_942 = vector.broadcast %broadcast_in_dim3A_941 : vector<1x1xi32> to vector<1x32xi32>
    %select_n3A_943 = arith.select %eq3A_940, %broadcast_in_dim3A_942, %select_n3A_919 : vector<1x32xi1>, vector<1x32xi32>
    %eq3A_944 = vector.broadcast %broadcast_in_dim3A_937 : vector<1x1xi32> to vector<1x1024xi32>
    %eq3A_945 = arith.cmpi eq, %iota3A_587, %eq3A_944 : vector<1x1024xi32>
    %neg3A_946 = arith.constant 0.000000e+00 : f32
    %neg3A_947 = arith.constant 0x7F800000 : f32
    %neg3A_948 = arith.subf %neg3A_946, %neg3A_947 : f32
    %broadcast_in_dim3A_949 = vector.broadcast %neg3A_948 : f32 to vector<1x1024xf32>
    %select_n3A_950 = arith.select %eq3A_945, %broadcast_in_dim3A_949, %select_n3A_926 : vector<1x1024xi1>, vector<1x1024xf32>
    %reduce_max3A_951 = arith.constant dense<0xFF800000> : vector<1xf32>
    %reduce_max3A_952 = vector.multi_reduction <maximumf>, %select_n3A_950, %reduce_max3A_951 [1] : vector<1x1024xf32> to vector<1xf32>
    %broadcast_in_dim3A_953 = vector.shape_cast %reduce_max3A_952 : vector<1xf32> to vector<1x1xf32>
    %eq3A_954 = vector.broadcast %broadcast_in_dim3A_953 : vector<1x1xf32> to vector<1x1024xf32>
    %eq3A_955 = arith.cmpf oeq, %select_n3A_950, %eq3A_954 : vector<1x1024xf32>
    %jit3A_956 = arith.constant 1024 : i32
    %broadcast_in_dim3A_957 = vector.broadcast %jit3A_956 : i32 to vector<1x1024xi32>
    %select_n3A_958 = arith.select %eq3A_955, %iota3A_587, %broadcast_in_dim3A_957 : vector<1x1024xi1>, vector<1x1024xi32>
    %reduce_min3A_959 = arith.constant dense<2147483647> : vector<1xi32>
    %reduce_min3A_960 = vector.multi_reduction <minsi>, %select_n3A_958, %reduce_min3A_959 [1] : vector<1x1024xi32> to vector<1xi32>
    %broadcast_in_dim3A_961 = vector.shape_cast %reduce_min3A_960 : vector<1xi32> to vector<1x1xi32>
    %eq3A_962 = arith.constant 15 : i32
    %eq3A_963 = vector.broadcast %eq3A_962 : i32 to vector<1x32xi32>
    %eq3A_964 = arith.cmpi eq, %iota3A_588, %eq3A_963 : vector<1x32xi32>
    %broadcast_in_dim3A_965 = vector.shape_cast %broadcast_in_dim3A_961 : vector<1x1xi32> to vector<1x1xi32>
    %broadcast_in_dim3A_966 = vector.broadcast %broadcast_in_dim3A_965 : vector<1x1xi32> to vector<1x32xi32>
    %select_n3A_967 = arith.select %eq3A_964, %broadcast_in_dim3A_966, %select_n3A_943 : vector<1x32xi1>, vector<1x32xi32>
    %eq3A_968 = vector.broadcast %broadcast_in_dim3A_961 : vector<1x1xi32> to vector<1x1024xi32>
    %eq3A_969 = arith.cmpi eq, %iota3A_587, %eq3A_968 : vector<1x1024xi32>
    %neg3A_970 = arith.constant 0.000000e+00 : f32
    %neg3A_971 = arith.constant 0x7F800000 : f32
    %neg3A_972 = arith.subf %neg3A_970, %neg3A_971 : f32
    %broadcast_in_dim3A_973 = vector.broadcast %neg3A_972 : f32 to vector<1x1024xf32>
    %select_n3A_974 = arith.select %eq3A_969, %broadcast_in_dim3A_973, %select_n3A_950 : vector<1x1024xi1>, vector<1x1024xf32>
    %reduce_max3A_975 = arith.constant dense<0xFF800000> : vector<1xf32>
    %reduce_max3A_976 = vector.multi_reduction <maximumf>, %select_n3A_974, %reduce_max3A_975 [1] : vector<1x1024xf32> to vector<1xf32>
    %broadcast_in_dim3A_977 = vector.shape_cast %reduce_max3A_976 : vector<1xf32> to vector<1x1xf32>
    %eq3A_978 = vector.broadcast %broadcast_in_dim3A_977 : vector<1x1xf32> to vector<1x1024xf32>
    %eq3A_979 = arith.cmpf oeq, %select_n3A_974, %eq3A_978 : vector<1x1024xf32>
    %jit3A_980 = arith.constant 1024 : i32
    %broadcast_in_dim3A_981 = vector.broadcast %jit3A_980 : i32 to vector<1x1024xi32>
    %select_n3A_982 = arith.select %eq3A_979, %iota3A_587, %broadcast_in_dim3A_981 : vector<1x1024xi1>, vector<1x1024xi32>
    %reduce_min3A_983 = arith.constant dense<2147483647> : vector<1xi32>
    %reduce_min3A_984 = vector.multi_reduction <minsi>, %select_n3A_982, %reduce_min3A_983 [1] : vector<1x1024xi32> to vector<1xi32>
    %broadcast_in_dim3A_985 = vector.shape_cast %reduce_min3A_984 : vector<1xi32> to vector<1x1xi32>
    %eq3A_986 = arith.constant 16 : i32
    %eq3A_987 = vector.broadcast %eq3A_986 : i32 to vector<1x32xi32>
    %eq3A_988 = arith.cmpi eq, %iota3A_588, %eq3A_987 : vector<1x32xi32>
    %broadcast_in_dim3A_989 = vector.shape_cast %broadcast_in_dim3A_985 : vector<1x1xi32> to vector<1x1xi32>
    %broadcast_in_dim3A_990 = vector.broadcast %broadcast_in_dim3A_989 : vector<1x1xi32> to vector<1x32xi32>
    %select_n3A_991 = arith.select %eq3A_988, %broadcast_in_dim3A_990, %select_n3A_967 : vector<1x32xi1>, vector<1x32xi32>
    %eq3A_992 = vector.broadcast %broadcast_in_dim3A_985 : vector<1x1xi32> to vector<1x1024xi32>
    %eq3A_993 = arith.cmpi eq, %iota3A_587, %eq3A_992 : vector<1x1024xi32>
    %neg3A_994 = arith.constant 0.000000e+00 : f32
    %neg3A_995 = arith.constant 0x7F800000 : f32
    %neg3A_996 = arith.subf %neg3A_994, %neg3A_995 : f32
    %broadcast_in_dim3A_997 = vector.broadcast %neg3A_996 : f32 to vector<1x1024xf32>
    %select_n3A_998 = arith.select %eq3A_993, %broadcast_in_dim3A_997, %select_n3A_974 : vector<1x1024xi1>, vector<1x1024xf32>
    %reduce_max3A_999 = arith.constant dense<0xFF800000> : vector<1xf32>
    %reduce_max3A_1000 = vector.multi_reduction <maximumf>, %select_n3A_998, %reduce_max3A_999 [1] : vector<1x1024xf32> to vector<1xf32>
    %broadcast_in_dim3A_1001 = vector.shape_cast %reduce_max3A_1000 : vector<1xf32> to vector<1x1xf32>
    %eq3A_1002 = vector.broadcast %broadcast_in_dim3A_1001 : vector<1x1xf32> to vector<1x1024xf32>
    %eq3A_1003 = arith.cmpf oeq, %select_n3A_998, %eq3A_1002 : vector<1x1024xf32>
    %jit3A_1004 = arith.constant 1024 : i32
    %broadcast_in_dim3A_1005 = vector.broadcast %jit3A_1004 : i32 to vector<1x1024xi32>
    %select_n3A_1006 = arith.select %eq3A_1003, %iota3A_587, %broadcast_in_dim3A_1005 : vector<1x1024xi1>, vector<1x1024xi32>
    %reduce_min3A_1007 = arith.constant dense<2147483647> : vector<1xi32>
    %reduce_min3A_1008 = vector.multi_reduction <minsi>, %select_n3A_1006, %reduce_min3A_1007 [1] : vector<1x1024xi32> to vector<1xi32>
    %broadcast_in_dim3A_1009 = vector.shape_cast %reduce_min3A_1008 : vector<1xi32> to vector<1x1xi32>
    %eq3A_1010 = arith.constant 17 : i32
    %eq3A_1011 = vector.broadcast %eq3A_1010 : i32 to vector<1x32xi32>
    %eq3A_1012 = arith.cmpi eq, %iota3A_588, %eq3A_1011 : vector<1x32xi32>
    %broadcast_in_dim3A_1013 = vector.shape_cast %broadcast_in_dim3A_1009 : vector<1x1xi32> to vector<1x1xi32>
    %broadcast_in_dim3A_1014 = vector.broadcast %broadcast_in_dim3A_1013 : vector<1x1xi32> to vector<1x32xi32>
    %select_n3A_1015 = arith.select %eq3A_1012, %broadcast_in_dim3A_1014, %select_n3A_991 : vector<1x32xi1>, vector<1x32xi32>
    %eq3A_1016 = vector.broadcast %broadcast_in_dim3A_1009 : vector<1x1xi32> to vector<1x1024xi32>
    %eq3A_1017 = arith.cmpi eq, %iota3A_587, %eq3A_1016 : vector<1x1024xi32>
    %neg3A_1018 = arith.constant 0.000000e+00 : f32
    %neg3A_1019 = arith.constant 0x7F800000 : f32
    %neg3A_1020 = arith.subf %neg3A_1018, %neg3A_1019 : f32
    %broadcast_in_dim3A_1021 = vector.broadcast %neg3A_1020 : f32 to vector<1x1024xf32>
    %select_n3A_1022 = arith.select %eq3A_1017, %broadcast_in_dim3A_1021, %select_n3A_998 : vector<1x1024xi1>, vector<1x1024xf32>
    %reduce_max3A_1023 = arith.constant dense<0xFF800000> : vector<1xf32>
    %reduce_max3A_1024 = vector.multi_reduction <maximumf>, %select_n3A_1022, %reduce_max3A_1023 [1] : vector<1x1024xf32> to vector<1xf32>
    %broadcast_in_dim3A_1025 = vector.shape_cast %reduce_max3A_1024 : vector<1xf32> to vector<1x1xf32>
    %eq3A_1026 = vector.broadcast %broadcast_in_dim3A_1025 : vector<1x1xf32> to vector<1x1024xf32>
    %eq3A_1027 = arith.cmpf oeq, %select_n3A_1022, %eq3A_1026 : vector<1x1024xf32>
    %jit3A_1028 = arith.constant 1024 : i32
    %broadcast_in_dim3A_1029 = vector.broadcast %jit3A_1028 : i32 to vector<1x1024xi32>
    %select_n3A_1030 = arith.select %eq3A_1027, %iota3A_587, %broadcast_in_dim3A_1029 : vector<1x1024xi1>, vector<1x1024xi32>
    %reduce_min3A_1031 = arith.constant dense<2147483647> : vector<1xi32>
    %reduce_min3A_1032 = vector.multi_reduction <minsi>, %select_n3A_1030, %reduce_min3A_1031 [1] : vector<1x1024xi32> to vector<1xi32>
    %broadcast_in_dim3A_1033 = vector.shape_cast %reduce_min3A_1032 : vector<1xi32> to vector<1x1xi32>
    %eq3A_1034 = arith.constant 18 : i32
    %eq3A_1035 = vector.broadcast %eq3A_1034 : i32 to vector<1x32xi32>
    %eq3A_1036 = arith.cmpi eq, %iota3A_588, %eq3A_1035 : vector<1x32xi32>
    %broadcast_in_dim3A_1037 = vector.shape_cast %broadcast_in_dim3A_1033 : vector<1x1xi32> to vector<1x1xi32>
    %broadcast_in_dim3A_1038 = vector.broadcast %broadcast_in_dim3A_1037 : vector<1x1xi32> to vector<1x32xi32>
    %select_n3A_1039 = arith.select %eq3A_1036, %broadcast_in_dim3A_1038, %select_n3A_1015 : vector<1x32xi1>, vector<1x32xi32>
    %eq3A_1040 = vector.broadcast %broadcast_in_dim3A_1033 : vector<1x1xi32> to vector<1x1024xi32>
    %eq3A_1041 = arith.cmpi eq, %iota3A_587, %eq3A_1040 : vector<1x1024xi32>
    %neg3A_1042 = arith.constant 0.000000e+00 : f32
    %neg3A_1043 = arith.constant 0x7F800000 : f32
    %neg3A_1044 = arith.subf %neg3A_1042, %neg3A_1043 : f32
    %broadcast_in_dim3A_1045 = vector.broadcast %neg3A_1044 : f32 to vector<1x1024xf32>
    %select_n3A_1046 = arith.select %eq3A_1041, %broadcast_in_dim3A_1045, %select_n3A_1022 : vector<1x1024xi1>, vector<1x1024xf32>
    %reduce_max3A_1047 = arith.constant dense<0xFF800000> : vector<1xf32>
    %reduce_max3A_1048 = vector.multi_reduction <maximumf>, %select_n3A_1046, %reduce_max3A_1047 [1] : vector<1x1024xf32> to vector<1xf32>
    %broadcast_in_dim3A_1049 = vector.shape_cast %reduce_max3A_1048 : vector<1xf32> to vector<1x1xf32>
    %eq3A_1050 = vector.broadcast %broadcast_in_dim3A_1049 : vector<1x1xf32> to vector<1x1024xf32>
    %eq3A_1051 = arith.cmpf oeq, %select_n3A_1046, %eq3A_1050 : vector<1x1024xf32>
    %jit3A_1052 = arith.constant 1024 : i32
    %broadcast_in_dim3A_1053 = vector.broadcast %jit3A_1052 : i32 to vector<1x1024xi32>
    %select_n3A_1054 = arith.select %eq3A_1051, %iota3A_587, %broadcast_in_dim3A_1053 : vector<1x1024xi1>, vector<1x1024xi32>
    %reduce_min3A_1055 = arith.constant dense<2147483647> : vector<1xi32>
    %reduce_min3A_1056 = vector.multi_reduction <minsi>, %select_n3A_1054, %reduce_min3A_1055 [1] : vector<1x1024xi32> to vector<1xi32>
    %broadcast_in_dim3A_1057 = vector.shape_cast %reduce_min3A_1056 : vector<1xi32> to vector<1x1xi32>
    %eq3A_1058 = arith.constant 19 : i32
    %eq3A_1059 = vector.broadcast %eq3A_1058 : i32 to vector<1x32xi32>
    %eq3A_1060 = arith.cmpi eq, %iota3A_588, %eq3A_1059 : vector<1x32xi32>
    %broadcast_in_dim3A_1061 = vector.shape_cast %broadcast_in_dim3A_1057 : vector<1x1xi32> to vector<1x1xi32>
    %broadcast_in_dim3A_1062 = vector.broadcast %broadcast_in_dim3A_1061 : vector<1x1xi32> to vector<1x32xi32>
    %select_n3A_1063 = arith.select %eq3A_1060, %broadcast_in_dim3A_1062, %select_n3A_1039 : vector<1x32xi1>, vector<1x32xi32>
    %swap3A_1064 = arith.constant 0 : index
    %swap3A_1065 = arith.constant 0 : index
    %swap3A_1066 = arith.constant 0 : index
    %swap3A_1067 = vector.load %arg30[%swap3A_1064, %swap3A_1065, %swap3A_1066] : memref<1x1x16xi32, #tpu.memory_space<vmem>>, vector<1x1x16xi32>
    %swap3A_1068 = vector.shape_cast %swap3A_1067 : vector<1x1x16xi32> to vector<1x16xi32>
    %swap3A_1069 = vector.shape_cast %select_n3A_586 : vector<1x16xi32> to vector<1x1x16xi32>
    tpu.vector_store %arg30[%swap3A_1064, %swap3A_1065, %swap3A_1066], %swap3A_1069 {strides = array<i32>} : memref<1x1x16xi32, #tpu.memory_space<vmem>>, vector<1x1x16xi32>,
    %swap3A_1070 = arith.constant 0 : index
    %swap3A_1071 = arith.constant 0 : index
    %swap3A_1072 = arith.constant 0 : index
    %swap3A_1073 = vector.load %arg31[%swap3A_1070, %swap3A_1071, %swap3A_1072] : memref<1x1x32xi32, #tpu.memory_space<vmem>>, vector<1x1x32xi32>
    %swap3A_1074 = vector.shape_cast %swap3A_1073 : vector<1x1x32xi32> to vector<1x32xi32>
    %swap3A_1075 = vector.shape_cast %select_n3A_1063 : vector<1x32xi32> to vector<1x1x32xi32>
    tpu.vector_store %arg31[%swap3A_1070, %swap3A_1071, %swap3A_1072], %swap3A_1075 {strides = array<i32>} : memref<1x1x32xi32, #tpu.memory_space<vmem>>, vector<1x1x32xi32>,
    %mul3A_1076 = arith.constant 512 : i32
    %mul3A_1077 = arith.muli %arg0, %mul3A_1076 : i32
    %jit3A_1078 = arith.constant -1.000000e+30 : f32
    %broadcast_in_dim3A_1079 = vector.shape_cast %lt3A_240 : vector<512x1xi1> to vector<512x1xi1>
    %broadcast_in_dim3A_1080 = vector.broadcast %broadcast_in_dim3A_1079 : vector<512x1xi1> to vector<512x512xi1>
    %broadcast_in_dim3A_1081 = vector.broadcast %jit3A_1078 : f32 to vector<512x512xf32>
    %select_n3A_1082 = arith.select %broadcast_in_dim3A_1080, %logistic3A_210, %broadcast_in_dim3A_1081 : vector<512x512xi1>, vector<512x512xf32>
    %iota3A_1083 = tpu.iota {dimensions = array<i32: 0>} : vector<512x16xi32>
    %eq3A_1084 = vector.broadcast %select_n3A_586 : vector<1x16xi32> to vector<512x16xi32>
    %eq3A_1085 = arith.cmpi eq, %iota3A_1083, %eq3A_1084 : vector<512x16xi32>
    %convert_element_type3A_1086 = arith.extui %eq3A_1085 : vector<512x16xi1> to vector<512x16xi32>
    %convert_element_type3A_1087 = arith.sitofp %convert_element_type3A_1086 : vector<512x16xi32> to vector<512x16xf32>
    %dot_general3A_1088 = arith.constant dense<0.000000e+00> : vector<512x16xf32>
    %dot_general3A_1089 = tpu.matmul %select_n3A_1082, %convert_element_type3A_1087, %dot_general3A_1088 {dimension_numbers = #tpu.dot_dimension_numbers<[1], [0], [0], [1], [0, 0, 1, 1], [], []>, precision = #tpu.contract_precision<fp32>, transpose_lhs_hint = false} : vector<512x512xf32>, vector<512x16xf32>, vector<512x16xf32> -> vector<512x16xf32>
    %iota3A_1090 = tpu.iota {dimensions = array<i32: 0>} : vector<512x16xi32>
    %reduce_max3A_1091 = arith.constant dense<0xFF800000> : vector<16xf32>
    %reduce_max3A_1092 = vector.multi_reduction <maximumf>, %dot_general3A_1089, %reduce_max3A_1091 [0] : vector<512x16xf32> to vector<16xf32>
    %broadcast_in_dim3A_1093 = vector.shape_cast %reduce_max3A_1092 : vector<16xf32> to vector<1x16xf32>
    %eq3A_1094 = vector.broadcast %broadcast_in_dim3A_1093 : vector<1x16xf32> to vector<512x16xf32>
    %eq3A_1095 = arith.cmpf oeq, %dot_general3A_1089, %eq3A_1094 : vector<512x16xf32>
    %jit3A_1096 = arith.constant 512 : i32
    %broadcast_in_dim3A_1097 = vector.broadcast %jit3A_1096 : i32 to vector<512x16xi32>
    %select_n3A_1098 = arith.select %eq3A_1095, %iota3A_1090, %broadcast_in_dim3A_1097 : vector<512x16xi1>, vector<512x16xi32>
    %reduce_min3A_1099 = arith.constant dense<2147483647> : vector<16xi32>
    %reduce_min3A_1100 = vector.multi_reduction <minsi>, %select_n3A_1098, %reduce_min3A_1099 [0] : vector<512x16xi32> to vector<16xi32>
    %broadcast_in_dim3A_1101 = vector.shape_cast %reduce_min3A_1100 : vector<16xi32> to vector<1x16xi32>
    %iota3A_1102 = tpu.iota {dimensions = array<i32: 1>} : vector<1x16xi32>
    %lt3A_1103 = arith.constant 10 : i32
    %lt3A_1104 = vector.broadcast %lt3A_1103 : i32 to vector<1x16xi32>
    %lt3A_1105 = arith.cmpi slt, %iota3A_1102, %lt3A_1104 : vector<1x16xi32>
    %jit3A_1106 = arith.constant -1 : i32
    %broadcast_in_dim3A_1107 = vector.broadcast %jit3A_1106 : i32 to vector<1x16xi32>
    %select_n3A_1108 = arith.select %lt3A_1105, %broadcast_in_dim3A_1101, %broadcast_in_dim3A_1107 : vector<1x16xi1>, vector<1x16xi32>
    %reduce_max3A_1109 = vector.shape_cast %select_n3A_1108 : vector<1x16xi32> to vector<1x1x16xi32>
    %reduce_max3A_1110 = arith.constant dense<-2147483648> : vector<1xi32>
    %reduce_max3A_1111 = vector.multi_reduction <maxsi>, %reduce_max3A_1109, %reduce_max3A_1110 [1, 2] : vector<1x1x16xi32> to vector<1xi32>
    %reduce_max3A_1112 = vector.shape_cast %reduce_max3A_1111 : vector<1xi32> to vector<1x1x1xi32>
    %reduce_max3A_1113 = vector.extract %reduce_max3A_1112[0, 0, 0] : i32 from vector<1x1x1xi32>
    %lt3A_1114 = arith.constant 10 : i32
    %lt3A_1115 = vector.broadcast %lt3A_1114 : i32 to vector<1x16xi32>
    %lt3A_1116 = arith.cmpi slt, %iota3A_1102, %lt3A_1115 : vector<1x16xi32>
    %jit3A_1117 = arith.constant 1073741824 : i32
    %broadcast_in_dim3A_1118 = vector.broadcast %jit3A_1117 : i32 to vector<1x16xi32>
    %select_n3A_1119 = arith.select %lt3A_1116, %broadcast_in_dim3A_1101, %broadcast_in_dim3A_1118 : vector<1x16xi1>, vector<1x16xi32>
    %reduce_min3A_1120 = vector.shape_cast %select_n3A_1119 : vector<1x16xi32> to vector<1x1x16xi32>
    %reduce_min3A_1121 = arith.constant dense<2147483647> : vector<1xi32>
    %reduce_min3A_1122 = vector.multi_reduction <minsi>, %reduce_min3A_1120, %reduce_min3A_1121 [1, 2] : vector<1x1x16xi32> to vector<1xi32>
    %reduce_min3A_1123 = vector.shape_cast %reduce_min3A_1122 : vector<1xi32> to vector<1x1x1xi32>
    %reduce_min3A_1124 = vector.extract %reduce_min3A_1123[0, 0, 0] : i32 from vector<1x1x1xi32>
    %add3A_1125 = arith.constant 2 : i32
    %add3A_1126 = arith.addi %reduce_max3A_1113, %add3A_1125 : i32
    %lt3A_1127 = arith.cmpi slt, %add3A_1126, %get3A_0 : i32
    %gt3A = arith.constant 1 : i32
    %gt3A_1128 = arith.cmpi sgt, %reduce_min3A_1124, %gt3A : i32
    %and3A_1129 = arith.andi %lt3A_1127, %gt3A_1128 : i1
    %add3A_1130 = arith.constant -2 : i32
    %add3A_1131 = vector.broadcast %add3A_1130 : i32 to vector<1x16xi32>
    %add3A_1132 = arith.addi %broadcast_in_dim3A_1101, %add3A_1131 : vector<1x16xi32>
    %jit3A_1133 = arith.constant 0 : i32
    %jit3A_1134 = arith.constant 511 : i32
    %max3A_1135 = vector.broadcast %jit3A_1133 : i32 to vector<1x16xi32>
    %max3A_1136 = arith.maxsi %max3A_1135, %add3A_1132 : vector<1x16xi32>
    %min3A_1137 = vector.broadcast %jit3A_1134 : i32 to vector<1x16xi32>
    %min3A_1138 = arith.minsi %min3A_1137, %max3A_1136 : vector<1x16xi32>
    %select_n3A_1139 = arith.select %and3A_1129, %min3A_1138, %broadcast_in_dim3A_1101 : vector<1x16xi32>
    %add3A_1140 = vector.broadcast %mul3A_1077 : i32 to vector<1x16xi32>
    %add3A_1141 = arith.addi %select_n3A_1139, %add3A_1140 : vector<1x16xi32>
    %add3A_1142 = arith.constant -1 : i32
    %add3A_1143 = vector.broadcast %add3A_1142 : i32 to vector<1x16xi32>
    %add3A_1144 = arith.addi %broadcast_in_dim3A_1101, %add3A_1143 : vector<1x16xi32>
    %jit3A_1145 = arith.constant 0 : i32
    %jit3A_1146 = arith.constant 511 : i32
    %max3A_1147 = vector.broadcast %jit3A_1145 : i32 to vector<1x16xi32>
    %max3A_1148 = arith.maxsi %max3A_1147, %add3A_1144 : vector<1x16xi32>
    %min3A_1149 = vector.broadcast %jit3A_1146 : i32 to vector<1x16xi32>
    %min3A_1150 = arith.minsi %min3A_1149, %max3A_1148 : vector<1x16xi32>
    %select_n3A_1151 = arith.select %and3A_1129, %min3A_1150, %broadcast_in_dim3A_1101 : vector<1x16xi32>
    %add3A_1152 = vector.broadcast %mul3A_1077 : i32 to vector<1x16xi32>
    %add3A_1153 = arith.addi %select_n3A_1151, %add3A_1152 : vector<1x16xi32>
    %add3A_1154 = arith.constant 0 : i32
    %add3A_1155 = vector.broadcast %add3A_1154 : i32 to vector<1x16xi32>
    %add3A_1156 = arith.addi %broadcast_in_dim3A_1101, %add3A_1155 : vector<1x16xi32>
    %jit3A_1157 = arith.constant 0 : i32
    %jit3A_1158 = arith.constant 511 : i32
    %max3A_1159 = vector.broadcast %jit3A_1157 : i32 to vector<1x16xi32>
    %max3A_1160 = arith.maxsi %max3A_1159, %add3A_1156 : vector<1x16xi32>
    %min3A_1161 = vector.broadcast %jit3A_1158 : i32 to vector<1x16xi32>
    %min3A_1162 = arith.minsi %min3A_1161, %max3A_1160 : vector<1x16xi32>
    %select_n3A_1163 = arith.select %and3A_1129, %min3A_1162, %broadcast_in_dim3A_1101 : vector<1x16xi32>
    %add3A_1164 = vector.broadcast %mul3A_1077 : i32 to vector<1x16xi32>
    %add3A_1165 = arith.addi %select_n3A_1163, %add3A_1164 : vector<1x16xi32>
    %add3A_1166 = arith.constant 1 : i32
    %add3A_1167 = vector.broadcast %add3A_1166 : i32 to vector<1x16xi32>
    %add3A_1168 = arith.addi %broadcast_in_dim3A_1101, %add3A_1167 : vector<1x16xi32>
    %jit3A_1169 = arith.constant 0 : i32
    %jit3A_1170 = arith.constant 511 : i32
    %max3A_1171 = vector.broadcast %jit3A_1169 : i32 to vector<1x16xi32>
    %max3A_1172 = arith.maxsi %max3A_1171, %add3A_1168 : vector<1x16xi32>
    %min3A_1173 = vector.broadcast %jit3A_1170 : i32 to vector<1x16xi32>
    %min3A_1174 = arith.minsi %min3A_1173, %max3A_1172 : vector<1x16xi32>
    %select_n3A_1175 = arith.select %and3A_1129, %min3A_1174, %broadcast_in_dim3A_1101 : vector<1x16xi32>
    %add3A_1176 = vector.broadcast %mul3A_1077 : i32 to vector<1x16xi32>
    %add3A_1177 = arith.addi %select_n3A_1175, %add3A_1176 : vector<1x16xi32>
    %add3A_1178 = arith.constant 2 : i32
    %add3A_1179 = vector.broadcast %add3A_1178 : i32 to vector<1x16xi32>
    %add3A_1180 = arith.addi %broadcast_in_dim3A_1101, %add3A_1179 : vector<1x16xi32>
    %jit3A_1181 = arith.constant 0 : i32
    %jit3A_1182 = arith.constant 511 : i32
    %max3A_1183 = vector.broadcast %jit3A_1181 : i32 to vector<1x16xi32>
    %max3A_1184 = arith.maxsi %max3A_1183, %add3A_1180 : vector<1x16xi32>
    %min3A_1185 = vector.broadcast %jit3A_1182 : i32 to vector<1x16xi32>
    %min3A_1186 = arith.minsi %min3A_1185, %max3A_1184 : vector<1x16xi32>
    %select_n3A_1187 = arith.select %and3A_1129, %min3A_1186, %broadcast_in_dim3A_1101 : vector<1x16xi32>
    %add3A_1188 = vector.broadcast %mul3A_1077 : i32 to vector<1x16xi32>
    %add3A_1189 = arith.addi %select_n3A_1187, %add3A_1188 : vector<1x16xi32>
    %concatenate3A_1190 = tpu.concatenate %add3A_1141, %add3A_1153, %add3A_1165, %add3A_1177, %add3A_1189 in 0 : vector<1x16xi32>, vector<1x16xi32>, vector<1x16xi32>, vector<1x16xi32>, vector<1x16xi32> -> vector<5x16xi32>
    %swap3A_1191 = arith.constant 0 : index
    %swap3A_1192 = arith.constant 0 : index
    %swap3A_1193 = arith.constant 0 : index
    %swap3A_1194 = vector.load %arg34[%swap3A_1191, %swap3A_1192, %swap3A_1193] : memref<1x5x16xi32, #tpu.memory_space<vmem>>, vector<1x5x16xi32>
    %swap3A_1195 = vector.shape_cast %swap3A_1194 : vector<1x5x16xi32> to vector<5x16xi32>
    %swap3A_1196 = vector.shape_cast %concatenate3A_1190 : vector<5x16xi32> to vector<1x5x16xi32>
    tpu.vector_store %arg34[%swap3A_1191, %swap3A_1192, %swap3A_1193], %swap3A_1196 {strides = array<i32>} : memref<1x5x16xi32, #tpu.memory_space<vmem>>, vector<1x5x16xi32>,
    %jit3A_1197 = arith.constant -1.000000e+30 : f32
    %broadcast_in_dim3A_1198 = vector.shape_cast %lt3A_240 : vector<512x1xi1> to vector<512x1xi1>
    %broadcast_in_dim3A_1199 = vector.broadcast %broadcast_in_dim3A_1198 : vector<512x1xi1> to vector<512x1024xi1>
    %broadcast_in_dim3A_1200 = vector.broadcast %jit3A_1197 : f32 to vector<512x1024xf32>
    %select_n3A_1201 = arith.select %broadcast_in_dim3A_1199, %logistic3A_239, %broadcast_in_dim3A_1200 : vector<512x1024xi1>, vector<512x1024xf32>
    %iota3A_1202 = tpu.iota {dimensions = array<i32: 0>} : vector<1024x32xi32>
    %eq3A_1203 = vector.broadcast %select_n3A_1063 : vector<1x32xi32> to vector<1024x32xi32>
    %eq3A_1204 = arith.cmpi eq, %iota3A_1202, %eq3A_1203 : vector<1024x32xi32>
    %convert_element_type3A_1205 = arith.extui %eq3A_1204 : vector<1024x32xi1> to vector<1024x32xi32>
    %convert_element_type3A_1206 = arith.sitofp %convert_element_type3A_1205 : vector<1024x32xi32> to vector<1024x32xf32>
    %dot_general3A_1207 = arith.constant dense<0.000000e+00> : vector<512x32xf32>
    %dot_general3A_1208 = tpu.matmul %select_n3A_1201, %convert_element_type3A_1206, %dot_general3A_1207 {dimension_numbers = #tpu.dot_dimension_numbers<[1], [0], [0], [1], [0, 0, 1, 1], [], []>, precision = #tpu.contract_precision<fp32>, transpose_lhs_hint = false} : vector<512x1024xf32>, vector<1024x32xf32>, vector<512x32xf32> -> vector<512x32xf32>
    %iota3A_1209 = tpu.iota {dimensions = array<i32: 0>} : vector<512x32xi32>
    %iota3A_1210 = tpu.iota {dimensions = array<i32: 0>} : vector<512x32xi32>
    %reduce_max3A_1211 = arith.constant dense<0xFF800000> : vector<32xf32>
    %reduce_max3A_1212 = vector.multi_reduction <maximumf>, %dot_general3A_1208, %reduce_max3A_1211 [0] : vector<512x32xf32> to vector<32xf32>
    %broadcast_in_dim3A_1213 = vector.shape_cast %reduce_max3A_1212 : vector<32xf32> to vector<1x32xf32>
    %eq3A_1214 = vector.broadcast %broadcast_in_dim3A_1213 : vector<1x32xf32> to vector<512x32xf32>
    %eq3A_1215 = arith.cmpf oeq, %dot_general3A_1208, %eq3A_1214 : vector<512x32xf32>
    %jit3A_1216 = arith.constant 512 : i32
    %broadcast_in_dim3A_1217 = vector.broadcast %jit3A_1216 : i32 to vector<512x32xi32>
    %select_n3A_1218 = arith.select %eq3A_1215, %iota3A_1210, %broadcast_in_dim3A_1217 : vector<512x32xi1>, vector<512x32xi32>
    %reduce_min3A_1219 = arith.constant dense<2147483647> : vector<32xi32>
    %reduce_min3A_1220 = vector.multi_reduction <minsi>, %select_n3A_1218, %reduce_min3A_1219 [0] : vector<512x32xi32> to vector<32xi32>
    %broadcast_in_dim3A_1221 = vector.shape_cast %reduce_min3A_1220 : vector<32xi32> to vector<1x32xi32>
    %add3A_1222 = vector.broadcast %mul3A_1077 : i32 to vector<1x32xi32>
    %add3A_1223 = arith.addi %broadcast_in_dim3A_1221, %add3A_1222 : vector<1x32xi32>
    %eq3A_1224 = vector.broadcast %broadcast_in_dim3A_1221 : vector<1x32xi32> to vector<512x32xi32>
    %eq3A_1225 = arith.cmpi eq, %iota3A_1209, %eq3A_1224 : vector<512x32xi32>
    %jit3A_1226 = arith.constant -1.000000e+30 : f32
    %broadcast_in_dim3A_1227 = vector.broadcast %jit3A_1226 : f32 to vector<512x32xf32>
    %select_n3A_1228 = arith.select %eq3A_1225, %broadcast_in_dim3A_1227, %dot_general3A_1208 : vector<512x32xi1>, vector<512x32xf32>
    %iota3A_1229 = tpu.iota {dimensions = array<i32: 0>} : vector<512x32xi32>
    %reduce_max3A_1230 = arith.constant dense<0xFF800000> : vector<32xf32>
    %reduce_max3A_1231 = vector.multi_reduction <maximumf>, %select_n3A_1228, %reduce_max3A_1230 [0] : vector<512x32xf32> to vector<32xf32>
    %broadcast_in_dim3A_1232 = vector.shape_cast %reduce_max3A_1231 : vector<32xf32> to vector<1x32xf32>
    %eq3A_1233 = vector.broadcast %broadcast_in_dim3A_1232 : vector<1x32xf32> to vector<512x32xf32>
    %eq3A_1234 = arith.cmpf oeq, %select_n3A_1228, %eq3A_1233 : vector<512x32xf32>
    %jit3A_1235 = arith.constant 512 : i32
    %broadcast_in_dim3A_1236 = vector.broadcast %jit3A_1235 : i32 to vector<512x32xi32>
    %select_n3A_1237 = arith.select %eq3A_1234, %iota3A_1229, %broadcast_in_dim3A_1236 : vector<512x32xi1>, vector<512x32xi32>
    %reduce_min3A_1238 = arith.constant dense<2147483647> : vector<32xi32>
    %reduce_min3A_1239 = vector.multi_reduction <minsi>, %select_n3A_1237, %reduce_min3A_1238 [0] : vector<512x32xi32> to vector<32xi32>
    %broadcast_in_dim3A_1240 = vector.shape_cast %reduce_min3A_1239 : vector<32xi32> to vector<1x32xi32>
    %add3A_1241 = vector.broadcast %mul3A_1077 : i32 to vector<1x32xi32>
    %add3A_1242 = arith.addi %broadcast_in_dim3A_1240, %add3A_1241 : vector<1x32xi32>
    %eq3A_1243 = vector.broadcast %broadcast_in_dim3A_1240 : vector<1x32xi32> to vector<512x32xi32>
    %eq3A_1244 = arith.cmpi eq, %iota3A_1209, %eq3A_1243 : vector<512x32xi32>
    %jit3A_1245 = arith.constant -1.000000e+30 : f32
    %broadcast_in_dim3A_1246 = vector.broadcast %jit3A_1245 : f32 to vector<512x32xf32>
    %select_n3A_1247 = arith.select %eq3A_1244, %broadcast_in_dim3A_1246, %select_n3A_1228 : vector<512x32xi1>, vector<512x32xf32>
    %iota3A_1248 = tpu.iota {dimensions = array<i32: 0>} : vector<512x32xi32>
    %reduce_max3A_1249 = arith.constant dense<0xFF800000> : vector<32xf32>
    %reduce_max3A_1250 = vector.multi_reduction <maximumf>, %select_n3A_1247, %reduce_max3A_1249 [0] : vector<512x32xf32> to vector<32xf32>
    %broadcast_in_dim3A_1251 = vector.shape_cast %reduce_max3A_1250 : vector<32xf32> to vector<1x32xf32>
    %eq3A_1252 = vector.broadcast %broadcast_in_dim3A_1251 : vector<1x32xf32> to vector<512x32xf32>
    %eq3A_1253 = arith.cmpf oeq, %select_n3A_1247, %eq3A_1252 : vector<512x32xf32>
    %jit3A_1254 = arith.constant 512 : i32
    %broadcast_in_dim3A_1255 = vector.broadcast %jit3A_1254 : i32 to vector<512x32xi32>
    %select_n3A_1256 = arith.select %eq3A_1253, %iota3A_1248, %broadcast_in_dim3A_1255 : vector<512x32xi1>, vector<512x32xi32>
    %reduce_min3A_1257 = arith.constant dense<2147483647> : vector<32xi32>
    %reduce_min3A_1258 = vector.multi_reduction <minsi>, %select_n3A_1256, %reduce_min3A_1257 [0] : vector<512x32xi32> to vector<32xi32>
    %broadcast_in_dim3A_1259 = vector.shape_cast %reduce_min3A_1258 : vector<32xi32> to vector<1x32xi32>
    %add3A_1260 = vector.broadcast %mul3A_1077 : i32 to vector<1x32xi32>
    %add3A_1261 = arith.addi %broadcast_in_dim3A_1259, %add3A_1260 : vector<1x32xi32>
    %concatenate3A_1262 = tpu.concatenate %add3A_1223, %add3A_1242, %add3A_1261 in 0 : vector<1x32xi32>, vector<1x32xi32>, vector<1x32xi32> -> vector<3x32xi32>
    %swap3A_1263 = arith.constant 0 : index
    %swap3A_1264 = arith.constant 0 : index
    %swap3A_1265 = arith.constant 0 : index
    %swap3A_1266 = vector.load %arg35[%swap3A_1263, %swap3A_1264, %swap3A_1265] : memref<1x3x32xi32, #tpu.memory_space<vmem>>, vector<1x3x32xi32>
    %swap3A_1267 = vector.shape_cast %swap3A_1266 : vector<1x3x32xi32> to vector<3x32xi32>
    %swap3A_1268 = vector.shape_cast %concatenate3A_1262 : vector<3x32xi32> to vector<1x3x32xi32>
    tpu.vector_store %arg35[%swap3A_1263, %swap3A_1264, %swap3A_1265], %swap3A_1268 {strides = array<i32>} : memref<1x3x32xi32, #tpu.memory_space<vmem>>, vector<1x3x32xi32>,
    return
  }
  func.func @transform_0(%arg0: i32) -> i32 {
    %c0_i32 = arith.constant 0 : i32
    %c0_i32_0 = arith.constant 0 : i32
    return %c0_i32 : i32
  }
  func.func @transform_1(%arg0: i32) -> (i32, i32, i32) {
    %c0_i32 = arith.constant 0 : i32
    %c0_i32_0 = arith.constant 0 : i32
    %c0_i32_1 = arith.constant 0 : i32
    return %arg0, %c0_i32, %c0_i32_0 : i32, i32, i32
  }
  func.func @transform_2(%arg0: i32) -> (i32, i32) {
    %c0_i32 = arith.constant 0 : i32
    %c0_i32_0 = arith.constant 0 : i32
    %c0_i32_1 = arith.constant 0 : i32
    return %c0_i32, %c0_i32_0 : i32, i32
  }
  func.func @transform_3(%arg0: i32) -> (i32, i32) {
    %c0_i32 = arith.constant 0 : i32
    %c0_i32_0 = arith.constant 0 : i32
    %c0_i32_1 = arith.constant 0 : i32
    return %c0_i32, %c0_i32_0 : i32, i32
  }
  func.func @transform_4(%arg0: i32) -> (i32, i32) {
    %c0_i32 = arith.constant 0 : i32
    %c0_i32_0 = arith.constant 0 : i32
    %c0_i32_1 = arith.constant 0 : i32
    return %c0_i32, %c0_i32_0 : i32, i32
  }
  func.func @transform_5(%arg0: i32) -> (i32, i32) {
    %c0_i32 = arith.constant 0 : i32
    %c0_i32_0 = arith.constant 0 : i32
    %c0_i32_1 = arith.constant 0 : i32
    return %c0_i32, %c0_i32_0 : i32, i32
  }
  func.func @transform_6(%arg0: i32) -> (i32, i32) {
    %c0_i32 = arith.constant 0 : i32
    %c0_i32_0 = arith.constant 0 : i32
    %c0_i32_1 = arith.constant 0 : i32
    return %c0_i32, %c0_i32_0 : i32, i32
  }
  func.func @transform_7(%arg0: i32) -> (i32, i32) {
    %c0_i32 = arith.constant 0 : i32
    %c0_i32_0 = arith.constant 0 : i32
    %c0_i32_1 = arith.constant 0 : i32
    return %c0_i32, %c0_i32_0 : i32, i32
  }
  func.func @transform_8(%arg0: i32) -> (i32, i32) {
    %c0_i32 = arith.constant 0 : i32
    %c0_i32_0 = arith.constant 0 : i32
    %c0_i32_1 = arith.constant 0 : i32
    return %c0_i32, %c0_i32_0 : i32, i32
  }
  func.func @transform_9(%arg0: i32) -> (i32, i32) {
    %c0_i32 = arith.constant 0 : i32
    %c0_i32_0 = arith.constant 0 : i32
    %c0_i32_1 = arith.constant 0 : i32
    return %c0_i32, %c0_i32_0 : i32, i32
  }
  func.func @transform_10(%arg0: i32) -> (i32, i32, i32) {
    %c0_i32 = arith.constant 0 : i32
    %c0_i32_0 = arith.constant 0 : i32
    %c0_i32_1 = arith.constant 0 : i32
    %c0_i32_2 = arith.constant 0 : i32
    return %c0_i32, %c0_i32_0, %c0_i32_1 : i32, i32, i32
  }
  func.func @transform_11(%arg0: i32) -> (i32, i32) {
    %c0_i32 = arith.constant 0 : i32
    %c0_i32_0 = arith.constant 0 : i32
    %c0_i32_1 = arith.constant 0 : i32
    return %c0_i32, %c0_i32_0 : i32, i32
  }
  func.func @transform_12(%arg0: i32) -> (i32, i32) {
    %c0_i32 = arith.constant 0 : i32
    %c0_i32_0 = arith.constant 0 : i32
    %c0_i32_1 = arith.constant 0 : i32
    return %c0_i32, %c0_i32_0 : i32, i32
  }
  func.func @transform_13(%arg0: i32) -> (i32, i32) {
    %c0_i32 = arith.constant 0 : i32
    %c0_i32_0 = arith.constant 0 : i32
    %c0_i32_1 = arith.constant 0 : i32
    return %c0_i32, %c0_i32_0 : i32, i32
  }
  func.func @transform_14(%arg0: i32) -> (i32, i32) {
    %c0_i32 = arith.constant 0 : i32
    %c0_i32_0 = arith.constant 0 : i32
    %c0_i32_1 = arith.constant 0 : i32
    return %c0_i32, %c0_i32_0 : i32, i32
  }
  func.func @transform_15(%arg0: i32) -> (i32, i32) {
    %c0_i32 = arith.constant 0 : i32
    %c0_i32_0 = arith.constant 0 : i32
    %c0_i32_1 = arith.constant 0 : i32
    return %c0_i32, %c0_i32_0 : i32, i32
  }
  func.func @transform_16(%arg0: i32) -> (i32, i32) {
    %c0_i32 = arith.constant 0 : i32
    %c0_i32_0 = arith.constant 0 : i32
    %c0_i32_1 = arith.constant 0 : i32
    return %c0_i32, %c0_i32_0 : i32, i32
  }
  func.func @transform_17(%arg0: i32) -> (i32, i32) {
    %c0_i32 = arith.constant 0 : i32
    %c0_i32_0 = arith.constant 0 : i32
    %c0_i32_1 = arith.constant 0 : i32
    return %c0_i32, %c0_i32_0 : i32, i32
  }
  func.func @transform_18(%arg0: i32) -> (i32, i32) {
    %c0_i32 = arith.constant 0 : i32
    %c0_i32_0 = arith.constant 0 : i32
    %c0_i32_1 = arith.constant 0 : i32
    return %c0_i32, %c0_i32_0 : i32, i32
  }
  func.func @transform_19(%arg0: i32) -> (i32, i32) {
    %c0_i32 = arith.constant 0 : i32
    %c0_i32_0 = arith.constant 0 : i32
    %c0_i32_1 = arith.constant 0 : i32
    return %c0_i32, %c0_i32_0 : i32, i32
  }
  func.func @transform_20(%arg0: i32) -> (i32, i32) {
    %c0_i32 = arith.constant 0 : i32
    %c0_i32_0 = arith.constant 0 : i32
    %c0_i32_1 = arith.constant 0 : i32
    return %c0_i32, %c0_i32_0 : i32, i32
  }
  func.func @transform_21(%arg0: i32) -> (i32, i32) {
    %c0_i32 = arith.constant 0 : i32
    %c0_i32_0 = arith.constant 0 : i32
    %c0_i32_1 = arith.constant 0 : i32
    return %c0_i32, %c0_i32_0 : i32, i32
  }
  func.func @transform_22(%arg0: i32) -> (i32, i32, i32) {
    %c0_i32 = arith.constant 0 : i32
    %c0_i32_0 = arith.constant 0 : i32
    %c0_i32_1 = arith.constant 0 : i32
    return %arg0, %c0_i32, %c0_i32_0 : i32, i32, i32
  }
  func.func @transform_23(%arg0: i32) -> (i32, i32, i32) {
    %c0_i32 = arith.constant 0 : i32
    %c0_i32_0 = arith.constant 0 : i32
    %c0_i32_1 = arith.constant 0 : i32
    return %arg0, %c0_i32, %c0_i32_0 : i32, i32, i32
  }
  func.func @transform_24(%arg0: i32) -> (i32, i32, i32) {
    %c0_i32 = arith.constant 0 : i32
    %c0_i32_0 = arith.constant 0 : i32
    %c0_i32_1 = arith.constant 0 : i32
    return %arg0, %c0_i32, %c0_i32_0 : i32, i32, i32
  }
  func.func @transform_25(%arg0: i32) -> (i32, i32, i32) {
    %c0_i32 = arith.constant 0 : i32
    %c0_i32_0 = arith.constant 0 : i32
    %c0_i32_1 = arith.constant 0 : i32
    return %arg0, %c0_i32, %c0_i32_0 : i32, i32, i32
  }
  func.func @transform_26(%arg0: i32) -> (i32, i32, i32) {
    %c0_i32 = arith.constant 0 : i32
    %c0_i32_0 = arith.constant 0 : i32
    %c0_i32_1 = arith.constant 0 : i32
    return %arg0, %c0_i32, %c0_i32_0 : i32, i32, i32
  }
  func.func @transform_27(%arg0: i32) -> (i32, i32, i32) {
    %c0_i32 = arith.constant 0 : i32
    %c0_i32_0 = arith.constant 0 : i32
    %c0_i32_1 = arith.constant 0 : i32
    return %arg0, %c0_i32, %c0_i32_0 : i32, i32, i32
  }
  func.func @transform_28(%arg0: i32) -> (i32, i32, i32) {
    %c0_i32 = arith.constant 0 : i32
    %c0_i32_0 = arith.constant 0 : i32
    %c0_i32_1 = arith.constant 0 : i32
    return %arg0, %c0_i32, %c0_i32_0 : i32, i32, i32
  }
  func.func @transform_29(%arg0: i32) -> (i32, i32, i32) {
    %c0_i32 = arith.constant 0 : i32
    %c0_i32_0 = arith.constant 0 : i32
    %c0_i32_1 = arith.constant 0 : i32
    return %arg0, %c0_i32, %c0_i32_0 : i32, i32, i32
  }
  func.func @transform_30(%arg0: i32) -> (i32, i32, i32) {
    %c0_i32 = arith.constant 0 : i32
    %c0_i32_0 = arith.constant 0 : i32
    %c0_i32_1 = arith.constant 0 : i32
    return %arg0, %c0_i32, %c0_i32_0 : i32, i32, i32
  }
  func.func @transform_31(%arg0: i32) -> (i32, i32, i32) {
    %c0_i32 = arith.constant 0 : i32
    %c0_i32_0 = arith.constant 0 : i32
    %c0_i32_1 = arith.constant 0 : i32
    return %arg0, %c0_i32, %c0_i32_0 : i32, i32, i32
  }
  func.func @transform_32(%arg0: i32) -> (i32, i32, i32) {
    %c0_i32 = arith.constant 0 : i32
    %c0_i32_0 = arith.constant 0 : i32
    %c0_i32_1 = arith.constant 0 : i32
    return %arg0, %c0_i32, %c0_i32_0 : i32, i32, i32
  }
  func.func @transform_33(%arg0: i32) -> (i32, i32, i32) {
    %c0_i32 = arith.constant 0 : i32
    %c0_i32_0 = arith.constant 0 : i32
    %c0_i32_1 = arith.constant 0 : i32
    return %arg0, %c0_i32, %c0_i32_0 : i32, i32, i32
  }
  func.func @transform_34(%arg0: i32) -> (i32, i32, i32) {
    %c0_i32 = arith.constant 0 : i32
    %c0_i32_0 = arith.constant 0 : i32
    %c0_i32_1 = arith.constant 0 : i32
    return %arg0, %c0_i32, %c0_i32_0 : i32, i32, i32
  }
}

</mosaic_0001>

<sc_bundles>
// kernel: kernel.4.cloned.1.call-start
scs
__scs_entry_jumppad:
0x0: {  	(pc) =	sbr.rel $0x88, $3  }
0x1: {  	(tag) =	ssettag $0x0;
	lr =	simm.s32 $0x1  }
0x2: {  	[smem:$0x3F8B] =	sst lr;
	_ =	strace $0xD0000000  }
0x3: {  	_ = 	snop  }
0x4: {  	_ = 	snop  }
0x5: {  	_ = 	snop  }
0x6: {  	_ = 	snop  }
0x7: {  	_ = 	snop  }
__scs_overlays_trampoline_lowered:
0x8: {  	[smem:$0x3F9A] =	sst s0  }
0x9: {  	[smem:$0x3F9B] =	sst s1  }
0xa: {  	[smem:$0x3F9C] =	sst s2  }
0xb: {  	[smem:$0x3F9D] =	sst s3  }
0xc: {  	[smem:$0x3F9E] =	sst s4  }
0xd: {  	[smem:$0x3F9F] =	sst s5  }
0xe: {  	[smem:$0x3FA0] =	sst s6  }
0xf: {  	[smem:$0x3FA1] =	sst s7  }
0x10: {  	[smem:$0x3FA2] =	sst s8  }
0x11: {  	[smem:$0x3FA3] =	sst s9;
	s0 =	simm.s32 @!p0 $0x0  }
0x12: {  	s1 =	sld [smem:$0x3F89];
	s0 =	simm.s32 @p0 $0x1  }
0x13: {  	[smem:$0x3FA4] =	sst s0;
	s0 =	simm.s32 @!p1 $0x0  }
0x14: {  	s2 =	sld [smem:$0x3F88];
	s0 =	simm.s32 @p1 $0x1  }
0x15: {  	[smem:$0x3FA5] =	sst s0;
	s0 =	simm.s32 @!p2 $0x0  }
0x16: {  	s3 =	sld [smem:$0x3FDB];
	s0 =	simm.s32 @p2 $0x1  }
0x17: {  	s4 =	simm.s32 $0x1BF5;
	[smem:$0x3FA7] =	sst s0  }
0x18: {  	s0 =	sld [smem:$0x3F8A];
	_ =	swait.ge [sflag:s4], $0x0  }
0x19: {  	s7 =	sld [smem:$0x3F8B]  }
0x1a: {  	s8 =	sadd.s32 $0xFFFFE003, lr  }
0x1b: {  	s9 =	sadd.s32 $0xFFFFFEF7, lr;
	s5 =	simm.s32 $0xFFFFFFFF;
	p2 =	slt.u32 s8, $0xFFFFF086  }
0x1c: {  	p1 =	slt.u32 s9, $0xF7A;
	s5 =	simm.s32 @!p2 $0x0  }
0x1d: {  	s5 =	simm.s32 @p1 $0x1;
	p0 =	seq.s32 s7, s2  }
0x1e: {  	s7 =	smul.u32 @!p0 $0xF7A, s2;
	p2 =	seq.s32 @!p0 s5, $0x0  }
0x1f: {  	s9 =	smul.u32 $0xF7A, s1;
	s8 =	simm.s32 @!p0 $0x1BF5;
	p2 =	por !p2, p0  }
0x20: {  	[sflag:s8] =	ssyncset.s32 @!p0 $0xFFFFF086;
	s6 =	sadd.s32 @!p0 s3, s7;
	s7 =	simm.s32 @!p0 $0x108  }
0x21: {  	s3 =	sadd.s32 s3, s9;
	s6 =	sadd.s32 @!p0 $0x88, s6;
	s7 =	simm.s32 @p2 $0x1082  }
0x22: {  	[simem:s7], [sflag:s8] =	dma.local @!p0 [hbm:s6], $0xF7A  }
0x23: {  	s9 =	sor.u32 $0xD0000000, s2;
	s6 =	simm.s32 $0x108;
	_ =	swait.ge @!p0 [sflag:s8], $0x0  }
0x24: {  	s3 =	sadd.s32 $0x88, s3;
	s6 =	simm.s32 @!p1 $0x1082;
	[sflag:s4] =	ssyncset.s32 $0xFFFFF086  }
0x25: {  	[simem:s6], [sflag:s4] =	dma.local [hbm:s3], $0xF7A  }
0x26: {  	[smem:$0x3F8B] =	sst s1;
	(tag) =	ssettag s2;
	_ =	strace s9  }
0x27: {  	s1 =	sld [smem:$0x3F9B]  }
0x28: {  	s2 =	sld [smem:$0x3F9C]  }
0x29: {  	s4 =	sld [smem:$0x3F9E]  }
0x2a: {  	p0 =	seq.s32 s5, $0x0;
	s5 =	sld [smem:$0x3F9F]  }
0x2b: {  	s6 =	sld [smem:$0x3FA0]  }
0x2c: {  	s7 =	sld [smem:$0x3FA1]  }
0x2d: {  	s3 =	simm.s32 $0x108;
	s8 =	sld [smem:$0x3FA2]  }
0x2e: {  	s3 =	simm.s32 @!p0 $0x1082;
	s9 =	sld [smem:$0x3FA3]  }
0x2f: {  	lr =	sadd.s32 s0, s3;
	s0 =	sld [smem:$0x3F9A]  }
0x30: {  	s3 =	sld [smem:$0x3F9D]  }
0x31: {  	[smem:$0x3FA6] =	sst s10  }
0x32: {  	s10 =	sld [smem:$0x3FA4];
	_ =	sdelay $0x3  }
0x33: {  	p0 =	seq.s32 s10, $0x1;
	s10 =	sld [smem:$0x3FA6];
	_ =	sdelay $0x3  }
0x34: {  	[smem:$0x3FA6] =	sst s10  }
0x35: {  	s10 =	sld [smem:$0x3FA5];
	_ =	sdelay $0x3  }
0x36: {  	p1 =	seq.s32 s10, $0x1;
	s10 =	sld [smem:$0x3FA6];
	_ =	sdelay $0x3  }
0x37: {  	[smem:$0x3FA6] =	sst s10  }
0x38: {  	s10 =	sld [smem:$0x3FA7]  }
0x39: {  	_ = 	snop;
	(pc) =	sbr.ind lr, $3  }
0x3a: {  	_ = 	snop  }
0x3b: {  	_ = 	snop  }
0x3c: {  	p2 =	seq.s32 s10, $0x1;
	s10 =	sld [smem:$0x3FA6]  }
0x3d: {  	_ =	shalt  }
0x3e: {  	_ =	shalt  }
0x3f: {  	_ =	shalt  }
0x40: {  	_ =	shalt  }
0x41: {  	_ =	shalt  }
0x42: {  	_ =	shalt  }
0x43: {  	_ =	shalt  }
0x44: {  	_ =	shalt  }
0x45: {  	_ =	shalt  }
0x46: {  	_ =	shalt  }
0x47: {  	_ =	shalt  }
0x48: {  	_ =	shalt  }
0x49: {  	_ =	shalt  }
0x4a: {  	_ =	shalt  }
0x4b: {  	_ =	shalt  }
0x4c: {  	_ =	shalt  }
0x4d: {  	_ =	shalt  }
0x4e: {  	_ =	shalt  }
0x4f: {  	_ =	shalt  }
0x50: {  	_ =	shalt  }
0x51: {  	_ =	shalt  }
0x52: {  	_ =	shalt  }
0x53: {  	_ =	shalt  }
0x54: {  	_ =	shalt  }
0x55: {  	_ =	shalt  }
0x56: {  	_ =	shalt  }
0x57: {  	_ =	shalt  }
0x58: {  	_ =	shalt  }
0x59: {  	_ =	shalt  }
0x5a: {  	_ =	shalt  }
0x5b: {  	_ =	shalt  }
0x5c: {  	_ =	shalt  }
0x5d: {  	_ =	shalt  }
0x5e: {  	_ =	shalt  }
0x5f: {  	_ =	shalt  }
0x60: {  	_ =	shalt  }
0x61: {  	_ =	shalt  }
0x62: {  	_ =	shalt  }
0x63: {  	_ =	shalt  }
0x64: {  	_ =	shalt  }
0x65: {  	_ =	shalt  }
0x66: {  	_ =	shalt  }
0x67: {  	_ =	shalt  }
0x68: {  	_ =	shalt  }
0x69: {  	_ =	shalt  }
0x6a: {  	_ =	shalt  }
0x6b: {  	_ =	shalt  }
0x6c: {  	_ =	shalt  }
0x6d: {  	_ =	shalt  }
0x6e: {  	_ =	shalt  }
0x6f: {  	_ =	shalt  }
0x70: {  	_ =	shalt  }
0x71: {  	_ =	shalt  }
0x72: {  	_ =	shalt  }
0x73: {  	_ =	shalt  }
0x74: {  	_ =	shalt  }
0x75: {  	_ =	shalt  }
0x76: {  	_ =	shalt  }
0x77: {  	_ =	shalt  }
0x78: {  	_ =	shalt  }
0x79: {  	_ =	shalt  }
0x7a: {  	_ =	shalt  }
0x7b: {  	_ =	shalt  }
0x7c: {  	_ =	shalt  }
0x7d: {  	_ =	shalt  }
0x7e: {  	_ =	shalt  }
0x7f: {  	_ =	shalt  }
0x80: {  	_ =	shalt  }
0x81: {  	_ =	shalt  }
0x82: {  	_ =	shalt  }
0x83: {  	_ =	shalt  }
0x84: {  	_ =	shalt  }
0x85: {  	_ =	shalt  }
0x86: {  	_ =	shalt  }
0x87: {  	_ =	shalt  }
.Lfunc_end0:
.L_simem_size_0:
called_computation_lowered:
.L_overlay_start_0:
0x88: {  	s2 =	sld [smem:$0x3FD9]  }
0x89: {  	s3 =	sld [smem:$0x3FFE];
	_ =	sdelay $0x1  }
0x8a: {  	s1 =	srdreg.scid  }
0x8b: {  	s0 =	sand.u32 $0x1, s1  }
0x8c: {  	s14 =	sshll.u32 s0, $0xA;
	s2 =	sadd.s32 s3, s2  }
0x8d: {  	s2 =	sadd.s32 s2, s14  }
0x8e: {  	[smem:$0x3FB2] =	sst s2  }
0x8f: {  	_ = 	snop  }
0x90: {  	s2 =	sld [smem:$0x3FD0];
	_ =	sdelay $0x2  }
0x91: {  	s15 =	simm.s32 $0xA;
	s4 =	simm.s32 $0x10  }
0x92: {  	[smem:s4], [sflag:s15] =	dma.local [hbm:s2], $0x1  }
0x93: {  	_ =	swait.eq [sflag:s15], $0x1  }
0x94: {  	[sflag:s15] =	ssyncset.done $0x0  }
0x95: {  	s16 =	sld [smem:$0x11];
	[sflag:s15] =	ssyncadd.s32 $0xFFFFFFFF  }
0x96: {  	s17 =	sld [smem:$0x12];
	(tm) =	ssettm $0x1  }
0x97: {  	s18 =	sld [smem:$0x3FFB];
	_ =	sdelay $0x3  }
0x98: {  	_ =	strace s18  }
0x99: {  	s4 =	sld [smem:$0x3FFC];
	_ =	sdelay $0x3  }
0x9a: {  	_ =	strace s4  }
0x9b: {  	s4 =	sld [smem:$0x3FFD];
	_ =	sdelay $0x3  }
0x9c: {  	_ =	strace s4  }
0x9d: {  	_ =	strace $0x8FFFFFFF  }
0x9e: {  	s19 =	sld [smem:$0x3FDB];
	_ =	sdelay $0x1  }
0x9f: {  	s5 =	simm.s32 $_scs_section_size  }
0xa0: {  	s6 =	simm.s32 $_size__tile_overlayer_lowered;
	s7 =	simm.s32 $_tile_overlayer_lowered  }
0xa1: {  	s22 =	simm.s32 $0x1BFF;
	s21 =	sshll.u32 s7, $0x1;
	s4 =	sadd.s32 s5, s19  }
0xa2: {  	s8 =	simm.s32 $0x0;
	s20 =	sshll.u32 s6, $0x1;
	s6 =	sadd.s32 s21, s4  }
0xa3: {  	[timem:s8], [sflag:s22] =	dma.local [hbm:s6], s20  }
0xa4: {  	_ =	swait.ge [sflag:s22], s20  }
0xa5: {  	s5 =	ssub.s32 $0x0, s20;
	[sflag:s22] =	ssyncset.done $0x0  }
0xa6: {  	[sflag:s22] =	ssyncadd.s32 s5;
	_ =	sdelay $0x1  }
0xa7: {  	s23 =	simm.s32 $0x1B8B  }
0xa8: {  	_ =	swait.ge [sflag:s23], $0x1  }
0xa9: {  	[sflag:s23] =	ssyncset.done $0x0  }
0xaa: {  	s25 =	simm.s32 $0x1B8E;
	s24 =	sld [smem:$0x3FFE];
	[sflag:s23] =	ssyncadd.s32 $0xFFFFFFFF  }
0xab: {  	s26 =	simm.s32 $execute0_lowered;
	[smem:$0x3FD2] =	sst s25  }
0xac: {  	s6 =	sshll.u32 s26, $0x1;
	_ =	strace $0x80000046;
	[dreg:$0x1] =	wrdreg $0xFFFFFFFF  }
0xad: {  	s28 =	simm.s32 $_size_execute0_lowered;
	s4 =	sadd.s32 s4, s6;
	[dreg:$0x0] =	wrdreg $0x0  }
0xae: {  	s6 =	sshll.u32 s28, $0x1;
	[dreg:$0x2] =	wrdreg s4  }
0xaf: {  	[dreg:$0x3] =	wrdreg s6  }
0xb0: {  	[dreg:$0x4] =	wrdreg $0xC0  }
0xb1: {  	_ =	task [dreg:s8], $0x5FFFF  }
0xb2: {  	[dreg:$0x1] =	wrdreg $0xFFFFFFFF  }
0xb3: {  	[dreg:$0x0] =	wrdreg $0x60  }
0xb4: {  	[dreg:$0x2] =	wrdreg s24  }
0xb5: {  	[dreg:$0x3] =	wrdreg s16  }
0xb6: {  	[dreg:$0x4] =	wrdreg s17  }
0xb7: {  	[dreg:$0x5] =	wrdreg $0x9  }
0xb8: {  	_ =	task.clear_ibuf [dreg:s8], $0x6FFFF;
	_ =	strace $0x90000046  }
0xb9: {  	s29 =	simm.s32 $0x9;
	_ =	strace $0x80000048  }
0xba: {  	_ =	swait.ge [sflag:s29], $0x1  }
0xbb: {  	[sflag:s29] =	ssyncadd.s32 $0xFFFFFFFF  }
0xbc: {  	_ =	strace $0x90000048  }
0xbd: {  	_ =	sfence  }
0xbe: {  	s30 =	sld [smem:$0x0];
	_ =	sdelay $0x2  }
0xbf: {  	s31 =	sshll.u32 s1, $0xD;
	s1 =	sshrl.u32 s1, $0x2  }
0xc0: {  	s3 =	sand.u32 $0x4000, s31;
	s1 =	sadd.s32 s1, s30  }
0xc1: {  	s0 =	sor.u32 s3, s0;
	s1 =	sshll.u32 s1, $0x11  }
0xc2: {  	s0 =	sor.u32 s1, s0  }
0xc3: {  	s0 =	sadd.s32 $0x8F2B, s0  }
0xc4: {  	[sflag:s0] =	ssyncadd.remote.s32 $0x1  }
0xc5: {  	_ =	sfence.sel $0xFFFF  }
0xc6: {  	[dreg:$0x0] =	wrdreg $0xFFFFFFFF;
	(pc) =	sbr.abs _section_cstart, $3  }
0xc7: {  	[dreg:$0x1] =	wrdreg $0xFFFFFFFF  }
0xc8: {  	_ =	task.clear_ibuf [dreg:s8], $0x2FFFF;
	_ =	strace $0x9FFFFFFF  }
0xc9: {  	(tm) =	ssettm $0x7FFFFFFF  }
tec
execute0_lowered:
.L_overlay_start_1:
0x0: {  	(tag) =	ssettag $0x1  }
0x1: {  	s7 =	rddreg [dreg:$0x0]  }
0x2: {  	s1 =	rddreg [dreg:$0x1]  }
0x3: {  	s10 =	rddreg [dreg:$0x2]  }
0x4: {  	s0 =	rddreg [dreg:$0x3];
	s3 =	simm.s32 $0x0;
	s4 =	srdreg.scid  }
0x5: {  	s2 =	stileid.u32;
	s19 =	simm.s32 $0x8080;
	s20 =	simm.s32 $0x8C80  }
0x6: {  	s21 =	simm.s32 $0x0;
	[smem:$0x7FF] =	sst s3;
	s14 =	smul.u32 $0xA, s2  }
0x7: {  	s11 =	sand.u32 $0x1, s4;
	s29 =	sshll.u32 s2, $0x1;
	s17 =	smul.u32 $0x14, s2  }
0x8: {  	s4 =	sadd.s32 $0x3A00, s7;
	s5 =	sadd.s32 $0x83A00, s7;
	s15 =	smul.u32 $0x5, s11  }
0x9: {  	_ =	strace $0x80000047;
	s6 =	sor.u32 s11, s29;
	s18 =	smul.u32 $0xA, s11  }
0xa: {  	s30 =	ssub.s32 $0x2, s11;
	s8 =	sshll.u32 s6, $0x4;
	s9 =	smul.u32 $0x180, s6  }
0xb: {  	s13 =	smul.u32 $0x280, s6;
	s6 =	sadd.s32 $0x103A00, s7;
	s31 =	sshrl.u32 s30, $0x1  }
0xc: {  	s12 =	sadd.s32 s8, s7;
	s16 =	ssub.s32 s30, s31;
	s7 =	sadd.s32 s9, s7  }
0xd: {  	s8 =	sadd.s32 $0x104000, s12;
	s9 =	sadd.s32 $0x103E00, s12;
	s10 =	sadd.s32 s10, s13  }
0xe: {  	s11 =	smax.u32 s16, $0x1;
	s12 =	sadd.s32 s15, s14;
	s13 =	sadd.s32 s18, s17  }
0xf: {  	s14 =	simm.s32 $0x4080;
	s15 =	simm.s32 $0x2;
	s16 =	simm.s32 $0x6080  }
0x10: {  	s17 =	simm.s32 $0x80;
	s18 =	simm.s32 $0x1;
	s7 =	sadd.s32 $0x104200, s7  }
.LBB2_1:
0x11: {  	[tilespmem:s14], [sflag:$0x2] =	stream.linear.gather [hbm4b:s1+s3], $0x2000, $0x38;
	[tilespmem:$0xA080] =	vst v63  }
0x12: {  	_ =	swait.ge [sflag:s15], $0x2000  }
0x13: {  	[sflag:s15] =	ssyncset.done $0x0  }
0x14: {  	[sflag:s15] =	ssyncadd.s32 $0xFFFFE000  }
0x15: {  	[tilespmem:s16], [sflag:$0x2] =	stream.linear.gather [hbm4b:s6+s3], $0x2000, $0x38;
	[tilespmem:$0xA080] =	vst v63  }
0x16: {  	_ =	swait.ge [sflag:s15], $0x2000  }
0x17: {  	[sflag:s15] =	ssyncset.done $0x0  }
0x18: {  	[sflag:s15] =	ssyncadd.s32 $0xFFFFE000  }
0x19: {  	[tilespmem:s3], [sflag:$0x2] =	stream.linear.gather [hbm4b:s8+s3], $0x80, $0x38;
	[tilespmem:$0xA080] =	vst v63  }
0x1a: {  	_ =	swait.ge [sflag:s15], $0x80  }
0x1b: {  	[sflag:s15] =	ssyncset.done $0x0  }
0x1c: {  	[sflag:s15] =	ssyncadd.s32 $0xFFFFFF80  }
0x1d: {  	[tilespmem:s17], [sflag:$0x1] =	stream.indirect.gather [hbm4b:s4+s17], $0x80, s3, s17, $0xb8;
	[tilespmem:$0xA080] =	vst v63  }
0x1e: {  	_ =	swait.ge [sflag:s18], $0x4000  }
0x1f: {  	s22 =	simm.s32 $0x580;
	[sflag:s18] =	ssyncset.done $0x0  }
0x20: {  	s23 =	simm.s32 $0x8180;
	s24 =	simm.s32 $0x0;
	[sflag:s18] =	ssyncadd.s32 $0xFFFFC000  }
.LBB2_2:
0x21: {  	v0 =	vld [tilespmem:s22+$0xFFFFFB00]  }
0x22: {  	v1 =	vld [tilespmem:s22+$0xFFFFFD00];
	_ =	sdelay $0x1  }
0x23: {  	v2 =	vld [tilespmem:s22+$0xFFFFFF00]  }
0x24: {  	s25 =	sadd.s32 s24, s12  }
0x25: {  	v3 =	vld [tilespmem:s22+$0x100];
	s25 =	smulhi.u32 $0xCCCCCCCD, s25  }
0x26: {  	v0 =	vadd.f32 v1, v0  }
0x27: {  	v24 =	vld [tilespmem:s22+$0x300];
	s25 =	sshll.u32 s25, $0x6  }
0x28: {  	s25 =	sand.u32 $0x3FFFFE00, s25;
	v0 =	vadd.f32 v2, v0  }
0x29: {  	v25 =	vld [tilespmem:s25+$0x4080]  }
0x2a: {  	v0 =	vadd.f32 v3, v0;
	_ =	sdelay $0x1  }
0x2b: {  	v0 =	vadd.f32 v24, v0;
	_ =	sdelay $0x1  }
0x2c: {  	v0 =	vmul.f32 v25, v0;
	_ =	sdelay $0x1  }
0x2d: {  	v0 =	vmul.f32 $2.000000030e-01, v0;
	_ =	sdelay $0x1  }
0x2e: {  	[tilespmem:s23+$0xFFFFFF00] =	vst v0  }
0x2f: {  	v0 =	vld [tilespmem:s22+$0xFFFFFB10]  }
0x30: {  	v26 =	vld [tilespmem:s22+$0xFFFFFD10];
	_ =	sdelay $0x1  }
0x31: {  	v27 =	vld [tilespmem:s22+$0xFFFFFF10];
	_ =	sdelay $0x1  }
0x32: {  	v28 =	vld [tilespmem:s22+$0x110]  }
0x33: {  	v0 =	vadd.f32 v26, v0  }
0x34: {  	v29 =	vld [tilespmem:s22+$0x310]  }
0x35: {  	v0 =	vadd.f32 v27, v0  }
0x36: {  	v30 =	vld [tilespmem:s25+$0x4090]  }
0x37: {  	v0 =	vadd.f32 v28, v0;
	_ =	sdelay $0x1  }
0x38: {  	v0 =	vadd.f32 v29, v0;
	_ =	sdelay $0x1  }
0x39: {  	v0 =	vmul.f32 v30, v0;
	_ =	sdelay $0x1  }
0x3a: {  	v0 =	vmul.f32 $2.000000030e-01, v0;
	_ =	sdelay $0x1  }
0x3b: {  	[tilespmem:s23+$0xFFFFFF10] =	vst v0  }
0x3c: {  	v0 =	vld [tilespmem:s22+$0xFFFFFB20]  }
0x3d: {  	v31 =	vld [tilespmem:s22+$0xFFFFFD20];
	_ =	sdelay $0x1  }
0x3e: {  	v32 =	vld [tilespmem:s22+$0xFFFFFF20];
	_ =	sdelay $0x1  }
0x3f: {  	v33 =	vld [tilespmem:s22+$0x120]  }
0x40: {  	v0 =	vadd.f32 v31, v0  }
0x41: {  	v34 =	vld [tilespmem:s22+$0x320]  }
0x42: {  	v0 =	vadd.f32 v32, v0  }
0x43: {  	v35 =	vld [tilespmem:s25+$0x40A0]  }
0x44: {  	v0 =	vadd.f32 v33, v0;
	_ =	sdelay $0x1  }
0x45: {  	v0 =	vadd.f32 v34, v0;
	_ =	sdelay $0x1  }
0x46: {  	v0 =	vmul.f32 v35, v0;
	_ =	sdelay $0x1  }
0x47: {  	v0 =	vmul.f32 $2.000000030e-01, v0;
	_ =	sdelay $0x1  }
0x48: {  	[tilespmem:s23+$0xFFFFFF20] =	vst v0  }
0x49: {  	v0 =	vld [tilespmem:s22+$0xFFFFFB30]  }
0x4a: {  	v36 =	vld [tilespmem:s22+$0xFFFFFD30];
	_ =	sdelay $0x1  }
0x4b: {  	v37 =	vld [tilespmem:s22+$0xFFFFFF30];
	_ =	sdelay $0x1  }
0x4c: {  	v38 =	vld [tilespmem:s22+$0x130]  }
0x4d: {  	v0 =	vadd.f32 v36, v0  }
0x4e: {  	v39 =	vld [tilespmem:s22+$0x330]  }
0x4f: {  	v0 =	vadd.f32 v37, v0  }
0x50: {  	v40 =	vld [tilespmem:s25+$0x40B0]  }
0x51: {  	v0 =	vadd.f32 v38, v0;
	_ =	sdelay $0x1  }
0x52: {  	v0 =	vadd.f32 v39, v0;
	_ =	sdelay $0x1  }
0x53: {  	v0 =	vmul.f32 v40, v0;
	_ =	sdelay $0x1  }
0x54: {  	v0 =	vmul.f32 $2.000000030e-01, v0;
	_ =	sdelay $0x1  }
0x55: {  	[tilespmem:s23+$0xFFFFFF30] =	vst v0  }
0x56: {  	v0 =	vld [tilespmem:s22+$0xFFFFFB40]  }
0x57: {  	v41 =	vld [tilespmem:s22+$0xFFFFFD40];
	_ =	sdelay $0x1  }
0x58: {  	v42 =	vld [tilespmem:s22+$0xFFFFFF40];
	_ =	sdelay $0x1  }
0x59: {  	v43 =	vld [tilespmem:s22+$0x140]  }
0x5a: {  	v0 =	vadd.f32 v41, v0  }
0x5b: {  	v44 =	vld [tilespmem:s22+$0x340]  }
0x5c: {  	v0 =	vadd.f32 v42, v0  }
0x5d: {  	v45 =	vld [tilespmem:s25+$0x40C0]  }
0x5e: {  	v0 =	vadd.f32 v43, v0;
	_ =	sdelay $0x1  }
0x5f: {  	v0 =	vadd.f32 v44, v0;
	_ =	sdelay $0x1  }
0x60: {  	v0 =	vmul.f32 v45, v0;
	_ =	sdelay $0x1  }
0x61: {  	v0 =	vmul.f32 $2.000000030e-01, v0;
	_ =	sdelay $0x1  }
0x62: {  	[tilespmem:s23+$0xFFFFFF40] =	vst v0  }
0x63: {  	v0 =	vld [tilespmem:s22+$0xFFFFFB50]  }
0x64: {  	v46 =	vld [tilespmem:s22+$0xFFFFFD50];
	_ =	sdelay $0x1  }
0x65: {  	v47 =	vld [tilespmem:s22+$0xFFFFFF50];
	_ =	sdelay $0x1  }
0x66: {  	v48 =	vld [tilespmem:s22+$0x150]  }
0x67: {  	v0 =	vadd.f32 v46, v0  }
0x68: {  	v49 =	vld [tilespmem:s22+$0x350]  }
0x69: {  	v0 =	vadd.f32 v47, v0  }
0x6a: {  	v50 =	vld [tilespmem:s25+$0x40D0]  }
0x6b: {  	v0 =	vadd.f32 v48, v0;
	_ =	sdelay $0x1  }
0x6c: {  	v0 =	vadd.f32 v49, v0;
	_ =	sdelay $0x1  }
0x6d: {  	v0 =	vmul.f32 v50, v0;
	_ =	sdelay $0x1  }
0x6e: {  	v0 =	vmul.f32 $2.000000030e-01, v0;
	_ =	sdelay $0x1  }
0x6f: {  	[tilespmem:s23+$0xFFFFFF50] =	vst v0  }
0x70: {  	v0 =	vld [tilespmem:s22+$0xFFFFFB60]  }
0x71: {  	v51 =	vld [tilespmem:s22+$0xFFFFFD60];
	_ =	sdelay $0x1  }
0x72: {  	v52 =	vld [tilespmem:s22+$0xFFFFFF60];
	_ =	sdelay $0x1  }
0x73: {  	v53 =	vld [tilespmem:s22+$0x160]  }
0x74: {  	v0 =	vadd.f32 v51, v0  }
0x75: {  	v54 =	vld [tilespmem:s22+$0x360]  }
0x76: {  	v0 =	vadd.f32 v52, v0  }
0x77: {  	v55 =	vld [tilespmem:s25+$0x40E0]  }
0x78: {  	v0 =	vadd.f32 v53, v0;
	_ =	sdelay $0x1  }
0x79: {  	v0 =	vadd.f32 v54, v0;
	_ =	sdelay $0x1  }
0x7a: {  	v0 =	vmul.f32 v55, v0;
	_ =	sdelay $0x1  }
0x7b: {  	v0 =	vmul.f32 $2.000000030e-01, v0;
	_ =	sdelay $0x1  }
0x7c: {  	[tilespmem:s23+$0xFFFFFF60] =	vst v0  }
0x7d: {  	v0 =	vld [tilespmem:s22+$0xFFFFFB70]  }
0x7e: {  	v56 =	vld [tilespmem:s22+$0xFFFFFD70];
	_ =	sdelay $0x1  }
0x7f: {  	v57 =	vld [tilespmem:s22+$0xFFFFFF70];
	_ =	sdelay $0x1  }
0x80: {  	v58 =	vld [tilespmem:s22+$0x170]  }
0x81: {  	v0 =	vadd.f32 v56, v0  }
0x82: {  	v59 =	vld [tilespmem:s22+$0x370]  }
0x83: {  	v0 =	vadd.f32 v57, v0  }
0x84: {  	v60 =	vld [tilespmem:s25+$0x40F0]  }
0x85: {  	v0 =	vadd.f32 v58, v0;
	_ =	sdelay $0x1  }
0x86: {  	v0 =	vadd.f32 v59, v0;
	_ =	sdelay $0x1  }
0x87: {  	v0 =	vmul.f32 v60, v0;
	_ =	sdelay $0x1  }
0x88: {  	v0 =	vmul.f32 $2.000000030e-01, v0;
	_ =	sdelay $0x1  }
0x89: {  	[tilespmem:s23+$0xFFFFFF70] =	vst v0  }
0x8a: {  	v0 =	vld [tilespmem:s22+$0xFFFFFB80]  }
0x8b: {  	v61 =	vld [tilespmem:s22+$0xFFFFFD80];
	_ =	sdelay $0x1  }
0x8c: {  	v62 =	vld [tilespmem:s22+$0xFFFFFF80];
	_ =	sdelay $0x1  }
0x8d: {  	v63 =	vld [tilespmem:s22+$0x180]  }
0x8e: {  	v0 =	vadd.f32 v61, v0  }
0x8f: {  	v5 =	vld [tilespmem:s22+$0x380]  }
0x90: {  	v0 =	vadd.f32 v62, v0  }
0x91: {  	v6 =	vld [tilespmem:s25+$0x4100]  }
0x92: {  	v0 =	vadd.f32 v63, v0;
	_ =	sdelay $0x1  }
0x93: {  	v0 =	vadd.f32 v5, v0;
	_ =	sdelay $0x1  }
0x94: {  	v0 =	vmul.f32 v6, v0;
	_ =	sdelay $0x1  }
0x95: {  	v0 =	vmul.f32 $2.000000030e-01, v0;
	_ =	sdelay $0x1  }
0x96: {  	[tilespmem:s23+$0xFFFFFF80] =	vst v0  }
0x97: {  	v0 =	vld [tilespmem:s22+$0xFFFFFB90]  }
0x98: {  	v7 =	vld [tilespmem:s22+$0xFFFFFD90];
	_ =	sdelay $0x1  }
0x99: {  	v8 =	vld [tilespmem:s22+$0xFFFFFF90];
	_ =	sdelay $0x1  }
0x9a: {  	v9 =	vld [tilespmem:s22+$0x190]  }
0x9b: {  	v0 =	vadd.f32 v7, v0  }
0x9c: {  	v10 =	vld [tilespmem:s22+$0x390]  }
0x9d: {  	v0 =	vadd.f32 v8, v0  }
0x9e: {  	v11 =	vld [tilespmem:s25+$0x4110]  }
0x9f: {  	v0 =	vadd.f32 v9, v0;
	_ =	sdelay $0x1  }
0xa0: {  	v0 =	vadd.f32 v10, v0;
	_ =	sdelay $0x1  }
0xa1: {  	v0 =	vmul.f32 v11, v0;
	_ =	sdelay $0x1  }
0xa2: {  	v0 =	vmul.f32 $2.000000030e-01, v0;
	_ =	sdelay $0x1  }
0xa3: {  	[tilespmem:s23+$0xFFFFFF90] =	vst v0  }
0xa4: {  	v0 =	vld [tilespmem:s22+$0xFFFFFBA0]  }
0xa5: {  	v12 =	vld [tilespmem:s22+$0xFFFFFDA0];
	_ =	sdelay $0x1  }
0xa6: {  	v13 =	vld [tilespmem:s22+$0xFFFFFFA0];
	_ =	sdelay $0x1  }
0xa7: {  	v14 =	vld [tilespmem:s22+$0x1A0]  }
0xa8: {  	v0 =	vadd.f32 v12, v0  }
0xa9: {  	v15 =	vld [tilespmem:s22+$0x3A0]  }
0xaa: {  	v0 =	vadd.f32 v13, v0  }
0xab: {  	v16 =	vld [tilespmem:s25+$0x4120]  }
0xac: {  	v0 =	vadd.f32 v14, v0;
	_ =	sdelay $0x1  }
0xad: {  	v0 =	vadd.f32 v15, v0;
	_ =	sdelay $0x1  }
0xae: {  	v0 =	vmul.f32 v16, v0;
	_ =	sdelay $0x1  }
0xaf: {  	v0 =	vmul.f32 $2.000000030e-01, v0;
	_ =	sdelay $0x1  }
0xb0: {  	[tilespmem:s23+$0xFFFFFFA0] =	vst v0  }
0xb1: {  	v0 =	vld [tilespmem:s22+$0xFFFFFBB0]  }
0xb2: {  	v17 =	vld [tilespmem:s22+$0xFFFFFDB0];
	_ =	sdelay $0x1  }
0xb3: {  	v18 =	vld [tilespmem:s22+$0xFFFFFFB0];
	_ =	sdelay $0x1  }
0xb4: {  	v19 =	vld [tilespmem:s22+$0x1B0]  }
0xb5: {  	v0 =	vadd.f32 v17, v0  }
0xb6: {  	v20 =	vld [tilespmem:s22+$0x3B0]  }
0xb7: {  	v0 =	vadd.f32 v18, v0  }
0xb8: {  	v21 =	vld [tilespmem:s25+$0x4130]  }
0xb9: {  	v0 =	vadd.f32 v19, v0;
	_ =	sdelay $0x1  }
0xba: {  	v0 =	vadd.f32 v20, v0;
	_ =	sdelay $0x1  }
0xbb: {  	v0 =	vmul.f32 v21, v0;
	_ =	sdelay $0x1  }
0xbc: {  	v0 =	vmul.f32 $2.000000030e-01, v0;
	_ =	sdelay $0x1  }
0xbd: {  	[tilespmem:s23+$0xFFFFFFB0] =	vst v0  }
0xbe: {  	v0 =	vld [tilespmem:s22+$0xFFFFFBC0]  }
0xbf: {  	v22 =	vld [tilespmem:s22+$0xFFFFFDC0];
	_ =	sdelay $0x1  }
0xc0: {  	v23 =	vld [tilespmem:s22+$0xFFFFFFC0];
	_ =	sdelay $0x1  }
0xc1: {  	v24 =	vld [tilespmem:s22+$0x1C0]  }
0xc2: {  	v0 =	vadd.f32 v22, v0  }
0xc3: {  	v25 =	vld [tilespmem:s22+$0x3C0]  }
0xc4: {  	v0 =	vadd.f32 v23, v0  }
0xc5: {  	v26 =	vld [tilespmem:s25+$0x4140]  }
0xc6: {  	v0 =	vadd.f32 v24, v0;
	_ =	sdelay $0x1  }
0xc7: {  	v0 =	vadd.f32 v25, v0;
	_ =	sdelay $0x1  }
0xc8: {  	v0 =	vmul.f32 v26, v0;
	_ =	sdelay $0x1  }
0xc9: {  	v0 =	vmul.f32 $2.000000030e-01, v0;
	_ =	sdelay $0x1  }
0xca: {  	[tilespmem:s23+$0xFFFFFFC0] =	vst v0  }
0xcb: {  	v0 =	vld [tilespmem:s22+$0xFFFFFBD0]  }
0xcc: {  	v27 =	vld [tilespmem:s22+$0xFFFFFDD0];
	_ =	sdelay $0x1  }
0xcd: {  	v28 =	vld [tilespmem:s22+$0xFFFFFFD0];
	_ =	sdelay $0x1  }
0xce: {  	v29 =	vld [tilespmem:s22+$0x1D0]  }
0xcf: {  	v0 =	vadd.f32 v27, v0  }
0xd0: {  	v30 =	vld [tilespmem:s22+$0x3D0]  }
0xd1: {  	v0 =	vadd.f32 v28, v0  }
0xd2: {  	v31 =	vld [tilespmem:s25+$0x4150]  }
0xd3: {  	v0 =	vadd.f32 v29, v0;
	_ =	sdelay $0x1  }
0xd4: {  	v0 =	vadd.f32 v30, v0;
	_ =	sdelay $0x1  }
0xd5: {  	v0 =	vmul.f32 v31, v0;
	_ =	sdelay $0x1  }
0xd6: {  	v0 =	vmul.f32 $2.000000030e-01, v0;
	_ =	sdelay $0x1  }
0xd7: {  	[tilespmem:s23+$0xFFFFFFD0] =	vst v0  }
0xd8: {  	v0 =	vld [tilespmem:s22+$0xFFFFFBE0]  }
0xd9: {  	v32 =	vld [tilespmem:s22+$0xFFFFFDE0];
	_ =	sdelay $0x1  }
0xda: {  	v33 =	vld [tilespmem:s22+$0xFFFFFFE0];
	_ =	sdelay $0x1  }
0xdb: {  	v34 =	vld [tilespmem:s22+$0x1E0]  }
0xdc: {  	v0 =	vadd.f32 v32, v0  }
0xdd: {  	v35 =	vld [tilespmem:s22+$0x3E0]  }
0xde: {  	v0 =	vadd.f32 v33, v0  }
0xdf: {  	v36 =	vld [tilespmem:s25+$0x4160]  }
0xe0: {  	v0 =	vadd.f32 v34, v0;
	_ =	sdelay $0x1  }
0xe1: {  	v0 =	vadd.f32 v35, v0;
	_ =	sdelay $0x1  }
0xe2: {  	v0 =	vmul.f32 v36, v0;
	_ =	sdelay $0x1  }
0xe3: {  	v0 =	vmul.f32 $2.000000030e-01, v0;
	_ =	sdelay $0x1  }
0xe4: {  	[tilespmem:s23+$0xFFFFFFE0] =	vst v0  }
0xe5: {  	v0 =	vld [tilespmem:s22+$0xFFFFFBF0]  }
0xe6: {  	v37 =	vld [tilespmem:s22+$0xFFFFFDF0];
	_ =	sdelay $0x1  }
0xe7: {  	v38 =	vld [tilespmem:s22+$0xFFFFFFF0];
	_ =	sdelay $0x1  }
0xe8: {  	v39 =	vld [tilespmem:s22+$0x1F0]  }
0xe9: {  	v0 =	vadd.f32 v37, v0  }
0xea: {  	v40 =	vld [tilespmem:s22+$0x3F0]  }
0xeb: {  	v0 =	vadd.f32 v38, v0  }
0xec: {  	v41 =	vld [tilespmem:s25+$0x4170]  }
0xed: {  	v0 =	vadd.f32 v39, v0;
	_ =	sdelay $0x1  }
0xee: {  	v0 =	vadd.f32 v40, v0;
	_ =	sdelay $0x1  }
0xef: {  	v0 =	vmul.f32 v41, v0;
	_ =	sdelay $0x1  }
0xf0: {  	v0 =	vmul.f32 $2.000000030e-01, v0;
	_ =	sdelay $0x1  }
0xf1: {  	[tilespmem:s23+$0xFFFFFFF0] =	vst v0  }
0xf2: {  	v0 =	vld [tilespmem:s22+$0xFFFFFC00]  }
0xf3: {  	v42 =	vld [tilespmem:s22+$0xFFFFFE00];
	_ =	sdelay $0x1  }
0xf4: {  	v43 =	vld [tilespmem:s22+$0x0];
	_ =	sdelay $0x1  }
0xf5: {  	v44 =	vld [tilespmem:s22+$0x200]  }
0xf6: {  	v0 =	vadd.f32 v42, v0  }
0xf7: {  	v45 =	vld [tilespmem:s22+$0x400]  }
0xf8: {  	v0 =	vadd.f32 v43, v0  }
0xf9: {  	v46 =	vld [tilespmem:s25+$0x4180]  }
0xfa: {  	v0 =	vadd.f32 v44, v0;
	_ =	sdelay $0x1  }
0xfb: {  	v0 =	vadd.f32 v45, v0;
	_ =	sdelay $0x1  }
0xfc: {  	v0 =	vmul.f32 v46, v0;
	_ =	sdelay $0x1  }
0xfd: {  	v0 =	vmul.f32 $2.000000030e-01, v0;
	_ =	sdelay $0x1  }
0xfe: {  	[tilespmem:s23+$0x0] =	vst v0  }
0xff: {  	v0 =	vld [tilespmem:s22+$0xFFFFFC10]  }
0x100: {  	v47 =	vld [tilespmem:s22+$0xFFFFFE10];
	_ =	sdelay $0x1  }
0x101: {  	v48 =	vld [tilespmem:s22+$0x10];
	_ =	sdelay $0x1  }
0x102: {  	v49 =	vld [tilespmem:s22+$0x210]  }
0x103: {  	v0 =	vadd.f32 v47, v0  }
0x104: {  	v50 =	vld [tilespmem:s22+$0x410]  }
0x105: {  	v0 =	vadd.f32 v48, v0  }
0x106: {  	v51 =	vld [tilespmem:s25+$0x4190]  }
0x107: {  	v0 =	vadd.f32 v49, v0;
	_ =	sdelay $0x1  }
0x108: {  	v0 =	vadd.f32 v50, v0;
	_ =	sdelay $0x1  }
0x109: {  	v0 =	vmul.f32 v51, v0;
	_ =	sdelay $0x1  }
0x10a: {  	v0 =	vmul.f32 $2.000000030e-01, v0;
	_ =	sdelay $0x1  }
0x10b: {  	[tilespmem:s23+$0x10] =	vst v0  }
0x10c: {  	v0 =	vld [tilespmem:s22+$0xFFFFFC20]  }
0x10d: {  	v52 =	vld [tilespmem:s22+$0xFFFFFE20];
	_ =	sdelay $0x1  }
0x10e: {  	v53 =	vld [tilespmem:s22+$0x20];
	_ =	sdelay $0x1  }
0x10f: {  	v54 =	vld [tilespmem:s22+$0x220]  }
0x110: {  	v0 =	vadd.f32 v52, v0  }
0x111: {  	v55 =	vld [tilespmem:s22+$0x420]  }
0x112: {  	v0 =	vadd.f32 v53, v0  }
0x113: {  	v56 =	vld [tilespmem:s25+$0x41A0]  }
0x114: {  	v0 =	vadd.f32 v54, v0;
	_ =	sdelay $0x1  }
0x115: {  	v0 =	vadd.f32 v55, v0;
	_ =	sdelay $0x1  }
0x116: {  	v0 =	vmul.f32 v56, v0;
	_ =	sdelay $0x1  }
0x117: {  	v0 =	vmul.f32 $2.000000030e-01, v0;
	_ =	sdelay $0x1  }
0x118: {  	[tilespmem:s23+$0x20] =	vst v0  }
0x119: {  	v0 =	vld [tilespmem:s22+$0xFFFFFC30]  }
0x11a: {  	v57 =	vld [tilespmem:s22+$0xFFFFFE30];
	_ =	sdelay $0x1  }
0x11b: {  	v58 =	vld [tilespmem:s22+$0x30];
	_ =	sdelay $0x1  }
0x11c: {  	v59 =	vld [tilespmem:s22+$0x230]  }
0x11d: {  	v0 =	vadd.f32 v57, v0  }
0x11e: {  	v60 =	vld [tilespmem:s22+$0x430]  }
0x11f: {  	v0 =	vadd.f32 v58, v0  }
0x120: {  	v61 =	vld [tilespmem:s25+$0x41B0]  }
0x121: {  	v0 =	vadd.f32 v59, v0;
	_ =	sdelay $0x1  }
0x122: {  	v0 =	vadd.f32 v60, v0;
	_ =	sdelay $0x1  }
0x123: {  	v0 =	vmul.f32 v61, v0;
	_ =	sdelay $0x1  }
0x124: {  	v0 =	vmul.f32 $2.000000030e-01, v0;
	_ =	sdelay $0x1  }
0x125: {  	[tilespmem:s23+$0x30] =	vst v0  }
0x126: {  	v0 =	vld [tilespmem:s22+$0xFFFFFC40]  }
0x127: {  	v62 =	vld [tilespmem:s22+$0xFFFFFE40];
	_ =	sdelay $0x1  }
0x128: {  	v63 =	vld [tilespmem:s22+$0x40];
	_ =	sdelay $0x1  }
0x129: {  	v6 =	vld [tilespmem:s22+$0x240]  }
0x12a: {  	v0 =	vadd.f32 v62, v0  }
0x12b: {  	v7 =	vld [tilespmem:s22+$0x440]  }
0x12c: {  	v0 =	vadd.f32 v63, v0  }
0x12d: {  	v8 =	vld [tilespmem:s25+$0x41C0]  }
0x12e: {  	v0 =	vadd.f32 v6, v0;
	_ =	sdelay $0x1  }
0x12f: {  	v0 =	vadd.f32 v7, v0;
	_ =	sdelay $0x1  }
0x130: {  	v0 =	vmul.f32 v8, v0;
	_ =	sdelay $0x1  }
0x131: {  	v0 =	vmul.f32 $2.000000030e-01, v0;
	_ =	sdelay $0x1  }
0x132: {  	[tilespmem:s23+$0x40] =	vst v0  }
0x133: {  	v0 =	vld [tilespmem:s22+$0xFFFFFC50]  }
0x134: {  	v9 =	vld [tilespmem:s22+$0xFFFFFE50];
	_ =	sdelay $0x1  }
0x135: {  	v10 =	vld [tilespmem:s22+$0x50];
	_ =	sdelay $0x1  }
0x136: {  	v11 =	vld [tilespmem:s22+$0x250]  }
0x137: {  	v0 =	vadd.f32 v9, v0  }
0x138: {  	v12 =	vld [tilespmem:s22+$0x450]  }
0x139: {  	v0 =	vadd.f32 v10, v0  }
0x13a: {  	v13 =	vld [tilespmem:s25+$0x41D0]  }
0x13b: {  	v0 =	vadd.f32 v11, v0;
	_ =	sdelay $0x1  }
0x13c: {  	v0 =	vadd.f32 v12, v0;
	_ =	sdelay $0x1  }
0x13d: {  	v0 =	vmul.f32 v13, v0;
	_ =	sdelay $0x1  }
0x13e: {  	v0 =	vmul.f32 $2.000000030e-01, v0;
	_ =	sdelay $0x1  }
0x13f: {  	[tilespmem:s23+$0x50] =	vst v0  }
0x140: {  	v0 =	vld [tilespmem:s22+$0xFFFFFC60]  }
0x141: {  	v14 =	vld [tilespmem:s22+$0xFFFFFE60];
	_ =	sdelay $0x1  }
0x142: {  	v15 =	vld [tilespmem:s22+$0x60];
	_ =	sdelay $0x1  }
0x143: {  	v16 =	vld [tilespmem:s22+$0x260]  }
0x144: {  	v0 =	vadd.f32 v14, v0  }
0x145: {  	v17 =	vld [tilespmem:s22+$0x460]  }
0x146: {  	v0 =	vadd.f32 v15, v0  }
0x147: {  	v18 =	vld [tilespmem:s25+$0x41E0]  }
0x148: {  	v0 =	vadd.f32 v16, v0;
	_ =	sdelay $0x1  }
0x149: {  	v0 =	vadd.f32 v17, v0;
	_ =	sdelay $0x1  }
0x14a: {  	v0 =	vmul.f32 v18, v0;
	_ =	sdelay $0x1  }
0x14b: {  	v0 =	vmul.f32 $2.000000030e-01, v0;
	_ =	sdelay $0x1  }
0x14c: {  	[tilespmem:s23+$0x60] =	vst v0  }
0x14d: {  	v0 =	vld [tilespmem:s22+$0xFFFFFC70]  }
0x14e: {  	v19 =	vld [tilespmem:s22+$0xFFFFFE70];
	_ =	sdelay $0x1  }
0x14f: {  	v20 =	vld [tilespmem:s22+$0x70];
	_ =	sdelay $0x1  }
0x150: {  	v21 =	vld [tilespmem:s22+$0x270]  }
0x151: {  	v0 =	vadd.f32 v19, v0  }
0x152: {  	v22 =	vld [tilespmem:s22+$0x470]  }
0x153: {  	v0 =	vadd.f32 v20, v0  }
0x154: {  	v23 =	vld [tilespmem:s25+$0x41F0]  }
0x155: {  	v0 =	vadd.f32 v21, v0;
	_ =	sdelay $0x1  }
0x156: {  	v0 =	vadd.f32 v22, v0;
	_ =	sdelay $0x1  }
0x157: {  	v0 =	vmul.f32 v23, v0;
	_ =	sdelay $0x1  }
0x158: {  	v0 =	vmul.f32 $2.000000030e-01, v0;
	_ =	sdelay $0x1  }
0x159: {  	[tilespmem:s23+$0x70] =	vst v0  }
0x15a: {  	v0 =	vld [tilespmem:s22+$0xFFFFFC80]  }
0x15b: {  	v24 =	vld [tilespmem:s22+$0xFFFFFE80];
	_ =	sdelay $0x1  }
0x15c: {  	v25 =	vld [tilespmem:s22+$0x80];
	_ =	sdelay $0x1  }
0x15d: {  	v26 =	vld [tilespmem:s22+$0x280]  }
0x15e: {  	v0 =	vadd.f32 v24, v0  }
0x15f: {  	v27 =	vld [tilespmem:s22+$0x480]  }
0x160: {  	v0 =	vadd.f32 v25, v0  }
0x161: {  	v28 =	vld [tilespmem:s25+$0x4200]  }
0x162: {  	v0 =	vadd.f32 v26, v0;
	_ =	sdelay $0x1  }
0x163: {  	v0 =	vadd.f32 v27, v0;
	_ =	sdelay $0x1  }
0x164: {  	v0 =	vmul.f32 v28, v0;
	_ =	sdelay $0x1  }
0x165: {  	v0 =	vmul.f32 $2.000000030e-01, v0;
	_ =	sdelay $0x1  }
0x166: {  	[tilespmem:s23+$0x80] =	vst v0  }
0x167: {  	v0 =	vld [tilespmem:s22+$0xFFFFFC90]  }
0x168: {  	v29 =	vld [tilespmem:s22+$0xFFFFFE90];
	_ =	sdelay $0x1  }
0x169: {  	v30 =	vld [tilespmem:s22+$0x90];
	_ =	sdelay $0x1  }
0x16a: {  	v31 =	vld [tilespmem:s22+$0x290]  }
0x16b: {  	v0 =	vadd.f32 v29, v0  }
0x16c: {  	v32 =	vld [tilespmem:s22+$0x490]  }
0x16d: {  	v0 =	vadd.f32 v30, v0  }
0x16e: {  	v33 =	vld [tilespmem:s25+$0x4210]  }
0x16f: {  	v0 =	vadd.f32 v31, v0;
	_ =	sdelay $0x1  }
0x170: {  	v0 =	vadd.f32 v32, v0;
	_ =	sdelay $0x1  }
0x171: {  	v0 =	vmul.f32 v33, v0;
	_ =	sdelay $0x1  }
0x172: {  	v0 =	vmul.f32 $2.000000030e-01, v0;
	_ =	sdelay $0x1  }
0x173: {  	[tilespmem:s23+$0x90] =	vst v0  }
0x174: {  	v0 =	vld [tilespmem:s22+$0xFFFFFCA0]  }
0x175: {  	v34 =	vld [tilespmem:s22+$0xFFFFFEA0];
	_ =	sdelay $0x1  }
0x176: {  	v35 =	vld [tilespmem:s22+$0xA0];
	_ =	sdelay $0x1  }
0x177: {  	v36 =	vld [tilespmem:s22+$0x2A0]  }
0x178: {  	v0 =	vadd.f32 v34, v0  }
0x179: {  	v37 =	vld [tilespmem:s22+$0x4A0]  }
0x17a: {  	v0 =	vadd.f32 v35, v0  }
0x17b: {  	v38 =	vld [tilespmem:s25+$0x4220]  }
0x17c: {  	v0 =	vadd.f32 v36, v0;
	_ =	sdelay $0x1  }
0x17d: {  	v0 =	vadd.f32 v37, v0;
	_ =	sdelay $0x1  }
0x17e: {  	v0 =	vmul.f32 v38, v0;
	_ =	sdelay $0x1  }
0x17f: {  	v0 =	vmul.f32 $2.000000030e-01, v0;
	_ =	sdelay $0x1  }
0x180: {  	[tilespmem:s23+$0xA0] =	vst v0  }
0x181: {  	v0 =	vld [tilespmem:s22+$0xFFFFFCB0]  }
0x182: {  	v39 =	vld [tilespmem:s22+$0xFFFFFEB0];
	_ =	sdelay $0x1  }
0x183: {  	v40 =	vld [tilespmem:s22+$0xB0];
	_ =	sdelay $0x1  }
0x184: {  	v41 =	vld [tilespmem:s22+$0x2B0]  }
0x185: {  	v0 =	vadd.f32 v39, v0  }
0x186: {  	v42 =	vld [tilespmem:s22+$0x4B0]  }
0x187: {  	v0 =	vadd.f32 v40, v0  }
0x188: {  	v43 =	vld [tilespmem:s25+$0x4230]  }
0x189: {  	v0 =	vadd.f32 v41, v0;
	_ =	sdelay $0x1  }
0x18a: {  	v0 =	vadd.f32 v42, v0;
	_ =	sdelay $0x1  }
0x18b: {  	v0 =	vmul.f32 v43, v0;
	_ =	sdelay $0x1  }
0x18c: {  	v0 =	vmul.f32 $2.000000030e-01, v0;
	_ =	sdelay $0x1  }
0x18d: {  	[tilespmem:s23+$0xB0] =	vst v0  }
0x18e: {  	v0 =	vld [tilespmem:s22+$0xFFFFFCC0]  }
0x18f: {  	v44 =	vld [tilespmem:s22+$0xFFFFFEC0];
	_ =	sdelay $0x1  }
0x190: {  	v45 =	vld [tilespmem:s22+$0xC0];
	_ =	sdelay $0x1  }
0x191: {  	v46 =	vld [tilespmem:s22+$0x2C0]  }
0x192: {  	v0 =	vadd.f32 v44, v0  }
0x193: {  	v47 =	vld [tilespmem:s22+$0x4C0]  }
0x194: {  	v0 =	vadd.f32 v45, v0  }
0x195: {  	v48 =	vld [tilespmem:s25+$0x4240]  }
0x196: {  	v0 =	vadd.f32 v46, v0;
	_ =	sdelay $0x1  }
0x197: {  	v0 =	vadd.f32 v47, v0;
	_ =	sdelay $0x1  }
0x198: {  	v0 =	vmul.f32 v48, v0;
	_ =	sdelay $0x1  }
0x199: {  	v0 =	vmul.f32 $2.000000030e-01, v0;
	_ =	sdelay $0x1  }
0x19a: {  	[tilespmem:s23+$0xC0] =	vst v0  }
0x19b: {  	v0 =	vld [tilespmem:s22+$0xFFFFFCD0]  }
0x19c: {  	v49 =	vld [tilespmem:s22+$0xFFFFFED0];
	_ =	sdelay $0x1  }
0x19d: {  	v50 =	vld [tilespmem:s22+$0xD0];
	_ =	sdelay $0x1  }
0x19e: {  	v51 =	vld [tilespmem:s22+$0x2D0]  }
0x19f: {  	v0 =	vadd.f32 v49, v0  }
0x1a0: {  	v52 =	vld [tilespmem:s22+$0x4D0]  }
0x1a1: {  	v0 =	vadd.f32 v50, v0  }
0x1a2: {  	v53 =	vld [tilespmem:s25+$0x4250]  }
0x1a3: {  	v0 =	vadd.f32 v51, v0;
	_ =	sdelay $0x1  }
0x1a4: {  	v0 =	vadd.f32 v52, v0;
	_ =	sdelay $0x1  }
0x1a5: {  	v0 =	vmul.f32 v53, v0;
	_ =	sdelay $0x1  }
0x1a6: {  	v0 =	vmul.f32 $2.000000030e-01, v0;
	_ =	sdelay $0x1  }
0x1a7: {  	[tilespmem:s23+$0xD0] =	vst v0  }
0x1a8: {  	v0 =	vld [tilespmem:s22+$0xFFFFFCE0]  }
0x1a9: {  	v54 =	vld [tilespmem:s22+$0xFFFFFEE0];
	_ =	sdelay $0x1  }
0x1aa: {  	v55 =	vld [tilespmem:s22+$0xE0];
	_ =	sdelay $0x1  }
0x1ab: {  	v56 =	vld [tilespmem:s22+$0x2E0]  }
0x1ac: {  	v0 =	vadd.f32 v54, v0  }
0x1ad: {  	v57 =	vld [tilespmem:s22+$0x4E0]  }
0x1ae: {  	v0 =	vadd.f32 v55, v0  }
0x1af: {  	v58 =	vld [tilespmem:s25+$0x4260]  }
0x1b0: {  	v0 =	vadd.f32 v56, v0;
	_ =	sdelay $0x1  }
0x1b1: {  	v0 =	vadd.f32 v57, v0;
	_ =	sdelay $0x1  }
0x1b2: {  	v0 =	vmul.f32 v58, v0;
	_ =	sdelay $0x1  }
0x1b3: {  	v0 =	vmul.f32 $2.000000030e-01, v0;
	_ =	sdelay $0x1  }
0x1b4: {  	[tilespmem:s23+$0xE0] =	vst v0  }
0x1b5: {  	v0 =	vld [tilespmem:s22+$0xFFFFFCF0]  }
0x1b6: {  	v59 =	vld [tilespmem:s22+$0xFFFFFEF0];
	_ =	sdelay $0x1  }
0x1b7: {  	v60 =	vld [tilespmem:s22+$0xF0];
	_ =	sdelay $0x1  }
0x1b8: {  	v61 =	vld [tilespmem:s22+$0x2F0]  }
0x1b9: {  	v0 =	vadd.f32 v59, v0  }
0x1ba: {  	v62 =	vld [tilespmem:s22+$0x4F0]  }
0x1bb: {  	v0 =	vadd.f32 v60, v0  }
0x1bc: {  	v63 =	vld [tilespmem:s25+$0x4270]  }
0x1bd: {  	v0 =	vadd.f32 v61, v0;
	_ =	sdelay $0x1  }
0x1be: {  	v0 =	vadd.f32 v62, v0  }
0x1bf: {  	p0 =	sne.s32 s24, $0x4  }
.Ltmp0:
0x1c0: {  	v0 =	vmul.f32 v63, v0;
	(pc) =	sbr.rel @p0 .LBB2_2-.Ltmp0, $3  }
0x1c1: {  	_ = 	snop  }
0x1c2: {  	v0 =	vmul.f32 $2.000000030e-01, v0;
	_ =	sdelay $0x1  }
0x1c3: {  	s24 =	sadd.s32 $0x1, s24;
	s22 =	sadd.s32 $0xA00, s22;
	[tilespmem:s23+$0xF0] =	vst v0;
	s23 =	sadd.s32 $0x200, s23  }
0x1c4: {  	s22 =	simm.s32 $0x0  }
0x1c5: {  	[hbm4b:s7+s22] =	stream.linear.scatter [tilespmem:s19], [sflag:$0x2], $0xA00, $0x38;
	[tilespmem:$0xA080] =	vst v63  }
0x1c6: {  	_ =	swait.ge [sflag:s15], $0xA00  }
0x1c7: {  	[sflag:s15] =	ssyncset.done $0x0  }
0x1c8: {  	[sflag:s15] =	ssyncadd.s32 $0xFFFFF600  }
0x1c9: {  	[tilespmem:s22], [sflag:$0x2] =	stream.linear.gather [hbm4b:s9+s22], $0x80, $0x38;
	[tilespmem:$0xA080] =	vst v63  }
0x1ca: {  	_ =	swait.ge [sflag:s15], $0x80  }
0x1cb: {  	[sflag:s15] =	ssyncset.done $0x0  }
0x1cc: {  	[sflag:s15] =	ssyncadd.s32 $0xFFFFFF80  }
0x1cd: {  	[tilespmem:s17], [sflag:$0x1] =	stream.indirect.gather [hbm4b:s5+s17], $0x80, s22, s17, $0xb8;
	[tilespmem:$0xA080] =	vst v63  }
0x1ce: {  	_ =	swait.ge [sflag:s18], $0x4000  }
0x1cf: {  	[sflag:s18] =	ssyncset.done $0x0  }
0x1d0: {  	s23 =	simm.s32 $0x380;
	s24 =	simm.s32 $0x8D80;
	[sflag:s18] =	ssyncadd.s32 $0xFFFFC000  }
.LBB2_4:
0x1d1: {  	s25 =	sadd.s32 s22, s13;
	v0 =	vld [tilespmem:s23+$0xFFFFFD00]  }
0x1d2: {  	v1 =	vld [tilespmem:s23+$0xFFFFFF00];
	s25 =	smulhi.u32 $0xCCCCCCCD, s25;
	_ =	sdelay $0x1  }
0x1d3: {  	v2 =	vld [tilespmem:s23+$0x100];
	s25 =	sshll.u32 s25, $0x5  }
0x1d4: {  	s25 =	sand.u32 $0x3FFFFE00, s25  }
0x1d5: {  	v3 =	vld [tilespmem:s25+$0x6080]  }
0x1d6: {  	v0 =	vadd.f32 v1, v0;
	_ =	sdelay $0x1  }
0x1d7: {  	v0 =	vadd.f32 v2, v0;
	_ =	sdelay $0x1  }
0x1d8: {  	v0 =	vmul.f32 v3, v0;
	_ =	sdelay $0x1  }
0x1d9: {  	v0 =	vmul.f32 $3.333333430e-01, v0;
	_ =	sdelay $0x1  }
0x1da: {  	[tilespmem:s24+$0xFFFFFF00] =	vst v0  }
0x1db: {  	v0 =	vld [tilespmem:s23+$0xFFFFFD10]  }
0x1dc: {  	v29 =	vld [tilespmem:s23+$0xFFFFFF10];
	_ =	sdelay $0x1  }
0x1dd: {  	v30 =	vld [tilespmem:s23+$0x110];
	_ =	sdelay $0x1  }
0x1de: {  	v31 =	vld [tilespmem:s25+$0x6090]  }
0x1df: {  	v0 =	vadd.f32 v29, v0;
	_ =	sdelay $0x1  }
0x1e0: {  	v0 =	vadd.f32 v30, v0;
	_ =	sdelay $0x1  }
0x1e1: {  	v0 =	vmul.f32 v31, v0;
	_ =	sdelay $0x1  }
0x1e2: {  	v0 =	vmul.f32 $3.333333430e-01, v0;
	_ =	sdelay $0x1  }
0x1e3: {  	[tilespmem:s24+$0xFFFFFF10] =	vst v0  }
0x1e4: {  	v0 =	vld [tilespmem:s23+$0xFFFFFD20]  }
0x1e5: {  	v32 =	vld [tilespmem:s23+$0xFFFFFF20];
	_ =	sdelay $0x1  }
0x1e6: {  	v33 =	vld [tilespmem:s23+$0x120];
	_ =	sdelay $0x1  }
0x1e7: {  	v34 =	vld [tilespmem:s25+$0x60A0]  }
0x1e8: {  	v0 =	vadd.f32 v32, v0;
	_ =	sdelay $0x1  }
0x1e9: {  	v0 =	vadd.f32 v33, v0;
	_ =	sdelay $0x1  }
0x1ea: {  	v0 =	vmul.f32 v34, v0;
	_ =	sdelay $0x1  }
0x1eb: {  	v0 =	vmul.f32 $3.333333430e-01, v0;
	_ =	sdelay $0x1  }
0x1ec: {  	[tilespmem:s24+$0xFFFFFF20] =	vst v0  }
0x1ed: {  	v0 =	vld [tilespmem:s23+$0xFFFFFD30]  }
0x1ee: {  	v35 =	vld [tilespmem:s23+$0xFFFFFF30];
	_ =	sdelay $0x1  }
0x1ef: {  	v36 =	vld [tilespmem:s23+$0x130];
	_ =	sdelay $0x1  }
0x1f0: {  	v37 =	vld [tilespmem:s25+$0x60B0]  }
0x1f1: {  	v0 =	vadd.f32 v35, v0;
	_ =	sdelay $0x1  }
0x1f2: {  	v0 =	vadd.f32 v36, v0;
	_ =	sdelay $0x1  }
0x1f3: {  	v0 =	vmul.f32 v37, v0;
	_ =	sdelay $0x1  }
0x1f4: {  	v0 =	vmul.f32 $3.333333430e-01, v0;
	_ =	sdelay $0x1  }
0x1f5: {  	[tilespmem:s24+$0xFFFFFF30] =	vst v0  }
0x1f6: {  	v0 =	vld [tilespmem:s23+$0xFFFFFD40]  }
0x1f7: {  	v38 =	vld [tilespmem:s23+$0xFFFFFF40];
	_ =	sdelay $0x1  }
0x1f8: {  	v39 =	vld [tilespmem:s23+$0x140];
	_ =	sdelay $0x1  }
0x1f9: {  	v40 =	vld [tilespmem:s25+$0x60C0]  }
0x1fa: {  	v0 =	vadd.f32 v38, v0;
	_ =	sdelay $0x1  }
0x1fb: {  	v0 =	vadd.f32 v39, v0;
	_ =	sdelay $0x1  }
0x1fc: {  	v0 =	vmul.f32 v40, v0;
	_ =	sdelay $0x1  }
0x1fd: {  	v0 =	vmul.f32 $3.333333430e-01, v0;
	_ =	sdelay $0x1  }
0x1fe: {  	[tilespmem:s24+$0xFFFFFF40] =	vst v0  }
0x1ff: {  	v0 =	vld [tilespmem:s23+$0xFFFFFD50]  }
0x200: {  	v41 =	vld [tilespmem:s23+$0xFFFFFF50];
	_ =	sdelay $0x1  }
0x201: {  	v42 =	vld [tilespmem:s23+$0x150];
	_ =	sdelay $0x1  }
0x202: {  	v43 =	vld [tilespmem:s25+$0x60D0]  }
0x203: {  	v0 =	vadd.f32 v41, v0;
	_ =	sdelay $0x1  }
0x204: {  	v0 =	vadd.f32 v42, v0;
	_ =	sdelay $0x1  }
0x205: {  	v0 =	vmul.f32 v43, v0;
	_ =	sdelay $0x1  }
0x206: {  	v0 =	vmul.f32 $3.333333430e-01, v0;
	_ =	sdelay $0x1  }
0x207: {  	[tilespmem:s24+$0xFFFFFF50] =	vst v0  }
0x208: {  	v0 =	vld [tilespmem:s23+$0xFFFFFD60]  }
0x209: {  	v44 =	vld [tilespmem:s23+$0xFFFFFF60];
	_ =	sdelay $0x1  }
0x20a: {  	v45 =	vld [tilespmem:s23+$0x160];
	_ =	sdelay $0x1  }
0x20b: {  	v46 =	vld [tilespmem:s25+$0x60E0]  }
0x20c: {  	v0 =	vadd.f32 v44, v0;
	_ =	sdelay $0x1  }
0x20d: {  	v0 =	vadd.f32 v45, v0;
	_ =	sdelay $0x1  }
0x20e: {  	v0 =	vmul.f32 v46, v0;
	_ =	sdelay $0x1  }
0x20f: {  	v0 =	vmul.f32 $3.333333430e-01, v0;
	_ =	sdelay $0x1  }
0x210: {  	[tilespmem:s24+$0xFFFFFF60] =	vst v0  }
0x211: {  	v0 =	vld [tilespmem:s23+$0xFFFFFD70]  }
0x212: {  	v47 =	vld [tilespmem:s23+$0xFFFFFF70];
	_ =	sdelay $0x1  }
0x213: {  	v48 =	vld [tilespmem:s23+$0x170];
	_ =	sdelay $0x1  }
0x214: {  	v49 =	vld [tilespmem:s25+$0x60F0]  }
0x215: {  	v0 =	vadd.f32 v47, v0;
	_ =	sdelay $0x1  }
0x216: {  	v0 =	vadd.f32 v48, v0;
	_ =	sdelay $0x1  }
0x217: {  	v0 =	vmul.f32 v49, v0;
	_ =	sdelay $0x1  }
0x218: {  	v0 =	vmul.f32 $3.333333430e-01, v0;
	_ =	sdelay $0x1  }
0x219: {  	[tilespmem:s24+$0xFFFFFF70] =	vst v0  }
0x21a: {  	v0 =	vld [tilespmem:s23+$0xFFFFFD80]  }
0x21b: {  	v50 =	vld [tilespmem:s23+$0xFFFFFF80];
	_ =	sdelay $0x1  }
0x21c: {  	v51 =	vld [tilespmem:s23+$0x180];
	_ =	sdelay $0x1  }
0x21d: {  	v52 =	vld [tilespmem:s25+$0x6100]  }
0x21e: {  	v0 =	vadd.f32 v50, v0;
	_ =	sdelay $0x1  }
0x21f: {  	v0 =	vadd.f32 v51, v0;
	_ =	sdelay $0x1  }
0x220: {  	v0 =	vmul.f32 v52, v0;
	_ =	sdelay $0x1  }
0x221: {  	v0 =	vmul.f32 $3.333333430e-01, v0;
	_ =	sdelay $0x1  }
0x222: {  	[tilespmem:s24+$0xFFFFFF80] =	vst v0  }
0x223: {  	v0 =	vld [tilespmem:s23+$0xFFFFFD90]  }
0x224: {  	v53 =	vld [tilespmem:s23+$0xFFFFFF90];
	_ =	sdelay $0x1  }
0x225: {  	v54 =	vld [tilespmem:s23+$0x190];
	_ =	sdelay $0x1  }
0x226: {  	v55 =	vld [tilespmem:s25+$0x6110]  }
0x227: {  	v0 =	vadd.f32 v53, v0;
	_ =	sdelay $0x1  }
0x228: {  	v0 =	vadd.f32 v54, v0;
	_ =	sdelay $0x1  }
0x229: {  	v0 =	vmul.f32 v55, v0;
	_ =	sdelay $0x1  }
0x22a: {  	v0 =	vmul.f32 $3.333333430e-01, v0;
	_ =	sdelay $0x1  }
0x22b: {  	[tilespmem:s24+$0xFFFFFF90] =	vst v0  }
0x22c: {  	v0 =	vld [tilespmem:s23+$0xFFFFFDA0]  }
0x22d: {  	v56 =	vld [tilespmem:s23+$0xFFFFFFA0];
	_ =	sdelay $0x1  }
0x22e: {  	v57 =	vld [tilespmem:s23+$0x1A0];
	_ =	sdelay $0x1  }
0x22f: {  	v58 =	vld [tilespmem:s25+$0x6120]  }
0x230: {  	v0 =	vadd.f32 v56, v0;
	_ =	sdelay $0x1  }
0x231: {  	v0 =	vadd.f32 v57, v0;
	_ =	sdelay $0x1  }
0x232: {  	v0 =	vmul.f32 v58, v0;
	_ =	sdelay $0x1  }
0x233: {  	v0 =	vmul.f32 $3.333333430e-01, v0;
	_ =	sdelay $0x1  }
0x234: {  	[tilespmem:s24+$0xFFFFFFA0] =	vst v0  }
0x235: {  	v0 =	vld [tilespmem:s23+$0xFFFFFDB0]  }
0x236: {  	v59 =	vld [tilespmem:s23+$0xFFFFFFB0];
	_ =	sdelay $0x1  }
0x237: {  	v60 =	vld [tilespmem:s23+$0x1B0];
	_ =	sdelay $0x1  }
0x238: {  	v61 =	vld [tilespmem:s25+$0x6130]  }
0x239: {  	v0 =	vadd.f32 v59, v0;
	_ =	sdelay $0x1  }
0x23a: {  	v0 =	vadd.f32 v60, v0;
	_ =	sdelay $0x1  }
0x23b: {  	v0 =	vmul.f32 v61, v0;
	_ =	sdelay $0x1  }
0x23c: {  	v0 =	vmul.f32 $3.333333430e-01, v0;
	_ =	sdelay $0x1  }
0x23d: {  	[tilespmem:s24+$0xFFFFFFB0] =	vst v0  }
0x23e: {  	v0 =	vld [tilespmem:s23+$0xFFFFFDC0]  }
0x23f: {  	v62 =	vld [tilespmem:s23+$0xFFFFFFC0];
	_ =	sdelay $0x1  }
0x240: {  	v63 =	vld [tilespmem:s23+$0x1C0];
	_ =	sdelay $0x1  }
0x241: {  	v6 =	vld [tilespmem:s25+$0x6140]  }
0x242: {  	v0 =	vadd.f32 v62, v0;
	_ =	sdelay $0x1  }
0x243: {  	v0 =	vadd.f32 v63, v0;
	_ =	sdelay $0x1  }
0x244: {  	v0 =	vmul.f32 v6, v0;
	_ =	sdelay $0x1  }
0x245: {  	v0 =	vmul.f32 $3.333333430e-01, v0;
	_ =	sdelay $0x1  }
0x246: {  	[tilespmem:s24+$0xFFFFFFC0] =	vst v0  }
0x247: {  	v0 =	vld [tilespmem:s23+$0xFFFFFDD0]  }
0x248: {  	v7 =	vld [tilespmem:s23+$0xFFFFFFD0];
	_ =	sdelay $0x1  }
0x249: {  	v8 =	vld [tilespmem:s23+$0x1D0];
	_ =	sdelay $0x1  }
0x24a: {  	v9 =	vld [tilespmem:s25+$0x6150]  }
0x24b: {  	v0 =	vadd.f32 v7, v0;
	_ =	sdelay $0x1  }
0x24c: {  	v0 =	vadd.f32 v8, v0;
	_ =	sdelay $0x1  }
0x24d: {  	v0 =	vmul.f32 v9, v0;
	_ =	sdelay $0x1  }
0x24e: {  	v0 =	vmul.f32 $3.333333430e-01, v0;
	_ =	sdelay $0x1  }
0x24f: {  	[tilespmem:s24+$0xFFFFFFD0] =	vst v0  }
0x250: {  	v0 =	vld [tilespmem:s23+$0xFFFFFDE0]  }
0x251: {  	v10 =	vld [tilespmem:s23+$0xFFFFFFE0];
	_ =	sdelay $0x1  }
0x252: {  	v11 =	vld [tilespmem:s23+$0x1E0];
	_ =	sdelay $0x1  }
0x253: {  	v12 =	vld [tilespmem:s25+$0x6160]  }
0x254: {  	v0 =	vadd.f32 v10, v0;
	_ =	sdelay $0x1  }
0x255: {  	v0 =	vadd.f32 v11, v0;
	_ =	sdelay $0x1  }
0x256: {  	v0 =	vmul.f32 v12, v0;
	_ =	sdelay $0x1  }
0x257: {  	v0 =	vmul.f32 $3.333333430e-01, v0;
	_ =	sdelay $0x1  }
0x258: {  	[tilespmem:s24+$0xFFFFFFE0] =	vst v0  }
0x259: {  	v0 =	vld [tilespmem:s23+$0xFFFFFDF0]  }
0x25a: {  	v13 =	vld [tilespmem:s23+$0xFFFFFFF0];
	_ =	sdelay $0x1  }
0x25b: {  	v14 =	vld [tilespmem:s23+$0x1F0];
	_ =	sdelay $0x1  }
0x25c: {  	v15 =	vld [tilespmem:s25+$0x6170]  }
0x25d: {  	v0 =	vadd.f32 v13, v0;
	_ =	sdelay $0x1  }
0x25e: {  	v0 =	vadd.f32 v14, v0;
	_ =	sdelay $0x1  }
0x25f: {  	v0 =	vmul.f32 v15, v0;
	_ =	sdelay $0x1  }
0x260: {  	v0 =	vmul.f32 $3.333333430e-01, v0;
	_ =	sdelay $0x1  }
0x261: {  	[tilespmem:s24+$0xFFFFFFF0] =	vst v0  }
0x262: {  	v0 =	vld [tilespmem:s23+$0xFFFFFE00]  }
0x263: {  	v16 =	vld [tilespmem:s23+$0x0];
	_ =	sdelay $0x1  }
0x264: {  	v17 =	vld [tilespmem:s23+$0x200];
	_ =	sdelay $0x1  }
0x265: {  	v18 =	vld [tilespmem:s25+$0x6180]  }
0x266: {  	v0 =	vadd.f32 v16, v0;
	_ =	sdelay $0x1  }
0x267: {  	v0 =	vadd.f32 v17, v0;
	_ =	sdelay $0x1  }
0x268: {  	v0 =	vmul.f32 v18, v0;
	_ =	sdelay $0x1  }
0x269: {  	v0 =	vmul.f32 $3.333333430e-01, v0;
	_ =	sdelay $0x1  }
0x26a: {  	[tilespmem:s24+$0x0] =	vst v0  }
0x26b: {  	v0 =	vld [tilespmem:s23+$0xFFFFFE10]  }
0x26c: {  	v19 =	vld [tilespmem:s23+$0x10];
	_ =	sdelay $0x1  }
0x26d: {  	v20 =	vld [tilespmem:s23+$0x210];
	_ =	sdelay $0x1  }
0x26e: {  	v21 =	vld [tilespmem:s25+$0x6190]  }
0x26f: {  	v0 =	vadd.f32 v19, v0;
	_ =	sdelay $0x1  }
0x270: {  	v0 =	vadd.f32 v20, v0;
	_ =	sdelay $0x1  }
0x271: {  	v0 =	vmul.f32 v21, v0;
	_ =	sdelay $0x1  }
0x272: {  	v0 =	vmul.f32 $3.333333430e-01, v0;
	_ =	sdelay $0x1  }
0x273: {  	[tilespmem:s24+$0x10] =	vst v0  }
0x274: {  	v0 =	vld [tilespmem:s23+$0xFFFFFE20]  }
0x275: {  	v22 =	vld [tilespmem:s23+$0x20];
	_ =	sdelay $0x1  }
0x276: {  	v23 =	vld [tilespmem:s23+$0x220];
	_ =	sdelay $0x1  }
0x277: {  	v24 =	vld [tilespmem:s25+$0x61A0]  }
0x278: {  	v0 =	vadd.f32 v22, v0;
	_ =	sdelay $0x1  }
0x279: {  	v0 =	vadd.f32 v23, v0;
	_ =	sdelay $0x1  }
0x27a: {  	v0 =	vmul.f32 v24, v0;
	_ =	sdelay $0x1  }
0x27b: {  	v0 =	vmul.f32 $3.333333430e-01, v0;
	_ =	sdelay $0x1  }
0x27c: {  	[tilespmem:s24+$0x20] =	vst v0  }
0x27d: {  	v0 =	vld [tilespmem:s23+$0xFFFFFE30]  }
0x27e: {  	v25 =	vld [tilespmem:s23+$0x30];
	_ =	sdelay $0x1  }
0x27f: {  	v26 =	vld [tilespmem:s23+$0x230];
	_ =	sdelay $0x1  }
0x280: {  	v27 =	vld [tilespmem:s25+$0x61B0]  }
0x281: {  	v0 =	vadd.f32 v25, v0;
	_ =	sdelay $0x1  }
0x282: {  	v0 =	vadd.f32 v26, v0;
	_ =	sdelay $0x1  }
0x283: {  	v0 =	vmul.f32 v27, v0;
	_ =	sdelay $0x1  }
0x284: {  	v0 =	vmul.f32 $3.333333430e-01, v0;
	_ =	sdelay $0x1  }
0x285: {  	[tilespmem:s24+$0x30] =	vst v0  }
0x286: {  	v0 =	vld [tilespmem:s23+$0xFFFFFE40]  }
0x287: {  	v28 =	vld [tilespmem:s23+$0x40];
	_ =	sdelay $0x1  }
0x288: {  	v29 =	vld [tilespmem:s23+$0x240];
	_ =	sdelay $0x1  }
0x289: {  	v30 =	vld [tilespmem:s25+$0x61C0]  }
0x28a: {  	v0 =	vadd.f32 v28, v0;
	_ =	sdelay $0x1  }
0x28b: {  	v0 =	vadd.f32 v29, v0;
	_ =	sdelay $0x1  }
0x28c: {  	v0 =	vmul.f32 v30, v0;
	_ =	sdelay $0x1  }
0x28d: {  	v0 =	vmul.f32 $3.333333430e-01, v0;
	_ =	sdelay $0x1  }
0x28e: {  	[tilespmem:s24+$0x40] =	vst v0  }
0x28f: {  	v0 =	vld [tilespmem:s23+$0xFFFFFE50]  }
0x290: {  	v31 =	vld [tilespmem:s23+$0x50];
	_ =	sdelay $0x1  }
0x291: {  	v32 =	vld [tilespmem:s23+$0x250];
	_ =	sdelay $0x1  }
0x292: {  	v33 =	vld [tilespmem:s25+$0x61D0]  }
0x293: {  	v0 =	vadd.f32 v31, v0;
	_ =	sdelay $0x1  }
0x294: {  	v0 =	vadd.f32 v32, v0;
	_ =	sdelay $0x1  }
0x295: {  	v0 =	vmul.f32 v33, v0;
	_ =	sdelay $0x1  }
0x296: {  	v0 =	vmul.f32 $3.333333430e-01, v0;
	_ =	sdelay $0x1  }
0x297: {  	[tilespmem:s24+$0x50] =	vst v0  }
0x298: {  	v0 =	vld [tilespmem:s23+$0xFFFFFE60]  }
0x299: {  	v34 =	vld [tilespmem:s23+$0x60];
	_ =	sdelay $0x1  }
0x29a: {  	v35 =	vld [tilespmem:s23+$0x260];
	_ =	sdelay $0x1  }
0x29b: {  	v36 =	vld [tilespmem:s25+$0x61E0]  }
0x29c: {  	v0 =	vadd.f32 v34, v0;
	_ =	sdelay $0x1  }
0x29d: {  	v0 =	vadd.f32 v35, v0;
	_ =	sdelay $0x1  }
0x29e: {  	v0 =	vmul.f32 v36, v0;
	_ =	sdelay $0x1  }
0x29f: {  	v0 =	vmul.f32 $3.333333430e-01, v0;
	_ =	sdelay $0x1  }
0x2a0: {  	[tilespmem:s24+$0x60] =	vst v0  }
0x2a1: {  	v0 =	vld [tilespmem:s23+$0xFFFFFE70]  }
0x2a2: {  	v37 =	vld [tilespmem:s23+$0x70];
	_ =	sdelay $0x1  }
0x2a3: {  	v38 =	vld [tilespmem:s23+$0x270];
	_ =	sdelay $0x1  }
0x2a4: {  	v39 =	vld [tilespmem:s25+$0x61F0]  }
0x2a5: {  	v0 =	vadd.f32 v37, v0;
	_ =	sdelay $0x1  }
0x2a6: {  	v0 =	vadd.f32 v38, v0;
	_ =	sdelay $0x1  }
0x2a7: {  	v0 =	vmul.f32 v39, v0;
	_ =	sdelay $0x1  }
0x2a8: {  	v0 =	vmul.f32 $3.333333430e-01, v0;
	_ =	sdelay $0x1  }
0x2a9: {  	[tilespmem:s24+$0x70] =	vst v0  }
0x2aa: {  	v0 =	vld [tilespmem:s23+$0xFFFFFE80]  }
0x2ab: {  	v40 =	vld [tilespmem:s23+$0x80];
	_ =	sdelay $0x1  }
0x2ac: {  	v41 =	vld [tilespmem:s23+$0x280];
	_ =	sdelay $0x1  }
0x2ad: {  	v42 =	vld [tilespmem:s25+$0x6200]  }
0x2ae: {  	v0 =	vadd.f32 v40, v0;
	_ =	sdelay $0x1  }
0x2af: {  	v0 =	vadd.f32 v41, v0;
	_ =	sdelay $0x1  }
0x2b0: {  	v0 =	vmul.f32 v42, v0;
	_ =	sdelay $0x1  }
0x2b1: {  	v0 =	vmul.f32 $3.333333430e-01, v0;
	_ =	sdelay $0x1  }
0x2b2: {  	[tilespmem:s24+$0x80] =	vst v0  }
0x2b3: {  	v0 =	vld [tilespmem:s23+$0xFFFFFE90]  }
0x2b4: {  	v43 =	vld [tilespmem:s23+$0x90];
	_ =	sdelay $0x1  }
0x2b5: {  	v44 =	vld [tilespmem:s23+$0x290];
	_ =	sdelay $0x1  }
0x2b6: {  	v45 =	vld [tilespmem:s25+$0x6210]  }
0x2b7: {  	v0 =	vadd.f32 v43, v0;
	_ =	sdelay $0x1  }
0x2b8: {  	v0 =	vadd.f32 v44, v0;
	_ =	sdelay $0x1  }
0x2b9: {  	v0 =	vmul.f32 v45, v0;
	_ =	sdelay $0x1  }
0x2ba: {  	v0 =	vmul.f32 $3.333333430e-01, v0;
	_ =	sdelay $0x1  }
0x2bb: {  	[tilespmem:s24+$0x90] =	vst v0  }
0x2bc: {  	v0 =	vld [tilespmem:s23+$0xFFFFFEA0]  }
0x2bd: {  	v46 =	vld [tilespmem:s23+$0xA0];
	_ =	sdelay $0x1  }
0x2be: {  	v47 =	vld [tilespmem:s23+$0x2A0];
	_ =	sdelay $0x1  }
0x2bf: {  	v48 =	vld [tilespmem:s25+$0x6220]  }
0x2c0: {  	v0 =	vadd.f32 v46, v0;
	_ =	sdelay $0x1  }
0x2c1: {  	v0 =	vadd.f32 v47, v0;
	_ =	sdelay $0x1  }
0x2c2: {  	v0 =	vmul.f32 v48, v0;
	_ =	sdelay $0x1  }
0x2c3: {  	v0 =	vmul.f32 $3.333333430e-01, v0;
	_ =	sdelay $0x1  }
0x2c4: {  	[tilespmem:s24+$0xA0] =	vst v0  }
0x2c5: {  	v0 =	vld [tilespmem:s23+$0xFFFFFEB0]  }
0x2c6: {  	v49 =	vld [tilespmem:s23+$0xB0];
	_ =	sdelay $0x1  }
0x2c7: {  	v50 =	vld [tilespmem:s23+$0x2B0];
	_ =	sdelay $0x1  }
0x2c8: {  	v51 =	vld [tilespmem:s25+$0x6230]  }
0x2c9: {  	v0 =	vadd.f32 v49, v0;
	_ =	sdelay $0x1  }
0x2ca: {  	v0 =	vadd.f32 v50, v0;
	_ =	sdelay $0x1  }
0x2cb: {  	v0 =	vmul.f32 v51, v0;
	_ =	sdelay $0x1  }
0x2cc: {  	v0 =	vmul.f32 $3.333333430e-01, v0;
	_ =	sdelay $0x1  }
0x2cd: {  	[tilespmem:s24+$0xB0] =	vst v0  }
0x2ce: {  	v0 =	vld [tilespmem:s23+$0xFFFFFEC0]  }
0x2cf: {  	v52 =	vld [tilespmem:s23+$0xC0];
	_ =	sdelay $0x1  }
0x2d0: {  	v53 =	vld [tilespmem:s23+$0x2C0];
	_ =	sdelay $0x1  }
0x2d1: {  	v54 =	vld [tilespmem:s25+$0x6240]  }
0x2d2: {  	v0 =	vadd.f32 v52, v0;
	_ =	sdelay $0x1  }
0x2d3: {  	v0 =	vadd.f32 v53, v0;
	_ =	sdelay $0x1  }
0x2d4: {  	v0 =	vmul.f32 v54, v0;
	_ =	sdelay $0x1  }
0x2d5: {  	v0 =	vmul.f32 $3.333333430e-01, v0;
	_ =	sdelay $0x1  }
0x2d6: {  	[tilespmem:s24+$0xC0] =	vst v0  }
0x2d7: {  	v0 =	vld [tilespmem:s23+$0xFFFFFED0]  }
0x2d8: {  	v55 =	vld [tilespmem:s23+$0xD0];
	_ =	sdelay $0x1  }
0x2d9: {  	v56 =	vld [tilespmem:s23+$0x2D0];
	_ =	sdelay $0x1  }
0x2da: {  	v57 =	vld [tilespmem:s25+$0x6250]  }
0x2db: {  	v0 =	vadd.f32 v55, v0;
	_ =	sdelay $0x1  }
0x2dc: {  	v0 =	vadd.f32 v56, v0;
	_ =	sdelay $0x1  }
0x2dd: {  	v0 =	vmul.f32 v57, v0;
	_ =	sdelay $0x1  }
0x2de: {  	v0 =	vmul.f32 $3.333333430e-01, v0;
	_ =	sdelay $0x1  }
0x2df: {  	[tilespmem:s24+$0xD0] =	vst v0  }
0x2e0: {  	v0 =	vld [tilespmem:s23+$0xFFFFFEE0]  }
0x2e1: {  	v58 =	vld [tilespmem:s23+$0xE0];
	_ =	sdelay $0x1  }
0x2e2: {  	v59 =	vld [tilespmem:s23+$0x2E0];
	_ =	sdelay $0x1  }
0x2e3: {  	v60 =	vld [tilespmem:s25+$0x6260]  }
0x2e4: {  	v0 =	vadd.f32 v58, v0;
	_ =	sdelay $0x1  }
0x2e5: {  	v0 =	vadd.f32 v59, v0;
	_ =	sdelay $0x1  }
0x2e6: {  	v0 =	vmul.f32 v60, v0;
	_ =	sdelay $0x1  }
0x2e7: {  	v0 =	vmul.f32 $3.333333430e-01, v0;
	_ =	sdelay $0x1  }
0x2e8: {  	[tilespmem:s24+$0xE0] =	vst v0  }
0x2e9: {  	v0 =	vld [tilespmem:s23+$0xFFFFFEF0]  }
0x2ea: {  	v61 =	vld [tilespmem:s23+$0xF0];
	_ =	sdelay $0x1  }
0x2eb: {  	v62 =	vld [tilespmem:s23+$0x2F0];
	_ =	sdelay $0x1  }
0x2ec: {  	v63 =	vld [tilespmem:s25+$0x6270]  }
0x2ed: {  	v0 =	vadd.f32 v61, v0;
	_ =	sdelay $0x1  }
0x2ee: {  	v0 =	vadd.f32 v62, v0  }
0x2ef: {  	p0 =	sne.s32 s22, $0x9  }
.Ltmp1:
0x2f0: {  	v0 =	vmul.f32 v63, v0;
	(pc) =	sbr.rel @p0 .LBB2_4-.Ltmp1, $3  }
0x2f1: {  	_ = 	snop  }
0x2f2: {  	v0 =	vmul.f32 $3.333333430e-01, v0;
	_ =	sdelay $0x1  }
0x2f3: {  	s22 =	sadd.s32 $0x1, s22;
	s23 =	sadd.s32 $0x600, s23;
	[tilespmem:s24+$0xF0] =	vst v0;
	s24 =	sadd.s32 $0x200, s24  }
0x2f4: {  	s21 =	sadd.s32 $0x1, s21  }
0x2f5: {  	p0 =	sne.s32 s21, s11  }
.Ltmp2:
0x2f6: {  	_ = 	snop;
	(pc) =	sbr.rel @p0 .LBB2_1-.Ltmp2, $4  }
0x2f7: {  	[hbm4b:s10+s3] =	stream.linear.scatter [tilespmem:s20], [sflag:$0x2], $0x1400, $0x38;
	[tilespmem:$0xA080] =	vst v63  }
0x2f8: {  	_ =	swait.ge [sflag:s15], $0x1400  }
0x2f9: {  	[sflag:s15] =	ssyncset.done $0x0  }
0x2fa: {  	[sflag:s15] =	ssyncadd.s32 $0xFFFFEC00  }
0x2fb: {  	_ =	sfence.sel $0x180000  }
0x2fc: {  	[bflag:$0x0] =	sbarrier.arrive $0xFFFF  }
0x2fd: {  	p0 =	sne.s32 s2, $0x0;
	_ =	strace $0x90000047  }
0x2fe: {  	s0 =	sadd.s32 @!p0 $0x100000, s0;
	[bflag:$0x2] =	sbarrier.arrive $0xFFFF  }
0x2ff: {  	[sflag:s0] =	ssyncadd.tile.s32 @!p0 $0x1;
	_ =	shalt  }
.Lfunc_end2:
_tile_overlayer_lowered:
.L_overlay_start_2:
0x300: {  	(tag) =	ssettag $0x2  }
0x301: {  	s0 =	rddreg [dreg:$0x0];
	s2 =	stileid.u32  }
0x302: {  	s1 =	rddreg [dreg:$0x1];
	p0 =	sne.s32 s2, $0x0  }
0x303: {  	s3 =	rddreg [dreg:$0x2];
	[bflag:$0x3] =	sbarrier.arrive $0xFFFF;
	s2 =	simm.s32 @!p0 $0x1C02  }
0x304: {  	[timem:s3], [sflag:s2] =	dma.local @!p0 [hbm:s0], s1  }
0x305: {  	s0 =	simm.s32 @!p0 $0x2  }
0x306: {  	_ =	swait.ge @!p0 [sflag:s0], s1  }
0x307: {  	s1 =	ssub.s32 @!p0 $0x0, s1;
	[sflag:s0] =	ssyncset.done @!p0 $0x0  }
0x308: {  	[sflag:s0] =	ssyncadd.s32 @!p0 s1  }
0x309: {  	[bflag:$0x3] =	sbarrier.arrive $0xFFFF  }
0x30a: {  	_ =	shalt  }

</sc_bundles>
